<compile_context>
chip_gen: v7x
topology: tpu7x:2x2x1
jax: 0.10.2.dev20260603
libtpu: 0.0.44.dev20260713+nightly
codegen_flags: <defaults>
</compile_context>

<pallas_src>
import functools

import jax
import jax.numpy as jnp
from jax import lax
from jax.experimental import pallas as pl
from jax.experimental.pallas import tpu as pltpu
from jax.experimental.pallas import tpu_sc as plsc

_DESIRED_SIZE = 448.0
_ALPHA = 0.5
_PENALTY_WEIGHT = 0.015
_EPS = 1e-7

_NC = 2
_NS = 16
_NW = _NC * _NS
_L = 16

_B = 16
_R = 20000
_N_BOXES = _B * _R
_CM = 19968
_CPW = _CM // 16
_DMA_COLS = 1280
_GROUPS = 8 * (_CPW // _L)

_mesh = plsc.VectorSubcoreMesh(
    core_axis_name="c", subcore_axis_name="s", num_cores=_NC, num_subcores=_NS
)


@functools.partial(
    pl.kernel,
    out_type=jax.ShapeDtypeStruct((_NW, 8, _L), jnp.float32),
    mesh=_mesh,
    scratch_types=[
        pltpu.VMEM((8, _DMA_COLS), jnp.float32),
        pltpu.VMEM((8, _DMA_COLS), jnp.float32),
        pltpu.VMEM((8, _DMA_COLS), jnp.float32),
        pltpu.VMEM((8, _DMA_COLS), jnp.float32),
        pltpu.VMEM((8, 4, _DMA_COLS), jnp.float32),
        pltpu.VMEM((8, _L), jnp.float32),
    ],
    compiler_params=pltpu.CompilerParams(
        needs_layout_passes=False, use_tc_tiling_on_sc=True,
        skip_device_barrier=True),
)
def _loss_partials(pred_hbm, tgt_hbm, out_hbm,
                   x1v, y1v, x2v, y2v, tgt_v, acc_v):
    wid = lax.axis_index("s") * _NC + lax.axis_index("c")
    o = wid % 2
    k = wid // 2
    c0 = k * _CPW
    o0 = (c0 // 128) * 128
    rel0 = c0 - o0
    for c, dst in enumerate((x1v, y1v, x2v, y2v)):
        pltpu.sync_copy(
            pred_hbm.at[c, pl.ds(8 * o, 8), pl.ds(o0, _DMA_COLS)], dst)
    for b in range(8):
        pltpu.sync_copy(
            tgt_hbm.at[8 * o + b, pl.ds(0, 4), pl.ds(o0, _DMA_COLS)],
            tgt_v.at[b])

    zeros = jnp.zeros((_L,), jnp.float32)
    init = (zeros, zeros, zeros, zeros, zeros, zeros)

    @plsc.parallel_loop(0, _CPW // _L, 1, unroll=2, carry=init)
    def _acc(j, carry):
        a_d, a_sl, a_sq, a_p, a_n, a_e = carry
        col = rel0 + j * _L
        for b in range(8):
            x1 = x1v[b, pl.ds(col, _L)]
            y1 = y1v[b, pl.ds(col, _L)]
            x2 = x2v[b, pl.ds(col, _L)]
            y2 = y2v[b, pl.ds(col, _L)]
            tx1 = tgt_v[b, 0, pl.ds(col, _L)]
            ty1 = tgt_v[b, 1, pl.ds(col, _L)]
            tx2 = tgt_v[b, 2, pl.ds(col, _L)]
            ty2 = tgt_v[b, 3, pl.ds(col, _L)]

            pred_area = jnp.maximum(x2 - x1, 0.0) * jnp.maximum(y2 - y1, 0.0)
            tgt_area = jnp.maximum(tx2 - tx1, 0.0) * jnp.maximum(ty2 - ty1, 0.0)
            inter = jnp.maximum(jnp.minimum(x2, tx2) - jnp.maximum(x1, tx1), 0.0) * \
                jnp.maximum(jnp.minimum(y2, ty2) - jnp.maximum(y1, ty1), 0.0)
            union_e = pred_area + tgt_area - inter + _EPS
            sx = (x1 + x2) - (tx1 + tx2)
            sy = (y1 + y2) - (ty1 + ty2)
            cdist = 0.25 * (sx * sx + sy * sy)
            ew = jnp.maximum(x2, tx2) - jnp.minimum(x1, tx1)
            eh = jnp.maximum(y2, ty2) - jnp.minimum(y1, ty1)
            diag_e = ew * ew + eh * eh + _EPS
            a_d = a_d + (cdist * union_e - inter * diag_e) / (union_e * diag_e)

            for p, t in ((x1, tx1), (y1, ty1), (x2, tx2), (y2, ty2)):
                ad = jnp.abs(p - t)
                cc = jnp.minimum(ad, 1.0)
                a_sl = a_sl + (ad - cc)
                a_sq = a_sq + cc * cc

            xd = x1 - x2
            yd = y1 - y2
            a_p = a_p + jnp.maximum(xd, 0.0) + jnp.maximum(yd, 0.0)
            a_p = a_p + jnp.where(xd >= 1.0, 1.0, 0.0)
            a_p = a_p + jnp.where(yd >= 1.0, 1.0, 0.0)
            for v in (x1, y1, x2, y2):
                a_n = a_n + jnp.minimum(v, 0.0)
                a_e = a_e + jnp.maximum(v, _DESIRED_SIZE)

        return a_d, a_sl, a_sq, a_p, a_n, a_e

    a_d, a_sl, a_sq, a_p, a_n, a_e = _acc
    acc_v[0, :] = a_d
    acc_v[1, :] = a_sl
    acc_v[2, :] = a_sq
    acc_v[3, :] = a_p
    acc_v[4, :] = a_n
    acc_v[5, :] = a_e - (4.0 * _DESIRED_SIZE * _GROUPS)
    acc_v[6, :] = zeros
    acc_v[7, :] = zeros
    pltpu.sync_copy(acc_v, out_hbm.at[wid])


def _sums6(x1, y1, x2, y2, tx1, ty1, tx2, ty2):
    pred_area = jnp.maximum(x2 - x1, 0.0) * jnp.maximum(y2 - y1, 0.0)
    tgt_area = jnp.maximum(tx2 - tx1, 0.0) * jnp.maximum(ty2 - ty1, 0.0)
    inter = jnp.maximum(jnp.minimum(x2, tx2) - jnp.maximum(x1, tx1), 0.0) * \
        jnp.maximum(jnp.minimum(y2, ty2) - jnp.maximum(y1, ty1), 0.0)
    union_e = pred_area + tgt_area - inter + _EPS
    sx = (x1 + x2) - (tx1 + tx2)
    sy = (y1 + y2) - (ty1 + ty2)
    cdist = 0.25 * (sx * sx + sy * sy)
    ew = jnp.maximum(x2, tx2) - jnp.minimum(x1, tx1)
    eh = jnp.maximum(y2, ty2) - jnp.minimum(y1, ty1)
    diag_e = ew * ew + eh * eh + _EPS
    s0 = jnp.sum((cdist * union_e - inter * diag_e) / (union_e * diag_e))
    s1 = 0.0
    s2 = 0.0
    for p, t in ((x1, tx1), (y1, ty1), (x2, tx2), (y2, ty2)):
        ad = jnp.abs(p - t)
        cc = jnp.minimum(ad, 1.0)
        s1 = s1 + jnp.sum(ad - cc)
        s2 = s2 + jnp.sum(cc * cc)
    xd = x1 - x2
    yd = y1 - y2
    s3 = jnp.sum(jnp.maximum(xd, 0.0) + jnp.maximum(yd, 0.0)
                 + jnp.where(xd >= 1.0, 1.0, 0.0)
                 + jnp.where(yd >= 1.0, 1.0, 0.0))
    s4 = 0.0
    s5 = 0.0
    for v in (x1, y1, x2, y2):
        s4 = s4 + jnp.sum(jnp.minimum(v, 0.0))
        s5 = s5 + jnp.sum(jnp.maximum(v - _DESIRED_SIZE, 0.0))
    return jnp.stack([s0, s1, s2, s3, s4, s5, 0.0, 0.0])


def kernel(pred_boxes, target_boxes):
    pred_cols = jnp.transpose(pred_boxes, (2, 0, 1))
    tgt_cols = jnp.transpose(target_boxes, (0, 2, 1))
    parts = _loss_partials(pred_cols, tgt_cols)
    tp = pred_boxes[:, _CM:, :]
    tt = target_boxes[:, _CM:, :]
    tail = _sums6(tp[..., 0], tp[..., 1], tp[..., 2], tp[..., 3],
                  tt[..., 0], tt[..., 1], tt[..., 2], tt[..., 3])
    s = jnp.sum(parts, axis=(0, 2)) + tail
    dl = 1.0 + s[0] / _N_BOXES
    sl = (s[1] + 0.5 * s[2]) / (_N_BOXES * 4)
    pen = (s[3] - s[4] + s[5]) / _DESIRED_SIZE
    return _ALPHA * dl + (1.0 - _ALPHA) * sl + _PENALTY_WEIGHT * pen

# --- scband reference (transcript-rebuilt; emitter-appended) ---
"""Pipeline reference for scband-combined-loss-63170378990200 (READ-ONLY COPY).

The authoritative reference and input builder live on the scoring server;
editing this copy changes nothing except your own understanding.
"""

import jax, jax.numpy as jnp
import numpy as np

DESIRED_SIZE = 448.0
ALPHA = 0.5
PENALTY_WEIGHT = 0.015


def setup_inputs(seed: int = 0) -> dict:
    key = jax.random.key(seed)
    k1, k2 = jax.random.split(key)
    pred_boxes = jax.random.uniform(k1, (16, 20000, 5), dtype=jnp.float32)
    target_boxes = jax.random.uniform(k2, (16, 20000, 4), dtype=jnp.float32)
    return {"pred_boxes": pred_boxes, "target_boxes": target_boxes}


def coordinate_penalty_loss(pred_flat):
    x1 = pred_flat[..., 0]
    y1 = pred_flat[..., 1]
    x2 = pred_flat[..., 2]
    y2 = pred_flat[..., 3]
    x_penalty = jax.nn.relu(x1 - x2) + (x1 >= x2 + 1.0).astype(jnp.float32)
    y_penalty = jax.nn.relu(y1 - y2) + (y1 >= y2 + 1.0).astype(jnp.float32)
    penalty = jnp.sum(x_penalty) + jnp.sum(y_penalty)
    neg = (jax.nn.relu(-x1) + jax.nn.relu(-y1) + jax.nn.relu(-x2) + jax.nn.relu(-y2))
    exc = (jax.nn.relu(x1 - DESIRED_SIZE) + jax.nn.relu(y1 - DESIRED_SIZE)
           + jax.nn.relu(x2 - DESIRED_SIZE) + jax.nn.relu(y2 - DESIRED_SIZE))
    total_penalty = jnp.sum(neg + exc)
    return penalty + total_penalty


def diou_loss(pred_boxes, target_boxes, eps=1e-7):
    pred_area = jnp.clip(pred_boxes[..., 2] - pred_boxes[..., 0], 0) * jnp.clip(pred_boxes[..., 3] - pred_boxes[..., 1], 0)
    target_area = jnp.clip(target_boxes[..., 2] - target_boxes[..., 0], 0) * jnp.clip(target_boxes[..., 3] - target_boxes[..., 1], 0)
    inter_x1 = jnp.maximum(pred_boxes[..., 0], target_boxes[..., 0])
    inter_y1 = jnp.maximum(pred_boxes[..., 1], target_boxes[..., 1])
    inter_x2 = jnp.minimum(pred_boxes[..., 2], target_boxes[..., 2])
    inter_y2 = jnp.minimum(pred_boxes[..., 3], target_boxes[..., 3])
    inter_area = jnp.clip(inter_x2 - inter_x1, 0) * jnp.clip(inter_y2 - inter_y1, 0)
    union_area = pred_area + target_area - inter_area
    iou = inter_area / (union_area + eps)
    pred_cx = (pred_boxes[..., 0] + pred_boxes[..., 2]) / 2
    pred_cy = (pred_boxes[..., 1] + pred_boxes[..., 3]) / 2
    tgt_cx = (target_boxes[..., 0] + target_boxes[..., 2]) / 2
    tgt_cy = (target_boxes[..., 1] + target_boxes[..., 3]) / 2
    center_dist = (pred_cx - tgt_cx) ** 2 + (pred_cy - tgt_cy) ** 2
    enc_x1 = jnp.minimum(pred_boxes[..., 0], target_boxes[..., 0])
    enc_y1 = jnp.minimum(pred_boxes[..., 1], target_boxes[..., 1])
    enc_x2 = jnp.maximum(pred_boxes[..., 2], target_boxes[..., 2])
    enc_y2 = jnp.maximum(pred_boxes[..., 3], target_boxes[..., 3])
    enc_diag = (enc_x2 - enc_x1) ** 2 + (enc_y2 - enc_y1) ** 2
    diou = iou - center_dist / (enc_diag + eps)
    return 1.0 - diou


def smooth_l1(pred, target):
    d = pred - target
    ad = jnp.abs(d)
    return jnp.mean(jnp.where(ad < 1.0, 0.5 * d * d, ad - 0.5))


def reference(pred_boxes, target_boxes):
    pred_trim = pred_boxes[..., :4]
    pred_flat = pred_trim.reshape(-1, 4)
    penalty = coordinate_penalty_loss(pred_flat) / DESIRED_SIZE
    dl = jnp.mean(diou_loss(pred_trim, target_boxes))
    sl = smooth_l1(pred_trim, target_boxes)
    return ALPHA * dl + (1.0 - ALPHA) * sl + PENALTY_WEIGHT * penalty

if __name__ == "__main__":
    import jax
    _d = setup_inputs()
    print(jax.jit(kernel)(*tuple(_d.values())))

</pallas_src>

<mosaic_0001>
#map = affine_map<(d0, d1) -> (0, 0, 0)>
module attributes {stable_mosaic.version = 14 : i64} {
  func.func @_loss_partials(%arg0: i32, %arg1: i32, %arg2: memref<5x16x20000xf32, #tpu.memory_space<hbm>>, %arg3: memref<16x4x20000xf32, #tpu.memory_space<hbm>>, %arg4: memref<32x8x16xf32, #tpu.memory_space<hbm>>, %arg5: memref<8x1280xf32, #tpu.memory_space<vmem>>, %arg6: memref<8x1280xf32, #tpu.memory_space<vmem>>, %arg7: memref<8x1280xf32, #tpu.memory_space<vmem>>, %arg8: memref<8x1280xf32, #tpu.memory_space<vmem>>, %arg9: memref<8x4x1280xf32, #tpu.memory_space<vmem>>, %arg10: memref<8x16xf32, #tpu.memory_space<vmem>>) attributes {dimension_semantics = [#tpu.dimension_semantics<core_parallel>, #tpu.dimension_semantics<subcore_parallel>], iteration_bounds = array<i64: 2, 16>, scalar_prefetch = 0 : i64, scratch_operands = 6 : i64, tpu.core_type = #tpu.core_type<sc_vector_subcore>, window_params = [{transform_indices = #map}, {transform_indices = #map}, {transform_indices = #map}]} {
    %mul3A = arith.constant 2 : i32
    %mul3A_0 = arith.muli %arg1, %mul3A : i32
    %add3A = arith.addi %mul3A_0, %arg0 : i32
    %jit3A = arith.constant 2 : i32
    %eq3A = arith.constant 0 : i32
    %eq3A_1 = arith.cmpi eq, %jit3A, %eq3A : i32
    %jit3A_2 = arith.constant 1 : i32
    %select_n3A = arith.select %eq3A_1, %jit3A_2, %jit3A : i32
    %rem3A = arith.remsi %add3A, %select_n3A : i32
    %ne3A = arith.constant 0 : i32
    %ne3A_3 = arith.cmpi ne, %rem3A, %ne3A : i32
    %lt3A = arith.constant 0 : i32
    %lt3A_4 = arith.cmpi slt, %rem3A, %lt3A : i32
    %lt3A_5 = arith.constant 0 : i32
    %lt3A_6 = arith.cmpi slt, %select_n3A, %lt3A_5 : i32
    %ne3A_7 = arith.xori %lt3A_4, %lt3A_6 : i1
    %and3A = arith.andi %ne3A_7, %ne3A_3 : i1
    %add3A_8 = arith.addi %rem3A, %select_n3A : i32
    %select_n3A_9 = arith.select %and3A, %add3A_8, %rem3A : i32
    %jit3A_10 = arith.constant 2 : i32
    %div3A = arith.divsi %add3A, %jit3A_10 : i32
    %sign3A = arith.constant 0 : i32
    %sign3A_11 = arith.cmpi sgt, %add3A, %sign3A : i32
    %sign3A_12 = arith.extui %sign3A_11 : i1 to i32
    %sign3A_13 = arith.constant 0 : i32
    %sign3A_14 = arith.cmpi slt, %add3A, %sign3A_13 : i32
    %sign3A_15 = arith.extui %sign3A_14 : i1 to i32
    %sign3A_16 = arith.subi %sign3A_12, %sign3A_15 : i32
    %sign3A_17 = arith.constant 0 : i32
    %sign3A_18 = arith.cmpi sgt, %jit3A_10, %sign3A_17 : i32
    %sign3A_19 = arith.extui %sign3A_18 : i1 to i32
    %sign3A_20 = arith.constant 0 : i32
    %sign3A_21 = arith.cmpi slt, %jit3A_10, %sign3A_20 : i32
    %sign3A_22 = arith.extui %sign3A_21 : i1 to i32
    %sign3A_23 = arith.subi %sign3A_19, %sign3A_22 : i32
    %ne3A_24 = arith.cmpi ne, %sign3A_16, %sign3A_23 : i32
    %rem3A_25 = arith.remsi %add3A, %jit3A_10 : i32
    %ne3A_26 = arith.constant 0 : i32
    %ne3A_27 = arith.cmpi ne, %rem3A_25, %ne3A_26 : i32
    %and3A_28 = arith.andi %ne3A_24, %ne3A_27 : i1
    %sub3A = arith.constant 1 : i32
    %sub3A_29 = arith.subi %div3A, %sub3A : i32
    %select_n3A_30 = arith.select %and3A_28, %sub3A_29, %div3A : i32
    %mul3A_31 = arith.constant 1248 : i32
    %mul3A_32 = arith.muli %select_n3A_30, %mul3A_31 : i32
    %jit3A_33 = arith.constant 128 : i32
    %div3A_34 = arith.divsi %mul3A_32, %jit3A_33 : i32
    %sign3A_35 = arith.constant 0 : i32
    %sign3A_36 = arith.cmpi sgt, %mul3A_32, %sign3A_35 : i32
    %sign3A_37 = arith.extui %sign3A_36 : i1 to i32
    %sign3A_38 = arith.constant 0 : i32
    %sign3A_39 = arith.cmpi slt, %mul3A_32, %sign3A_38 : i32
    %sign3A_40 = arith.extui %sign3A_39 : i1 to i32
    %sign3A_41 = arith.subi %sign3A_37, %sign3A_40 : i32
    %sign3A_42 = arith.constant 0 : i32
    %sign3A_43 = arith.cmpi sgt, %jit3A_33, %sign3A_42 : i32
    %sign3A_44 = arith.extui %sign3A_43 : i1 to i32
    %sign3A_45 = arith.constant 0 : i32
    %sign3A_46 = arith.cmpi slt, %jit3A_33, %sign3A_45 : i32
    %sign3A_47 = arith.extui %sign3A_46 : i1 to i32
    %sign3A_48 = arith.subi %sign3A_44, %sign3A_47 : i32
    %ne3A_49 = arith.cmpi ne, %sign3A_41, %sign3A_48 : i32
    %rem3A_50 = arith.remsi %mul3A_32, %jit3A_33 : i32
    %ne3A_51 = arith.constant 0 : i32
    %ne3A_52 = arith.cmpi ne, %rem3A_50, %ne3A_51 : i32
    %and3A_53 = arith.andi %ne3A_49, %ne3A_52 : i1
    %sub3A_54 = arith.constant 1 : i32
    %sub3A_55 = arith.subi %div3A_34, %sub3A_54 : i32
    %select_n3A_56 = arith.select %and3A_53, %sub3A_55, %div3A_34 : i32
    %mul3A_57 = arith.constant 128 : i32
    %mul3A_58 = arith.muli %select_n3A_56, %mul3A_57 : i32
    %sub3A_59 = arith.subi %mul3A_32, %mul3A_58 : i32
    %mul3A_60 = arith.constant 8 : i32
    %mul3A_61 = arith.muli %mul3A_60, %select_n3A_9 : i32
    %run_scoped3A = arith.constant 0 : i32
    "tpu.region"() ({
      %run_scoped3A_149 = tpu.sem_alloc : memref<!tpu.dma_semaphore, #tpu.memory_space<semaphore_mem>>
      %dma_start3A = tpu.memref_slice %arg2[%run_scoped3A, %mul3A_61, %mul3A_58] : memref<5x16x20000xf32, #tpu.memory_space<hbm>> -> memref<1x8x1280xf32, #tpu.memory_space<hbm>>
      %dma_start3A_150 = tpu.memref_squeeze %dma_start3A : memref<1x8x1280xf32, #tpu.memory_space<hbm>> -> memref<8x1280xf32, #tpu.memory_space<hbm>>
      %dma_start3A_151 = tpu.memref_slice %arg2[%run_scoped3A, %mul3A_61, %mul3A_58] : memref<5x16x20000xf32, #tpu.memory_space<hbm>> -> memref<1x8x1280xf32, #tpu.memory_space<hbm>>
      %dma_start3A_152 = tpu.memref_squeeze %dma_start3A_151 : memref<1x8x1280xf32, #tpu.memory_space<hbm>> -> memref<8x1280xf32, #tpu.memory_space<hbm>>
      tpu.enqueue_dma source(%dma_start3A_152 : memref<8x1280xf32, #tpu.memory_space<hbm>>) target(%arg5 : memref<8x1280xf32, #tpu.memory_space<vmem>>) target_semaphore(%run_scoped3A_149 : memref<!tpu.dma_semaphore, #tpu.memory_space<semaphore_mem>>)
      %dma_wait3A = tpu.memref_slice %arg2[%run_scoped3A, %mul3A_61, %mul3A_58] : memref<5x16x20000xf32, #tpu.memory_space<hbm>> -> memref<1x8x1280xf32, #tpu.memory_space<hbm>>
      %dma_wait3A_153 = tpu.memref_squeeze %dma_wait3A : memref<1x8x1280xf32, #tpu.memory_space<hbm>> -> memref<8x1280xf32, #tpu.memory_space<hbm>>
      %dma_wait3A_154 = tpu.memref_slice %arg2[%run_scoped3A, %mul3A_61, %mul3A_58] : memref<5x16x20000xf32, #tpu.memory_space<hbm>> -> memref<1x8x1280xf32, #tpu.memory_space<hbm>>
      %dma_wait3A_155 = tpu.memref_squeeze %dma_wait3A_154 : memref<1x8x1280xf32, #tpu.memory_space<hbm>> -> memref<8x1280xf32, #tpu.memory_space<hbm>>
      tpu.wait_dma2 semaphore(%run_scoped3A_149 : memref<!tpu.dma_semaphore, #tpu.memory_space<semaphore_mem>>) src(%dma_wait3A_155 : memref<8x1280xf32, #tpu.memory_space<hbm>>) dst(%arg5 : memref<8x1280xf32, #tpu.memory_space<vmem>>)
      tpu.yield
    }) : () -> ()
    %mul3A_62 = arith.constant 8 : i32
    %mul3A_63 = arith.muli %mul3A_62, %select_n3A_9 : i32
    %run_scoped3A_64 = arith.constant 1 : i32
    "tpu.region"() ({
      %run_scoped3A_149 = tpu.sem_alloc : memref<!tpu.dma_semaphore, #tpu.memory_space<semaphore_mem>>
      %dma_start3A = tpu.memref_slice %arg2[%run_scoped3A_64, %mul3A_63, %mul3A_58] : memref<5x16x20000xf32, #tpu.memory_space<hbm>> -> memref<1x8x1280xf32, #tpu.memory_space<hbm>>
      %dma_start3A_150 = tpu.memref_squeeze %dma_start3A : memref<1x8x1280xf32, #tpu.memory_space<hbm>> -> memref<8x1280xf32, #tpu.memory_space<hbm>>
      %dma_start3A_151 = tpu.memref_slice %arg2[%run_scoped3A_64, %mul3A_63, %mul3A_58] : memref<5x16x20000xf32, #tpu.memory_space<hbm>> -> memref<1x8x1280xf32, #tpu.memory_space<hbm>>
      %dma_start3A_152 = tpu.memref_squeeze %dma_start3A_151 : memref<1x8x1280xf32, #tpu.memory_space<hbm>> -> memref<8x1280xf32, #tpu.memory_space<hbm>>
      tpu.enqueue_dma source(%dma_start3A_152 : memref<8x1280xf32, #tpu.memory_space<hbm>>) target(%arg6 : memref<8x1280xf32, #tpu.memory_space<vmem>>) target_semaphore(%run_scoped3A_149 : memref<!tpu.dma_semaphore, #tpu.memory_space<semaphore_mem>>)
      %dma_wait3A = tpu.memref_slice %arg2[%run_scoped3A_64, %mul3A_63, %mul3A_58] : memref<5x16x20000xf32, #tpu.memory_space<hbm>> -> memref<1x8x1280xf32, #tpu.memory_space<hbm>>
      %dma_wait3A_153 = tpu.memref_squeeze %dma_wait3A : memref<1x8x1280xf32, #tpu.memory_space<hbm>> -> memref<8x1280xf32, #tpu.memory_space<hbm>>
      %dma_wait3A_154 = tpu.memref_slice %arg2[%run_scoped3A_64, %mul3A_63, %mul3A_58] : memref<5x16x20000xf32, #tpu.memory_space<hbm>> -> memref<1x8x1280xf32, #tpu.memory_space<hbm>>
      %dma_wait3A_155 = tpu.memref_squeeze %dma_wait3A_154 : memref<1x8x1280xf32, #tpu.memory_space<hbm>> -> memref<8x1280xf32, #tpu.memory_space<hbm>>
      tpu.wait_dma2 semaphore(%run_scoped3A_149 : memref<!tpu.dma_semaphore, #tpu.memory_space<semaphore_mem>>) src(%dma_wait3A_155 : memref<8x1280xf32, #tpu.memory_space<hbm>>) dst(%arg6 : memref<8x1280xf32, #tpu.memory_space<vmem>>)
      tpu.yield
    }) : () -> ()
    %mul3A_65 = arith.constant 8 : i32
    %mul3A_66 = arith.muli %mul3A_65, %select_n3A_9 : i32
    %run_scoped3A_67 = arith.constant 2 : i32
    "tpu.region"() ({
      %run_scoped3A_149 = tpu.sem_alloc : memref<!tpu.dma_semaphore, #tpu.memory_space<semaphore_mem>>
      %dma_start3A = tpu.memref_slice %arg2[%run_scoped3A_67, %mul3A_66, %mul3A_58] : memref<5x16x20000xf32, #tpu.memory_space<hbm>> -> memref<1x8x1280xf32, #tpu.memory_space<hbm>>
      %dma_start3A_150 = tpu.memref_squeeze %dma_start3A : memref<1x8x1280xf32, #tpu.memory_space<hbm>> -> memref<8x1280xf32, #tpu.memory_space<hbm>>
      %dma_start3A_151 = tpu.memref_slice %arg2[%run_scoped3A_67, %mul3A_66, %mul3A_58] : memref<5x16x20000xf32, #tpu.memory_space<hbm>> -> memref<1x8x1280xf32, #tpu.memory_space<hbm>>
      %dma_start3A_152 = tpu.memref_squeeze %dma_start3A_151 : memref<1x8x1280xf32, #tpu.memory_space<hbm>> -> memref<8x1280xf32, #tpu.memory_space<hbm>>
      tpu.enqueue_dma source(%dma_start3A_152 : memref<8x1280xf32, #tpu.memory_space<hbm>>) target(%arg7 : memref<8x1280xf32, #tpu.memory_space<vmem>>) target_semaphore(%run_scoped3A_149 : memref<!tpu.dma_semaphore, #tpu.memory_space<semaphore_mem>>)
      %dma_wait3A = tpu.memref_slice %arg2[%run_scoped3A_67, %mul3A_66, %mul3A_58] : memref<5x16x20000xf32, #tpu.memory_space<hbm>> -> memref<1x8x1280xf32, #tpu.memory_space<hbm>>
      %dma_wait3A_153 = tpu.memref_squeeze %dma_wait3A : memref<1x8x1280xf32, #tpu.memory_space<hbm>> -> memref<8x1280xf32, #tpu.memory_space<hbm>>
      %dma_wait3A_154 = tpu.memref_slice %arg2[%run_scoped3A_67, %mul3A_66, %mul3A_58] : memref<5x16x20000xf32, #tpu.memory_space<hbm>> -> memref<1x8x1280xf32, #tpu.memory_space<hbm>>
      %dma_wait3A_155 = tpu.memref_squeeze %dma_wait3A_154 : memref<1x8x1280xf32, #tpu.memory_space<hbm>> -> memref<8x1280xf32, #tpu.memory_space<hbm>>
      tpu.wait_dma2 semaphore(%run_scoped3A_149 : memref<!tpu.dma_semaphore, #tpu.memory_space<semaphore_mem>>) src(%dma_wait3A_155 : memref<8x1280xf32, #tpu.memory_space<hbm>>) dst(%arg7 : memref<8x1280xf32, #tpu.memory_space<vmem>>)
      tpu.yield
    }) : () -> ()
    %mul3A_68 = arith.constant 8 : i32
    %mul3A_69 = arith.muli %mul3A_68, %select_n3A_9 : i32
    %run_scoped3A_70 = arith.constant 3 : i32
    "tpu.region"() ({
      %run_scoped3A_149 = tpu.sem_alloc : memref<!tpu.dma_semaphore, #tpu.memory_space<semaphore_mem>>
      %dma_start3A = tpu.memref_slice %arg2[%run_scoped3A_70, %mul3A_69, %mul3A_58] : memref<5x16x20000xf32, #tpu.memory_space<hbm>> -> memref<1x8x1280xf32, #tpu.memory_space<hbm>>
      %dma_start3A_150 = tpu.memref_squeeze %dma_start3A : memref<1x8x1280xf32, #tpu.memory_space<hbm>> -> memref<8x1280xf32, #tpu.memory_space<hbm>>
      %dma_start3A_151 = tpu.memref_slice %arg2[%run_scoped3A_70, %mul3A_69, %mul3A_58] : memref<5x16x20000xf32, #tpu.memory_space<hbm>> -> memref<1x8x1280xf32, #tpu.memory_space<hbm>>
      %dma_start3A_152 = tpu.memref_squeeze %dma_start3A_151 : memref<1x8x1280xf32, #tpu.memory_space<hbm>> -> memref<8x1280xf32, #tpu.memory_space<hbm>>
      tpu.enqueue_dma source(%dma_start3A_152 : memref<8x1280xf32, #tpu.memory_space<hbm>>) target(%arg8 : memref<8x1280xf32, #tpu.memory_space<vmem>>) target_semaphore(%run_scoped3A_149 : memref<!tpu.dma_semaphore, #tpu.memory_space<semaphore_mem>>)
      %dma_wait3A = tpu.memref_slice %arg2[%run_scoped3A_70, %mul3A_69, %mul3A_58] : memref<5x16x20000xf32, #tpu.memory_space<hbm>> -> memref<1x8x1280xf32, #tpu.memory_space<hbm>>
      %dma_wait3A_153 = tpu.memref_squeeze %dma_wait3A : memref<1x8x1280xf32, #tpu.memory_space<hbm>> -> memref<8x1280xf32, #tpu.memory_space<hbm>>
      %dma_wait3A_154 = tpu.memref_slice %arg2[%run_scoped3A_70, %mul3A_69, %mul3A_58] : memref<5x16x20000xf32, #tpu.memory_space<hbm>> -> memref<1x8x1280xf32, #tpu.memory_space<hbm>>
      %dma_wait3A_155 = tpu.memref_squeeze %dma_wait3A_154 : memref<1x8x1280xf32, #tpu.memory_space<hbm>> -> memref<8x1280xf32, #tpu.memory_space<hbm>>
      tpu.wait_dma2 semaphore(%run_scoped3A_149 : memref<!tpu.dma_semaphore, #tpu.memory_space<semaphore_mem>>) src(%dma_wait3A_155 : memref<8x1280xf32, #tpu.memory_space<hbm>>) dst(%arg8 : memref<8x1280xf32, #tpu.memory_space<vmem>>)
      tpu.yield
    }) : () -> ()
    %mul3A_71 = arith.constant 8 : i32
    %mul3A_72 = arith.muli %mul3A_71, %select_n3A_9 : i32
    %add3A_73 = arith.constant 0 : i32
    %add3A_74 = arith.addi %mul3A_72, %add3A_73 : i32
    %run_scoped3A_75 = arith.constant 0 : i32
    "tpu.region"() ({
      %run_scoped3A_149 = tpu.sem_alloc : memref<!tpu.dma_semaphore, #tpu.memory_space<semaphore_mem>>
      %dma_start3A = arith.constant 0 : i32
      %dma_start3A_150 = arith.constant 0 : i32
      %dma_start3A_151 = tpu.memref_slice %arg9[%run_scoped3A_75, %dma_start3A, %dma_start3A_150] : memref<8x4x1280xf32, #tpu.memory_space<vmem>> -> memref<1x4x1280xf32, #tpu.memory_space<vmem>>
      %dma_start3A_152 = tpu.memref_squeeze %dma_start3A_151 : memref<1x4x1280xf32, #tpu.memory_space<vmem>> -> memref<4x1280xf32, #tpu.memory_space<vmem>>
      %dma_start3A_153 = arith.constant 0 : i32
      %dma_start3A_154 = tpu.memref_slice %arg3[%add3A_74, %dma_start3A_153, %mul3A_58] : memref<16x4x20000xf32, #tpu.memory_space<hbm>> -> memref<1x4x1280xf32, #tpu.memory_space<hbm>>
      %dma_start3A_155 = tpu.memref_squeeze %dma_start3A_154 : memref<1x4x1280xf32, #tpu.memory_space<hbm>> -> memref<4x1280xf32, #tpu.memory_space<hbm>>
      %dma_start3A_156 = arith.constant 0 : i32
      %dma_start3A_157 = arith.constant 0 : i32
      %dma_start3A_158 = tpu.memref_slice %arg9[%run_scoped3A_75, %dma_start3A_156, %dma_start3A_157] : memref<8x4x1280xf32, #tpu.memory_space<vmem>> -> memref<1x4x1280xf32, #tpu.memory_space<vmem>>
      %dma_start3A_159 = tpu.memref_squeeze %dma_start3A_158 : memref<1x4x1280xf32, #tpu.memory_space<vmem>> -> memref<4x1280xf32, #tpu.memory_space<vmem>>
      %dma_start3A_160 = arith.constant 0 : i32
      %dma_start3A_161 = tpu.memref_slice %arg3[%add3A_74, %dma_start3A_160, %mul3A_58] : memref<16x4x20000xf32, #tpu.memory_space<hbm>> -> memref<1x4x1280xf32, #tpu.memory_space<hbm>>
      %dma_start3A_162 = tpu.memref_squeeze %dma_start3A_161 : memref<1x4x1280xf32, #tpu.memory_space<hbm>> -> memref<4x1280xf32, #tpu.memory_space<hbm>>
      tpu.enqueue_dma source(%dma_start3A_162 : memref<4x1280xf32, #tpu.memory_space<hbm>>) target(%dma_start3A_159 : memref<4x1280xf32, #tpu.memory_space<vmem>>) target_semaphore(%run_scoped3A_149 : memref<!tpu.dma_semaphore, #tpu.memory_space<semaphore_mem>>)
      %dma_wait3A = arith.constant 0 : i32
      %dma_wait3A_163 = arith.constant 0 : i32
      %dma_wait3A_164 = tpu.memref_slice %arg9[%run_scoped3A_75, %dma_wait3A, %dma_wait3A_163] : memref<8x4x1280xf32, #tpu.memory_space<vmem>> -> memref<1x4x1280xf32, #tpu.memory_space<vmem>>
      %dma_wait3A_165 = tpu.memref_squeeze %dma_wait3A_164 : memref<1x4x1280xf32, #tpu.memory_space<vmem>> -> memref<4x1280xf32, #tpu.memory_space<vmem>>
      %dma_wait3A_166 = arith.constant 0 : i32
      %dma_wait3A_167 = tpu.memref_slice %arg3[%add3A_74, %dma_wait3A_166, %mul3A_58] : memref<16x4x20000xf32, #tpu.memory_space<hbm>> -> memref<1x4x1280xf32, #tpu.memory_space<hbm>>
      %dma_wait3A_168 = tpu.memref_squeeze %dma_wait3A_167 : memref<1x4x1280xf32, #tpu.memory_space<hbm>> -> memref<4x1280xf32, #tpu.memory_space<hbm>>
      %dma_wait3A_169 = arith.constant 0 : i32
      %dma_wait3A_170 = arith.constant 0 : i32
      %dma_wait3A_171 = tpu.memref_slice %arg9[%run_scoped3A_75, %dma_wait3A_169, %dma_wait3A_170] : memref<8x4x1280xf32, #tpu.memory_space<vmem>> -> memref<1x4x1280xf32, #tpu.memory_space<vmem>>
      %dma_wait3A_172 = tpu.memref_squeeze %dma_wait3A_171 : memref<1x4x1280xf32, #tpu.memory_space<vmem>> -> memref<4x1280xf32, #tpu.memory_space<vmem>>
      %dma_wait3A_173 = arith.constant 0 : i32
      %dma_wait3A_174 = tpu.memref_slice %arg3[%add3A_74, %dma_wait3A_173, %mul3A_58] : memref<16x4x20000xf32, #tpu.memory_space<hbm>> -> memref<1x4x1280xf32, #tpu.memory_space<hbm>>
      %dma_wait3A_175 = tpu.memref_squeeze %dma_wait3A_174 : memref<1x4x1280xf32, #tpu.memory_space<hbm>> -> memref<4x1280xf32, #tpu.memory_space<hbm>>
      tpu.wait_dma2 semaphore(%run_scoped3A_149 : memref<!tpu.dma_semaphore, #tpu.memory_space<semaphore_mem>>) src(%dma_wait3A_175 : memref<4x1280xf32, #tpu.memory_space<hbm>>) dst(%dma_wait3A_172 : memref<4x1280xf32, #tpu.memory_space<vmem>>)
      tpu.yield
    }) : () -> ()
    %mul3A_76 = arith.constant 8 : i32
    %mul3A_77 = arith.muli %mul3A_76, %select_n3A_9 : i32
    %add3A_78 = arith.constant 1 : i32
    %add3A_79 = arith.addi %mul3A_77, %add3A_78 : i32
    %run_scoped3A_80 = arith.constant 1 : i32
    "tpu.region"() ({
      %run_scoped3A_149 = tpu.sem_alloc : memref<!tpu.dma_semaphore, #tpu.memory_space<semaphore_mem>>
      %dma_start3A = arith.constant 0 : i32
      %dma_start3A_150 = arith.constant 0 : i32
      %dma_start3A_151 = tpu.memref_slice %arg9[%run_scoped3A_80, %dma_start3A, %dma_start3A_150] : memref<8x4x1280xf32, #tpu.memory_space<vmem>> -> memref<1x4x1280xf32, #tpu.memory_space<vmem>>
      %dma_start3A_152 = tpu.memref_squeeze %dma_start3A_151 : memref<1x4x1280xf32, #tpu.memory_space<vmem>> -> memref<4x1280xf32, #tpu.memory_space<vmem>>
      %dma_start3A_153 = arith.constant 0 : i32
      %dma_start3A_154 = tpu.memref_slice %arg3[%add3A_79, %dma_start3A_153, %mul3A_58] : memref<16x4x20000xf32, #tpu.memory_space<hbm>> -> memref<1x4x1280xf32, #tpu.memory_space<hbm>>
      %dma_start3A_155 = tpu.memref_squeeze %dma_start3A_154 : memref<1x4x1280xf32, #tpu.memory_space<hbm>> -> memref<4x1280xf32, #tpu.memory_space<hbm>>
      %dma_start3A_156 = arith.constant 0 : i32
      %dma_start3A_157 = arith.constant 0 : i32
      %dma_start3A_158 = tpu.memref_slice %arg9[%run_scoped3A_80, %dma_start3A_156, %dma_start3A_157] : memref<8x4x1280xf32, #tpu.memory_space<vmem>> -> memref<1x4x1280xf32, #tpu.memory_space<vmem>>
      %dma_start3A_159 = tpu.memref_squeeze %dma_start3A_158 : memref<1x4x1280xf32, #tpu.memory_space<vmem>> -> memref<4x1280xf32, #tpu.memory_space<vmem>>
      %dma_start3A_160 = arith.constant 0 : i32
      %dma_start3A_161 = tpu.memref_slice %arg3[%add3A_79, %dma_start3A_160, %mul3A_58] : memref<16x4x20000xf32, #tpu.memory_space<hbm>> -> memref<1x4x1280xf32, #tpu.memory_space<hbm>>
      %dma_start3A_162 = tpu.memref_squeeze %dma_start3A_161 : memref<1x4x1280xf32, #tpu.memory_space<hbm>> -> memref<4x1280xf32, #tpu.memory_space<hbm>>
      tpu.enqueue_dma source(%dma_start3A_162 : memref<4x1280xf32, #tpu.memory_space<hbm>>) target(%dma_start3A_159 : memref<4x1280xf32, #tpu.memory_space<vmem>>) target_semaphore(%run_scoped3A_149 : memref<!tpu.dma_semaphore, #tpu.memory_space<semaphore_mem>>)
      %dma_wait3A = arith.constant 0 : i32
      %dma_wait3A_163 = arith.constant 0 : i32
      %dma_wait3A_164 = tpu.memref_slice %arg9[%run_scoped3A_80, %dma_wait3A, %dma_wait3A_163] : memref<8x4x1280xf32, #tpu.memory_space<vmem>> -> memref<1x4x1280xf32, #tpu.memory_space<vmem>>
      %dma_wait3A_165 = tpu.memref_squeeze %dma_wait3A_164 : memref<1x4x1280xf32, #tpu.memory_space<vmem>> -> memref<4x1280xf32, #tpu.memory_space<vmem>>
      %dma_wait3A_166 = arith.constant 0 : i32
      %dma_wait3A_167 = tpu.memref_slice %arg3[%add3A_79, %dma_wait3A_166, %mul3A_58] : memref<16x4x20000xf32, #tpu.memory_space<hbm>> -> memref<1x4x1280xf32, #tpu.memory_space<hbm>>
      %dma_wait3A_168 = tpu.memref_squeeze %dma_wait3A_167 : memref<1x4x1280xf32, #tpu.memory_space<hbm>> -> memref<4x1280xf32, #tpu.memory_space<hbm>>
      %dma_wait3A_169 = arith.constant 0 : i32
      %dma_wait3A_170 = arith.constant 0 : i32
      %dma_wait3A_171 = tpu.memref_slice %arg9[%run_scoped3A_80, %dma_wait3A_169, %dma_wait3A_170] : memref<8x4x1280xf32, #tpu.memory_space<vmem>> -> memref<1x4x1280xf32, #tpu.memory_space<vmem>>
      %dma_wait3A_172 = tpu.memref_squeeze %dma_wait3A_171 : memref<1x4x1280xf32, #tpu.memory_space<vmem>> -> memref<4x1280xf32, #tpu.memory_space<vmem>>
      %dma_wait3A_173 = arith.constant 0 : i32
      %dma_wait3A_174 = tpu.memref_slice %arg3[%add3A_79, %dma_wait3A_173, %mul3A_58] : memref<16x4x20000xf32, #tpu.memory_space<hbm>> -> memref<1x4x1280xf32, #tpu.memory_space<hbm>>
      %dma_wait3A_175 = tpu.memref_squeeze %dma_wait3A_174 : memref<1x4x1280xf32, #tpu.memory_space<hbm>> -> memref<4x1280xf32, #tpu.memory_space<hbm>>
      tpu.wait_dma2 semaphore(%run_scoped3A_149 : memref<!tpu.dma_semaphore, #tpu.memory_space<semaphore_mem>>) src(%dma_wait3A_175 : memref<4x1280xf32, #tpu.memory_space<hbm>>) dst(%dma_wait3A_172 : memref<4x1280xf32, #tpu.memory_space<vmem>>)
      tpu.yield
    }) : () -> ()
    %mul3A_81 = arith.constant 8 : i32
    %mul3A_82 = arith.muli %mul3A_81, %select_n3A_9 : i32
    %add3A_83 = arith.constant 2 : i32
    %add3A_84 = arith.addi %mul3A_82, %add3A_83 : i32
    %run_scoped3A_85 = arith.constant 2 : i32
    "tpu.region"() ({
      %run_scoped3A_149 = tpu.sem_alloc : memref<!tpu.dma_semaphore, #tpu.memory_space<semaphore_mem>>
      %dma_start3A = arith.constant 0 : i32
      %dma_start3A_150 = arith.constant 0 : i32
      %dma_start3A_151 = tpu.memref_slice %arg9[%run_scoped3A_85, %dma_start3A, %dma_start3A_150] : memref<8x4x1280xf32, #tpu.memory_space<vmem>> -> memref<1x4x1280xf32, #tpu.memory_space<vmem>>
      %dma_start3A_152 = tpu.memref_squeeze %dma_start3A_151 : memref<1x4x1280xf32, #tpu.memory_space<vmem>> -> memref<4x1280xf32, #tpu.memory_space<vmem>>
      %dma_start3A_153 = arith.constant 0 : i32
      %dma_start3A_154 = tpu.memref_slice %arg3[%add3A_84, %dma_start3A_153, %mul3A_58] : memref<16x4x20000xf32, #tpu.memory_space<hbm>> -> memref<1x4x1280xf32, #tpu.memory_space<hbm>>
      %dma_start3A_155 = tpu.memref_squeeze %dma_start3A_154 : memref<1x4x1280xf32, #tpu.memory_space<hbm>> -> memref<4x1280xf32, #tpu.memory_space<hbm>>
      %dma_start3A_156 = arith.constant 0 : i32
      %dma_start3A_157 = arith.constant 0 : i32
      %dma_start3A_158 = tpu.memref_slice %arg9[%run_scoped3A_85, %dma_start3A_156, %dma_start3A_157] : memref<8x4x1280xf32, #tpu.memory_space<vmem>> -> memref<1x4x1280xf32, #tpu.memory_space<vmem>>
      %dma_start3A_159 = tpu.memref_squeeze %dma_start3A_158 : memref<1x4x1280xf32, #tpu.memory_space<vmem>> -> memref<4x1280xf32, #tpu.memory_space<vmem>>
      %dma_start3A_160 = arith.constant 0 : i32
      %dma_start3A_161 = tpu.memref_slice %arg3[%add3A_84, %dma_start3A_160, %mul3A_58] : memref<16x4x20000xf32, #tpu.memory_space<hbm>> -> memref<1x4x1280xf32, #tpu.memory_space<hbm>>
      %dma_start3A_162 = tpu.memref_squeeze %dma_start3A_161 : memref<1x4x1280xf32, #tpu.memory_space<hbm>> -> memref<4x1280xf32, #tpu.memory_space<hbm>>
      tpu.enqueue_dma source(%dma_start3A_162 : memref<4x1280xf32, #tpu.memory_space<hbm>>) target(%dma_start3A_159 : memref<4x1280xf32, #tpu.memory_space<vmem>>) target_semaphore(%run_scoped3A_149 : memref<!tpu.dma_semaphore, #tpu.memory_space<semaphore_mem>>)
      %dma_wait3A = arith.constant 0 : i32
      %dma_wait3A_163 = arith.constant 0 : i32
      %dma_wait3A_164 = tpu.memref_slice %arg9[%run_scoped3A_85, %dma_wait3A, %dma_wait3A_163] : memref<8x4x1280xf32, #tpu.memory_space<vmem>> -> memref<1x4x1280xf32, #tpu.memory_space<vmem>>
      %dma_wait3A_165 = tpu.memref_squeeze %dma_wait3A_164 : memref<1x4x1280xf32, #tpu.memory_space<vmem>> -> memref<4x1280xf32, #tpu.memory_space<vmem>>
      %dma_wait3A_166 = arith.constant 0 : i32
      %dma_wait3A_167 = tpu.memref_slice %arg3[%add3A_84, %dma_wait3A_166, %mul3A_58] : memref<16x4x20000xf32, #tpu.memory_space<hbm>> -> memref<1x4x1280xf32, #tpu.memory_space<hbm>>
      %dma_wait3A_168 = tpu.memref_squeeze %dma_wait3A_167 : memref<1x4x1280xf32, #tpu.memory_space<hbm>> -> memref<4x1280xf32, #tpu.memory_space<hbm>>
      %dma_wait3A_169 = arith.constant 0 : i32
      %dma_wait3A_170 = arith.constant 0 : i32
      %dma_wait3A_171 = tpu.memref_slice %arg9[%run_scoped3A_85, %dma_wait3A_169, %dma_wait3A_170] : memref<8x4x1280xf32, #tpu.memory_space<vmem>> -> memref<1x4x1280xf32, #tpu.memory_space<vmem>>
      %dma_wait3A_172 = tpu.memref_squeeze %dma_wait3A_171 : memref<1x4x1280xf32, #tpu.memory_space<vmem>> -> memref<4x1280xf32, #tpu.memory_space<vmem>>
      %dma_wait3A_173 = arith.constant 0 : i32
      %dma_wait3A_174 = tpu.memref_slice %arg3[%add3A_84, %dma_wait3A_173, %mul3A_58] : memref<16x4x20000xf32, #tpu.memory_space<hbm>> -> memref<1x4x1280xf32, #tpu.memory_space<hbm>>
      %dma_wait3A_175 = tpu.memref_squeeze %dma_wait3A_174 : memref<1x4x1280xf32, #tpu.memory_space<hbm>> -> memref<4x1280xf32, #tpu.memory_space<hbm>>
      tpu.wait_dma2 semaphore(%run_scoped3A_149 : memref<!tpu.dma_semaphore, #tpu.memory_space<semaphore_mem>>) src(%dma_wait3A_175 : memref<4x1280xf32, #tpu.memory_space<hbm>>) dst(%dma_wait3A_172 : memref<4x1280xf32, #tpu.memory_space<vmem>>)
      tpu.yield
    }) : () -> ()
    %mul3A_86 = arith.constant 8 : i32
    %mul3A_87 = arith.muli %mul3A_86, %select_n3A_9 : i32
    %add3A_88 = arith.constant 3 : i32
    %add3A_89 = arith.addi %mul3A_87, %add3A_88 : i32
    %run_scoped3A_90 = arith.constant 3 : i32
    "tpu.region"() ({
      %run_scoped3A_149 = tpu.sem_alloc : memref<!tpu.dma_semaphore, #tpu.memory_space<semaphore_mem>>
      %dma_start3A = arith.constant 0 : i32
      %dma_start3A_150 = arith.constant 0 : i32
      %dma_start3A_151 = tpu.memref_slice %arg9[%run_scoped3A_90, %dma_start3A, %dma_start3A_150] : memref<8x4x1280xf32, #tpu.memory_space<vmem>> -> memref<1x4x1280xf32, #tpu.memory_space<vmem>>
      %dma_start3A_152 = tpu.memref_squeeze %dma_start3A_151 : memref<1x4x1280xf32, #tpu.memory_space<vmem>> -> memref<4x1280xf32, #tpu.memory_space<vmem>>
      %dma_start3A_153 = arith.constant 0 : i32
      %dma_start3A_154 = tpu.memref_slice %arg3[%add3A_89, %dma_start3A_153, %mul3A_58] : memref<16x4x20000xf32, #tpu.memory_space<hbm>> -> memref<1x4x1280xf32, #tpu.memory_space<hbm>>
      %dma_start3A_155 = tpu.memref_squeeze %dma_start3A_154 : memref<1x4x1280xf32, #tpu.memory_space<hbm>> -> memref<4x1280xf32, #tpu.memory_space<hbm>>
      %dma_start3A_156 = arith.constant 0 : i32
      %dma_start3A_157 = arith.constant 0 : i32
      %dma_start3A_158 = tpu.memref_slice %arg9[%run_scoped3A_90, %dma_start3A_156, %dma_start3A_157] : memref<8x4x1280xf32, #tpu.memory_space<vmem>> -> memref<1x4x1280xf32, #tpu.memory_space<vmem>>
      %dma_start3A_159 = tpu.memref_squeeze %dma_start3A_158 : memref<1x4x1280xf32, #tpu.memory_space<vmem>> -> memref<4x1280xf32, #tpu.memory_space<vmem>>
      %dma_start3A_160 = arith.constant 0 : i32
      %dma_start3A_161 = tpu.memref_slice %arg3[%add3A_89, %dma_start3A_160, %mul3A_58] : memref<16x4x20000xf32, #tpu.memory_space<hbm>> -> memref<1x4x1280xf32, #tpu.memory_space<hbm>>
      %dma_start3A_162 = tpu.memref_squeeze %dma_start3A_161 : memref<1x4x1280xf32, #tpu.memory_space<hbm>> -> memref<4x1280xf32, #tpu.memory_space<hbm>>
      tpu.enqueue_dma source(%dma_start3A_162 : memref<4x1280xf32, #tpu.memory_space<hbm>>) target(%dma_start3A_159 : memref<4x1280xf32, #tpu.memory_space<vmem>>) target_semaphore(%run_scoped3A_149 : memref<!tpu.dma_semaphore, #tpu.memory_space<semaphore_mem>>)
      %dma_wait3A = arith.constant 0 : i32
      %dma_wait3A_163 = arith.constant 0 : i32
      %dma_wait3A_164 = tpu.memref_slice %arg9[%run_scoped3A_90, %dma_wait3A, %dma_wait3A_163] : memref<8x4x1280xf32, #tpu.memory_space<vmem>> -> memref<1x4x1280xf32, #tpu.memory_space<vmem>>
      %dma_wait3A_165 = tpu.memref_squeeze %dma_wait3A_164 : memref<1x4x1280xf32, #tpu.memory_space<vmem>> -> memref<4x1280xf32, #tpu.memory_space<vmem>>
      %dma_wait3A_166 = arith.constant 0 : i32
      %dma_wait3A_167 = tpu.memref_slice %arg3[%add3A_89, %dma_wait3A_166, %mul3A_58] : memref<16x4x20000xf32, #tpu.memory_space<hbm>> -> memref<1x4x1280xf32, #tpu.memory_space<hbm>>
      %dma_wait3A_168 = tpu.memref_squeeze %dma_wait3A_167 : memref<1x4x1280xf32, #tpu.memory_space<hbm>> -> memref<4x1280xf32, #tpu.memory_space<hbm>>
      %dma_wait3A_169 = arith.constant 0 : i32
      %dma_wait3A_170 = arith.constant 0 : i32
      %dma_wait3A_171 = tpu.memref_slice %arg9[%run_scoped3A_90, %dma_wait3A_169, %dma_wait3A_170] : memref<8x4x1280xf32, #tpu.memory_space<vmem>> -> memref<1x4x1280xf32, #tpu.memory_space<vmem>>
      %dma_wait3A_172 = tpu.memref_squeeze %dma_wait3A_171 : memref<1x4x1280xf32, #tpu.memory_space<vmem>> -> memref<4x1280xf32, #tpu.memory_space<vmem>>
      %dma_wait3A_173 = arith.constant 0 : i32
      %dma_wait3A_174 = tpu.memref_slice %arg3[%add3A_89, %dma_wait3A_173, %mul3A_58] : memref<16x4x20000xf32, #tpu.memory_space<hbm>> -> memref<1x4x1280xf32, #tpu.memory_space<hbm>>
      %dma_wait3A_175 = tpu.memref_squeeze %dma_wait3A_174 : memref<1x4x1280xf32, #tpu.memory_space<hbm>> -> memref<4x1280xf32, #tpu.memory_space<hbm>>
      tpu.wait_dma2 semaphore(%run_scoped3A_149 : memref<!tpu.dma_semaphore, #tpu.memory_space<semaphore_mem>>) src(%dma_wait3A_175 : memref<4x1280xf32, #tpu.memory_space<hbm>>) dst(%dma_wait3A_172 : memref<4x1280xf32, #tpu.memory_space<vmem>>)
      tpu.yield
    }) : () -> ()
    %mul3A_91 = arith.constant 8 : i32
    %mul3A_92 = arith.muli %mul3A_91, %select_n3A_9 : i32
    %add3A_93 = arith.constant 4 : i32
    %add3A_94 = arith.addi %mul3A_92, %add3A_93 : i32
    %run_scoped3A_95 = arith.constant 4 : i32
    "tpu.region"() ({
      %run_scoped3A_149 = tpu.sem_alloc : memref<!tpu.dma_semaphore, #tpu.memory_space<semaphore_mem>>
      %dma_start3A = arith.constant 0 : i32
      %dma_start3A_150 = arith.constant 0 : i32
      %dma_start3A_151 = tpu.memref_slice %arg9[%run_scoped3A_95, %dma_start3A, %dma_start3A_150] : memref<8x4x1280xf32, #tpu.memory_space<vmem>> -> memref<1x4x1280xf32, #tpu.memory_space<vmem>>
      %dma_start3A_152 = tpu.memref_squeeze %dma_start3A_151 : memref<1x4x1280xf32, #tpu.memory_space<vmem>> -> memref<4x1280xf32, #tpu.memory_space<vmem>>
      %dma_start3A_153 = arith.constant 0 : i32
      %dma_start3A_154 = tpu.memref_slice %arg3[%add3A_94, %dma_start3A_153, %mul3A_58] : memref<16x4x20000xf32, #tpu.memory_space<hbm>> -> memref<1x4x1280xf32, #tpu.memory_space<hbm>>
      %dma_start3A_155 = tpu.memref_squeeze %dma_start3A_154 : memref<1x4x1280xf32, #tpu.memory_space<hbm>> -> memref<4x1280xf32, #tpu.memory_space<hbm>>
      %dma_start3A_156 = arith.constant 0 : i32
      %dma_start3A_157 = arith.constant 0 : i32
      %dma_start3A_158 = tpu.memref_slice %arg9[%run_scoped3A_95, %dma_start3A_156, %dma_start3A_157] : memref<8x4x1280xf32, #tpu.memory_space<vmem>> -> memref<1x4x1280xf32, #tpu.memory_space<vmem>>
      %dma_start3A_159 = tpu.memref_squeeze %dma_start3A_158 : memref<1x4x1280xf32, #tpu.memory_space<vmem>> -> memref<4x1280xf32, #tpu.memory_space<vmem>>
      %dma_start3A_160 = arith.constant 0 : i32
      %dma_start3A_161 = tpu.memref_slice %arg3[%add3A_94, %dma_start3A_160, %mul3A_58] : memref<16x4x20000xf32, #tpu.memory_space<hbm>> -> memref<1x4x1280xf32, #tpu.memory_space<hbm>>
      %dma_start3A_162 = tpu.memref_squeeze %dma_start3A_161 : memref<1x4x1280xf32, #tpu.memory_space<hbm>> -> memref<4x1280xf32, #tpu.memory_space<hbm>>
      tpu.enqueue_dma source(%dma_start3A_162 : memref<4x1280xf32, #tpu.memory_space<hbm>>) target(%dma_start3A_159 : memref<4x1280xf32, #tpu.memory_space<vmem>>) target_semaphore(%run_scoped3A_149 : memref<!tpu.dma_semaphore, #tpu.memory_space<semaphore_mem>>)
      %dma_wait3A = arith.constant 0 : i32
      %dma_wait3A_163 = arith.constant 0 : i32
      %dma_wait3A_164 = tpu.memref_slice %arg9[%run_scoped3A_95, %dma_wait3A, %dma_wait3A_163] : memref<8x4x1280xf32, #tpu.memory_space<vmem>> -> memref<1x4x1280xf32, #tpu.memory_space<vmem>>
      %dma_wait3A_165 = tpu.memref_squeeze %dma_wait3A_164 : memref<1x4x1280xf32, #tpu.memory_space<vmem>> -> memref<4x1280xf32, #tpu.memory_space<vmem>>
      %dma_wait3A_166 = arith.constant 0 : i32
      %dma_wait3A_167 = tpu.memref_slice %arg3[%add3A_94, %dma_wait3A_166, %mul3A_58] : memref<16x4x20000xf32, #tpu.memory_space<hbm>> -> memref<1x4x1280xf32, #tpu.memory_space<hbm>>
      %dma_wait3A_168 = tpu.memref_squeeze %dma_wait3A_167 : memref<1x4x1280xf32, #tpu.memory_space<hbm>> -> memref<4x1280xf32, #tpu.memory_space<hbm>>
      %dma_wait3A_169 = arith.constant 0 : i32
      %dma_wait3A_170 = arith.constant 0 : i32
      %dma_wait3A_171 = tpu.memref_slice %arg9[%run_scoped3A_95, %dma_wait3A_169, %dma_wait3A_170] : memref<8x4x1280xf32, #tpu.memory_space<vmem>> -> memref<1x4x1280xf32, #tpu.memory_space<vmem>>
      %dma_wait3A_172 = tpu.memref_squeeze %dma_wait3A_171 : memref<1x4x1280xf32, #tpu.memory_space<vmem>> -> memref<4x1280xf32, #tpu.memory_space<vmem>>
      %dma_wait3A_173 = arith.constant 0 : i32
      %dma_wait3A_174 = tpu.memref_slice %arg3[%add3A_94, %dma_wait3A_173, %mul3A_58] : memref<16x4x20000xf32, #tpu.memory_space<hbm>> -> memref<1x4x1280xf32, #tpu.memory_space<hbm>>
      %dma_wait3A_175 = tpu.memref_squeeze %dma_wait3A_174 : memref<1x4x1280xf32, #tpu.memory_space<hbm>> -> memref<4x1280xf32, #tpu.memory_space<hbm>>
      tpu.wait_dma2 semaphore(%run_scoped3A_149 : memref<!tpu.dma_semaphore, #tpu.memory_space<semaphore_mem>>) src(%dma_wait3A_175 : memref<4x1280xf32, #tpu.memory_space<hbm>>) dst(%dma_wait3A_172 : memref<4x1280xf32, #tpu.memory_space<vmem>>)
      tpu.yield
    }) : () -> ()
    %mul3A_96 = arith.constant 8 : i32
    %mul3A_97 = arith.muli %mul3A_96, %select_n3A_9 : i32
    %add3A_98 = arith.constant 5 : i32
    %add3A_99 = arith.addi %mul3A_97, %add3A_98 : i32
    %run_scoped3A_100 = arith.constant 5 : i32
    "tpu.region"() ({
      %run_scoped3A_149 = tpu.sem_alloc : memref<!tpu.dma_semaphore, #tpu.memory_space<semaphore_mem>>
      %dma_start3A = arith.constant 0 : i32
      %dma_start3A_150 = arith.constant 0 : i32
      %dma_start3A_151 = tpu.memref_slice %arg9[%run_scoped3A_100, %dma_start3A, %dma_start3A_150] : memref<8x4x1280xf32, #tpu.memory_space<vmem>> -> memref<1x4x1280xf32, #tpu.memory_space<vmem>>
      %dma_start3A_152 = tpu.memref_squeeze %dma_start3A_151 : memref<1x4x1280xf32, #tpu.memory_space<vmem>> -> memref<4x1280xf32, #tpu.memory_space<vmem>>
      %dma_start3A_153 = arith.constant 0 : i32
      %dma_start3A_154 = tpu.memref_slice %arg3[%add3A_99, %dma_start3A_153, %mul3A_58] : memref<16x4x20000xf32, #tpu.memory_space<hbm>> -> memref<1x4x1280xf32, #tpu.memory_space<hbm>>
      %dma_start3A_155 = tpu.memref_squeeze %dma_start3A_154 : memref<1x4x1280xf32, #tpu.memory_space<hbm>> -> memref<4x1280xf32, #tpu.memory_space<hbm>>
      %dma_start3A_156 = arith.constant 0 : i32
      %dma_start3A_157 = arith.constant 0 : i32
      %dma_start3A_158 = tpu.memref_slice %arg9[%run_scoped3A_100, %dma_start3A_156, %dma_start3A_157] : memref<8x4x1280xf32, #tpu.memory_space<vmem>> -> memref<1x4x1280xf32, #tpu.memory_space<vmem>>
      %dma_start3A_159 = tpu.memref_squeeze %dma_start3A_158 : memref<1x4x1280xf32, #tpu.memory_space<vmem>> -> memref<4x1280xf32, #tpu.memory_space<vmem>>
      %dma_start3A_160 = arith.constant 0 : i32
      %dma_start3A_161 = tpu.memref_slice %arg3[%add3A_99, %dma_start3A_160, %mul3A_58] : memref<16x4x20000xf32, #tpu.memory_space<hbm>> -> memref<1x4x1280xf32, #tpu.memory_space<hbm>>
      %dma_start3A_162 = tpu.memref_squeeze %dma_start3A_161 : memref<1x4x1280xf32, #tpu.memory_space<hbm>> -> memref<4x1280xf32, #tpu.memory_space<hbm>>
      tpu.enqueue_dma source(%dma_start3A_162 : memref<4x1280xf32, #tpu.memory_space<hbm>>) target(%dma_start3A_159 : memref<4x1280xf32, #tpu.memory_space<vmem>>) target_semaphore(%run_scoped3A_149 : memref<!tpu.dma_semaphore, #tpu.memory_space<semaphore_mem>>)
      %dma_wait3A = arith.constant 0 : i32
      %dma_wait3A_163 = arith.constant 0 : i32
      %dma_wait3A_164 = tpu.memref_slice %arg9[%run_scoped3A_100, %dma_wait3A, %dma_wait3A_163] : memref<8x4x1280xf32, #tpu.memory_space<vmem>> -> memref<1x4x1280xf32, #tpu.memory_space<vmem>>
      %dma_wait3A_165 = tpu.memref_squeeze %dma_wait3A_164 : memref<1x4x1280xf32, #tpu.memory_space<vmem>> -> memref<4x1280xf32, #tpu.memory_space<vmem>>
      %dma_wait3A_166 = arith.constant 0 : i32
      %dma_wait3A_167 = tpu.memref_slice %arg3[%add3A_99, %dma_wait3A_166, %mul3A_58] : memref<16x4x20000xf32, #tpu.memory_space<hbm>> -> memref<1x4x1280xf32, #tpu.memory_space<hbm>>
      %dma_wait3A_168 = tpu.memref_squeeze %dma_wait3A_167 : memref<1x4x1280xf32, #tpu.memory_space<hbm>> -> memref<4x1280xf32, #tpu.memory_space<hbm>>
      %dma_wait3A_169 = arith.constant 0 : i32
      %dma_wait3A_170 = arith.constant 0 : i32
      %dma_wait3A_171 = tpu.memref_slice %arg9[%run_scoped3A_100, %dma_wait3A_169, %dma_wait3A_170] : memref<8x4x1280xf32, #tpu.memory_space<vmem>> -> memref<1x4x1280xf32, #tpu.memory_space<vmem>>
      %dma_wait3A_172 = tpu.memref_squeeze %dma_wait3A_171 : memref<1x4x1280xf32, #tpu.memory_space<vmem>> -> memref<4x1280xf32, #tpu.memory_space<vmem>>
      %dma_wait3A_173 = arith.constant 0 : i32
      %dma_wait3A_174 = tpu.memref_slice %arg3[%add3A_99, %dma_wait3A_173, %mul3A_58] : memref<16x4x20000xf32, #tpu.memory_space<hbm>> -> memref<1x4x1280xf32, #tpu.memory_space<hbm>>
      %dma_wait3A_175 = tpu.memref_squeeze %dma_wait3A_174 : memref<1x4x1280xf32, #tpu.memory_space<hbm>> -> memref<4x1280xf32, #tpu.memory_space<hbm>>
      tpu.wait_dma2 semaphore(%run_scoped3A_149 : memref<!tpu.dma_semaphore, #tpu.memory_space<semaphore_mem>>) src(%dma_wait3A_175 : memref<4x1280xf32, #tpu.memory_space<hbm>>) dst(%dma_wait3A_172 : memref<4x1280xf32, #tpu.memory_space<vmem>>)
      tpu.yield
    }) : () -> ()
    %mul3A_101 = arith.constant 8 : i32
    %mul3A_102 = arith.muli %mul3A_101, %select_n3A_9 : i32
    %add3A_103 = arith.constant 6 : i32
    %add3A_104 = arith.addi %mul3A_102, %add3A_103 : i32
    %run_scoped3A_105 = arith.constant 6 : i32
    "tpu.region"() ({
      %run_scoped3A_149 = tpu.sem_alloc : memref<!tpu.dma_semaphore, #tpu.memory_space<semaphore_mem>>
      %dma_start3A = arith.constant 0 : i32
      %dma_start3A_150 = arith.constant 0 : i32
      %dma_start3A_151 = tpu.memref_slice %arg9[%run_scoped3A_105, %dma_start3A, %dma_start3A_150] : memref<8x4x1280xf32, #tpu.memory_space<vmem>> -> memref<1x4x1280xf32, #tpu.memory_space<vmem>>
      %dma_start3A_152 = tpu.memref_squeeze %dma_start3A_151 : memref<1x4x1280xf32, #tpu.memory_space<vmem>> -> memref<4x1280xf32, #tpu.memory_space<vmem>>
      %dma_start3A_153 = arith.constant 0 : i32
      %dma_start3A_154 = tpu.memref_slice %arg3[%add3A_104, %dma_start3A_153, %mul3A_58] : memref<16x4x20000xf32, #tpu.memory_space<hbm>> -> memref<1x4x1280xf32, #tpu.memory_space<hbm>>
      %dma_start3A_155 = tpu.memref_squeeze %dma_start3A_154 : memref<1x4x1280xf32, #tpu.memory_space<hbm>> -> memref<4x1280xf32, #tpu.memory_space<hbm>>
      %dma_start3A_156 = arith.constant 0 : i32
      %dma_start3A_157 = arith.constant 0 : i32
      %dma_start3A_158 = tpu.memref_slice %arg9[%run_scoped3A_105, %dma_start3A_156, %dma_start3A_157] : memref<8x4x1280xf32, #tpu.memory_space<vmem>> -> memref<1x4x1280xf32, #tpu.memory_space<vmem>>
      %dma_start3A_159 = tpu.memref_squeeze %dma_start3A_158 : memref<1x4x1280xf32, #tpu.memory_space<vmem>> -> memref<4x1280xf32, #tpu.memory_space<vmem>>
      %dma_start3A_160 = arith.constant 0 : i32
      %dma_start3A_161 = tpu.memref_slice %arg3[%add3A_104, %dma_start3A_160, %mul3A_58] : memref<16x4x20000xf32, #tpu.memory_space<hbm>> -> memref<1x4x1280xf32, #tpu.memory_space<hbm>>
      %dma_start3A_162 = tpu.memref_squeeze %dma_start3A_161 : memref<1x4x1280xf32, #tpu.memory_space<hbm>> -> memref<4x1280xf32, #tpu.memory_space<hbm>>
      tpu.enqueue_dma source(%dma_start3A_162 : memref<4x1280xf32, #tpu.memory_space<hbm>>) target(%dma_start3A_159 : memref<4x1280xf32, #tpu.memory_space<vmem>>) target_semaphore(%run_scoped3A_149 : memref<!tpu.dma_semaphore, #tpu.memory_space<semaphore_mem>>)
      %dma_wait3A = arith.constant 0 : i32
      %dma_wait3A_163 = arith.constant 0 : i32
      %dma_wait3A_164 = tpu.memref_slice %arg9[%run_scoped3A_105, %dma_wait3A, %dma_wait3A_163] : memref<8x4x1280xf32, #tpu.memory_space<vmem>> -> memref<1x4x1280xf32, #tpu.memory_space<vmem>>
      %dma_wait3A_165 = tpu.memref_squeeze %dma_wait3A_164 : memref<1x4x1280xf32, #tpu.memory_space<vmem>> -> memref<4x1280xf32, #tpu.memory_space<vmem>>
      %dma_wait3A_166 = arith.constant 0 : i32
      %dma_wait3A_167 = tpu.memref_slice %arg3[%add3A_104, %dma_wait3A_166, %mul3A_58] : memref<16x4x20000xf32, #tpu.memory_space<hbm>> -> memref<1x4x1280xf32, #tpu.memory_space<hbm>>
      %dma_wait3A_168 = tpu.memref_squeeze %dma_wait3A_167 : memref<1x4x1280xf32, #tpu.memory_space<hbm>> -> memref<4x1280xf32, #tpu.memory_space<hbm>>
      %dma_wait3A_169 = arith.constant 0 : i32
      %dma_wait3A_170 = arith.constant 0 : i32
      %dma_wait3A_171 = tpu.memref_slice %arg9[%run_scoped3A_105, %dma_wait3A_169, %dma_wait3A_170] : memref<8x4x1280xf32, #tpu.memory_space<vmem>> -> memref<1x4x1280xf32, #tpu.memory_space<vmem>>
      %dma_wait3A_172 = tpu.memref_squeeze %dma_wait3A_171 : memref<1x4x1280xf32, #tpu.memory_space<vmem>> -> memref<4x1280xf32, #tpu.memory_space<vmem>>
      %dma_wait3A_173 = arith.constant 0 : i32
      %dma_wait3A_174 = tpu.memref_slice %arg3[%add3A_104, %dma_wait3A_173, %mul3A_58] : memref<16x4x20000xf32, #tpu.memory_space<hbm>> -> memref<1x4x1280xf32, #tpu.memory_space<hbm>>
      %dma_wait3A_175 = tpu.memref_squeeze %dma_wait3A_174 : memref<1x4x1280xf32, #tpu.memory_space<hbm>> -> memref<4x1280xf32, #tpu.memory_space<hbm>>
      tpu.wait_dma2 semaphore(%run_scoped3A_149 : memref<!tpu.dma_semaphore, #tpu.memory_space<semaphore_mem>>) src(%dma_wait3A_175 : memref<4x1280xf32, #tpu.memory_space<hbm>>) dst(%dma_wait3A_172 : memref<4x1280xf32, #tpu.memory_space<vmem>>)
      tpu.yield
    }) : () -> ()
    %mul3A_106 = arith.constant 8 : i32
    %mul3A_107 = arith.muli %mul3A_106, %select_n3A_9 : i32
    %add3A_108 = arith.constant 7 : i32
    %add3A_109 = arith.addi %mul3A_107, %add3A_108 : i32
    %run_scoped3A_110 = arith.constant 7 : i32
    "tpu.region"() ({
      %run_scoped3A_149 = tpu.sem_alloc : memref<!tpu.dma_semaphore, #tpu.memory_space<semaphore_mem>>
      %dma_start3A = arith.constant 0 : i32
      %dma_start3A_150 = arith.constant 0 : i32
      %dma_start3A_151 = tpu.memref_slice %arg9[%run_scoped3A_110, %dma_start3A, %dma_start3A_150] : memref<8x4x1280xf32, #tpu.memory_space<vmem>> -> memref<1x4x1280xf32, #tpu.memory_space<vmem>>
      %dma_start3A_152 = tpu.memref_squeeze %dma_start3A_151 : memref<1x4x1280xf32, #tpu.memory_space<vmem>> -> memref<4x1280xf32, #tpu.memory_space<vmem>>
      %dma_start3A_153 = arith.constant 0 : i32
      %dma_start3A_154 = tpu.memref_slice %arg3[%add3A_109, %dma_start3A_153, %mul3A_58] : memref<16x4x20000xf32, #tpu.memory_space<hbm>> -> memref<1x4x1280xf32, #tpu.memory_space<hbm>>
      %dma_start3A_155 = tpu.memref_squeeze %dma_start3A_154 : memref<1x4x1280xf32, #tpu.memory_space<hbm>> -> memref<4x1280xf32, #tpu.memory_space<hbm>>
      %dma_start3A_156 = arith.constant 0 : i32
      %dma_start3A_157 = arith.constant 0 : i32
      %dma_start3A_158 = tpu.memref_slice %arg9[%run_scoped3A_110, %dma_start3A_156, %dma_start3A_157] : memref<8x4x1280xf32, #tpu.memory_space<vmem>> -> memref<1x4x1280xf32, #tpu.memory_space<vmem>>
      %dma_start3A_159 = tpu.memref_squeeze %dma_start3A_158 : memref<1x4x1280xf32, #tpu.memory_space<vmem>> -> memref<4x1280xf32, #tpu.memory_space<vmem>>
      %dma_start3A_160 = arith.constant 0 : i32
      %dma_start3A_161 = tpu.memref_slice %arg3[%add3A_109, %dma_start3A_160, %mul3A_58] : memref<16x4x20000xf32, #tpu.memory_space<hbm>> -> memref<1x4x1280xf32, #tpu.memory_space<hbm>>
      %dma_start3A_162 = tpu.memref_squeeze %dma_start3A_161 : memref<1x4x1280xf32, #tpu.memory_space<hbm>> -> memref<4x1280xf32, #tpu.memory_space<hbm>>
      tpu.enqueue_dma source(%dma_start3A_162 : memref<4x1280xf32, #tpu.memory_space<hbm>>) target(%dma_start3A_159 : memref<4x1280xf32, #tpu.memory_space<vmem>>) target_semaphore(%run_scoped3A_149 : memref<!tpu.dma_semaphore, #tpu.memory_space<semaphore_mem>>)
      %dma_wait3A = arith.constant 0 : i32
      %dma_wait3A_163 = arith.constant 0 : i32
      %dma_wait3A_164 = tpu.memref_slice %arg9[%run_scoped3A_110, %dma_wait3A, %dma_wait3A_163] : memref<8x4x1280xf32, #tpu.memory_space<vmem>> -> memref<1x4x1280xf32, #tpu.memory_space<vmem>>
      %dma_wait3A_165 = tpu.memref_squeeze %dma_wait3A_164 : memref<1x4x1280xf32, #tpu.memory_space<vmem>> -> memref<4x1280xf32, #tpu.memory_space<vmem>>
      %dma_wait3A_166 = arith.constant 0 : i32
      %dma_wait3A_167 = tpu.memref_slice %arg3[%add3A_109, %dma_wait3A_166, %mul3A_58] : memref<16x4x20000xf32, #tpu.memory_space<hbm>> -> memref<1x4x1280xf32, #tpu.memory_space<hbm>>
      %dma_wait3A_168 = tpu.memref_squeeze %dma_wait3A_167 : memref<1x4x1280xf32, #tpu.memory_space<hbm>> -> memref<4x1280xf32, #tpu.memory_space<hbm>>
      %dma_wait3A_169 = arith.constant 0 : i32
      %dma_wait3A_170 = arith.constant 0 : i32
      %dma_wait3A_171 = tpu.memref_slice %arg9[%run_scoped3A_110, %dma_wait3A_169, %dma_wait3A_170] : memref<8x4x1280xf32, #tpu.memory_space<vmem>> -> memref<1x4x1280xf32, #tpu.memory_space<vmem>>
      %dma_wait3A_172 = tpu.memref_squeeze %dma_wait3A_171 : memref<1x4x1280xf32, #tpu.memory_space<vmem>> -> memref<4x1280xf32, #tpu.memory_space<vmem>>
      %dma_wait3A_173 = arith.constant 0 : i32
      %dma_wait3A_174 = tpu.memref_slice %arg3[%add3A_109, %dma_wait3A_173, %mul3A_58] : memref<16x4x20000xf32, #tpu.memory_space<hbm>> -> memref<1x4x1280xf32, #tpu.memory_space<hbm>>
      %dma_wait3A_175 = tpu.memref_squeeze %dma_wait3A_174 : memref<1x4x1280xf32, #tpu.memory_space<hbm>> -> memref<4x1280xf32, #tpu.memory_space<hbm>>
      tpu.wait_dma2 semaphore(%run_scoped3A_149 : memref<!tpu.dma_semaphore, #tpu.memory_space<semaphore_mem>>) src(%dma_wait3A_175 : memref<4x1280xf32, #tpu.memory_space<hbm>>) dst(%dma_wait3A_172 : memref<4x1280xf32, #tpu.memory_space<vmem>>)
      tpu.yield
    }) : () -> ()
    %broadcast_in_dim3A = arith.constant 0.000000e+00 : f32
    %broadcast_in_dim3A_111 = vector.broadcast %broadcast_in_dim3A : f32 to vector<16xf32>
    %parallel_loop3A = arith.constant 0 : i32
    %parallel_loop3A_112 = arith.constant 78 : i32
    %parallel_loop3A_113 = arith.constant 1 : i32
    %parallel_loop3A_114:6 = scf.for %parallel_loop3A_149 = %parallel_loop3A to %parallel_loop3A_112 step %parallel_loop3A_113 iter_args(%parallel_loop3A_150 = %broadcast_in_dim3A_111, %parallel_loop3A_151 = %broadcast_in_dim3A_111, %parallel_loop3A_152 = %broadcast_in_dim3A_111, %parallel_loop3A_153 = %broadcast_in_dim3A_111, %parallel_loop3A_154 = %broadcast_in_dim3A_111, %parallel_loop3A_155 = %broadcast_in_dim3A_111) -> (vector<16xf32>, vector<16xf32>, vector<16xf32>, vector<16xf32>, vector<16xf32>, vector<16xf32>)  : i32 {
      %parallel_loop3A_156 = arith.constant 16 : i32
      %parallel_loop3A_157 = arith.muli %parallel_loop3A_149, %parallel_loop3A_156 : i32
      %parallel_loop3A_158 = arith.addi %sub3A_59, %parallel_loop3A_157 : i32
      %parallel_loop3A_159 = arith.constant 0 : i32
      %parallel_loop3A_160 = arith.index_cast %parallel_loop3A_159 : i32 to index
      %parallel_loop3A_161 = arith.index_cast %parallel_loop3A_158 : i32 to index
      %parallel_loop3A_162 = tpu.vector_load %arg5[%parallel_loop3A_160, %parallel_loop3A_161] {strides = array<i32>} : memref<8x1280xf32, #tpu.memory_space<vmem>>, vector<16xf32>,
      %parallel_loop3A_163 = arith.constant 0 : i32
      %parallel_loop3A_164 = arith.index_cast %parallel_loop3A_163 : i32 to index
      %parallel_loop3A_165 = arith.index_cast %parallel_loop3A_158 : i32 to index
      %parallel_loop3A_166 = tpu.vector_load %arg6[%parallel_loop3A_164, %parallel_loop3A_165] {strides = array<i32>} : memref<8x1280xf32, #tpu.memory_space<vmem>>, vector<16xf32>,
      %parallel_loop3A_167 = arith.constant 0 : i32
      %parallel_loop3A_168 = arith.index_cast %parallel_loop3A_167 : i32 to index
      %parallel_loop3A_169 = arith.index_cast %parallel_loop3A_158 : i32 to index
      %parallel_loop3A_170 = tpu.vector_load %arg7[%parallel_loop3A_168, %parallel_loop3A_169] {strides = array<i32>} : memref<8x1280xf32, #tpu.memory_space<vmem>>, vector<16xf32>,
      %parallel_loop3A_171 = arith.constant 0 : i32
      %parallel_loop3A_172 = arith.index_cast %parallel_loop3A_171 : i32 to index
      %parallel_loop3A_173 = arith.index_cast %parallel_loop3A_158 : i32 to index
      %parallel_loop3A_174 = tpu.vector_load %arg8[%parallel_loop3A_172, %parallel_loop3A_173] {strides = array<i32>} : memref<8x1280xf32, #tpu.memory_space<vmem>>, vector<16xf32>,
      %parallel_loop3A_175 = arith.constant 0 : i32
      %parallel_loop3A_176 = arith.constant 0 : i32
      %parallel_loop3A_177 = arith.index_cast %parallel_loop3A_175 : i32 to index
      %parallel_loop3A_178 = arith.index_cast %parallel_loop3A_176 : i32 to index
      %parallel_loop3A_179 = arith.index_cast %parallel_loop3A_158 : i32 to index
      %parallel_loop3A_180 = tpu.vector_load %arg9[%parallel_loop3A_177, %parallel_loop3A_178, %parallel_loop3A_179] {strides = array<i32>} : memref<8x4x1280xf32, #tpu.memory_space<vmem>>, vector<16xf32>,
      %parallel_loop3A_181 = arith.constant 0 : i32
      %parallel_loop3A_182 = arith.constant 1 : i32
      %parallel_loop3A_183 = arith.index_cast %parallel_loop3A_181 : i32 to index
      %parallel_loop3A_184 = arith.index_cast %parallel_loop3A_182 : i32 to index
      %parallel_loop3A_185 = arith.index_cast %parallel_loop3A_158 : i32 to index
      %parallel_loop3A_186 = tpu.vector_load %arg9[%parallel_loop3A_183, %parallel_loop3A_184, %parallel_loop3A_185] {strides = array<i32>} : memref<8x4x1280xf32, #tpu.memory_space<vmem>>, vector<16xf32>,
      %parallel_loop3A_187 = arith.constant 0 : i32
      %parallel_loop3A_188 = arith.constant 2 : i32
      %parallel_loop3A_189 = arith.index_cast %parallel_loop3A_187 : i32 to index
      %parallel_loop3A_190 = arith.index_cast %parallel_loop3A_188 : i32 to index
      %parallel_loop3A_191 = arith.index_cast %parallel_loop3A_158 : i32 to index
      %parallel_loop3A_192 = tpu.vector_load %arg9[%parallel_loop3A_189, %parallel_loop3A_190, %parallel_loop3A_191] {strides = array<i32>} : memref<8x4x1280xf32, #tpu.memory_space<vmem>>, vector<16xf32>,
      %parallel_loop3A_193 = arith.constant 0 : i32
      %parallel_loop3A_194 = arith.constant 3 : i32
      %parallel_loop3A_195 = arith.index_cast %parallel_loop3A_193 : i32 to index
      %parallel_loop3A_196 = arith.index_cast %parallel_loop3A_194 : i32 to index
      %parallel_loop3A_197 = arith.index_cast %parallel_loop3A_158 : i32 to index
      %parallel_loop3A_198 = tpu.vector_load %arg9[%parallel_loop3A_195, %parallel_loop3A_196, %parallel_loop3A_197] {strides = array<i32>} : memref<8x4x1280xf32, #tpu.memory_space<vmem>>, vector<16xf32>,
      %parallel_loop3A_199 = arith.subf %parallel_loop3A_170, %parallel_loop3A_162 : vector<16xf32>
      %parallel_loop3A_200 = arith.constant 0.000000e+00 : f32
      %parallel_loop3A_201 = vector.broadcast %parallel_loop3A_200 : f32 to vector<16xf32>
      %parallel_loop3A_202 = arith.maximumf %parallel_loop3A_199, %parallel_loop3A_201 : vector<16xf32>
      %parallel_loop3A_203 = arith.subf %parallel_loop3A_174, %parallel_loop3A_166 : vector<16xf32>
      %parallel_loop3A_204 = arith.constant 0.000000e+00 : f32
      %parallel_loop3A_205 = vector.broadcast %parallel_loop3A_204 : f32 to vector<16xf32>
      %parallel_loop3A_206 = arith.maximumf %parallel_loop3A_203, %parallel_loop3A_205 : vector<16xf32>
      %parallel_loop3A_207 = arith.mulf %parallel_loop3A_202, %parallel_loop3A_206 : vector<16xf32>
      %parallel_loop3A_208 = arith.subf %parallel_loop3A_192, %parallel_loop3A_180 : vector<16xf32>
      %parallel_loop3A_209 = arith.constant 0.000000e+00 : f32
      %parallel_loop3A_210 = vector.broadcast %parallel_loop3A_209 : f32 to vector<16xf32>
      %parallel_loop3A_211 = arith.maximumf %parallel_loop3A_208, %parallel_loop3A_210 : vector<16xf32>
      %parallel_loop3A_212 = arith.subf %parallel_loop3A_198, %parallel_loop3A_186 : vector<16xf32>
      %parallel_loop3A_213 = arith.constant 0.000000e+00 : f32
      %parallel_loop3A_214 = vector.broadcast %parallel_loop3A_213 : f32 to vector<16xf32>
      %parallel_loop3A_215 = arith.maximumf %parallel_loop3A_212, %parallel_loop3A_214 : vector<16xf32>
      %parallel_loop3A_216 = arith.mulf %parallel_loop3A_211, %parallel_loop3A_215 : vector<16xf32>
      %parallel_loop3A_217 = arith.minimumf %parallel_loop3A_170, %parallel_loop3A_192 : vector<16xf32>
      %parallel_loop3A_218 = arith.maximumf %parallel_loop3A_162, %parallel_loop3A_180 : vector<16xf32>
      %parallel_loop3A_219 = arith.subf %parallel_loop3A_217, %parallel_loop3A_218 : vector<16xf32>
      %parallel_loop3A_220 = arith.constant 0.000000e+00 : f32
      %parallel_loop3A_221 = vector.broadcast %parallel_loop3A_220 : f32 to vector<16xf32>
      %parallel_loop3A_222 = arith.maximumf %parallel_loop3A_219, %parallel_loop3A_221 : vector<16xf32>
      %parallel_loop3A_223 = arith.minimumf %parallel_loop3A_174, %parallel_loop3A_198 : vector<16xf32>
      %parallel_loop3A_224 = arith.maximumf %parallel_loop3A_166, %parallel_loop3A_186 : vector<16xf32>
      %parallel_loop3A_225 = arith.subf %parallel_loop3A_223, %parallel_loop3A_224 : vector<16xf32>
      %parallel_loop3A_226 = arith.constant 0.000000e+00 : f32
      %parallel_loop3A_227 = vector.broadcast %parallel_loop3A_226 : f32 to vector<16xf32>
      %parallel_loop3A_228 = arith.maximumf %parallel_loop3A_225, %parallel_loop3A_227 : vector<16xf32>
      %parallel_loop3A_229 = arith.mulf %parallel_loop3A_222, %parallel_loop3A_228 : vector<16xf32>
      %parallel_loop3A_230 = arith.addf %parallel_loop3A_207, %parallel_loop3A_216 : vector<16xf32>
      %parallel_loop3A_231 = arith.subf %parallel_loop3A_230, %parallel_loop3A_229 : vector<16xf32>
      %parallel_loop3A_232 = arith.constant 1.000000e-07 : f32
      %parallel_loop3A_233 = vector.broadcast %parallel_loop3A_232 : f32 to vector<16xf32>
      %parallel_loop3A_234 = arith.addf %parallel_loop3A_231, %parallel_loop3A_233 : vector<16xf32>
      %parallel_loop3A_235 = arith.addf %parallel_loop3A_162, %parallel_loop3A_170 : vector<16xf32>
      %parallel_loop3A_236 = arith.addf %parallel_loop3A_180, %parallel_loop3A_192 : vector<16xf32>
      %parallel_loop3A_237 = arith.subf %parallel_loop3A_235, %parallel_loop3A_236 : vector<16xf32>
      %parallel_loop3A_238 = arith.addf %parallel_loop3A_166, %parallel_loop3A_174 : vector<16xf32>
      %parallel_loop3A_239 = arith.addf %parallel_loop3A_186, %parallel_loop3A_198 : vector<16xf32>
      %parallel_loop3A_240 = arith.subf %parallel_loop3A_238, %parallel_loop3A_239 : vector<16xf32>
      %parallel_loop3A_241 = arith.mulf %parallel_loop3A_237, %parallel_loop3A_237 : vector<16xf32>
      %parallel_loop3A_242 = arith.mulf %parallel_loop3A_240, %parallel_loop3A_240 : vector<16xf32>
      %parallel_loop3A_243 = arith.addf %parallel_loop3A_241, %parallel_loop3A_242 : vector<16xf32>
      %parallel_loop3A_244 = arith.constant 2.500000e-01 : f32
      %parallel_loop3A_245 = vector.broadcast %parallel_loop3A_244 : f32 to vector<16xf32>
      %parallel_loop3A_246 = arith.mulf %parallel_loop3A_245, %parallel_loop3A_243 : vector<16xf32>
      %parallel_loop3A_247 = arith.maximumf %parallel_loop3A_170, %parallel_loop3A_192 : vector<16xf32>
      %parallel_loop3A_248 = arith.minimumf %parallel_loop3A_162, %parallel_loop3A_180 : vector<16xf32>
      %parallel_loop3A_249 = arith.subf %parallel_loop3A_247, %parallel_loop3A_248 : vector<16xf32>
      %parallel_loop3A_250 = arith.maximumf %parallel_loop3A_174, %parallel_loop3A_198 : vector<16xf32>
      %parallel_loop3A_251 = arith.minimumf %parallel_loop3A_166, %parallel_loop3A_186 : vector<16xf32>
      %parallel_loop3A_252 = arith.subf %parallel_loop3A_250, %parallel_loop3A_251 : vector<16xf32>
      %parallel_loop3A_253 = arith.mulf %parallel_loop3A_249, %parallel_loop3A_249 : vector<16xf32>
      %parallel_loop3A_254 = arith.mulf %parallel_loop3A_252, %parallel_loop3A_252 : vector<16xf32>
      %parallel_loop3A_255 = arith.addf %parallel_loop3A_253, %parallel_loop3A_254 : vector<16xf32>
      %parallel_loop3A_256 = arith.constant 1.000000e-07 : f32
      %parallel_loop3A_257 = vector.broadcast %parallel_loop3A_256 : f32 to vector<16xf32>
      %parallel_loop3A_258 = arith.addf %parallel_loop3A_255, %parallel_loop3A_257 : vector<16xf32>
      %parallel_loop3A_259 = arith.mulf %parallel_loop3A_246, %parallel_loop3A_234 : vector<16xf32>
      %parallel_loop3A_260 = arith.mulf %parallel_loop3A_229, %parallel_loop3A_258 : vector<16xf32>
      %parallel_loop3A_261 = arith.subf %parallel_loop3A_259, %parallel_loop3A_260 : vector<16xf32>
      %parallel_loop3A_262 = arith.mulf %parallel_loop3A_234, %parallel_loop3A_258 : vector<16xf32>
      %parallel_loop3A_263 = arith.divf %parallel_loop3A_261, %parallel_loop3A_262 : vector<16xf32>
      %parallel_loop3A_264 = arith.addf %parallel_loop3A_150, %parallel_loop3A_263 : vector<16xf32>
      %parallel_loop3A_265 = arith.subf %parallel_loop3A_162, %parallel_loop3A_180 : vector<16xf32>
      %parallel_loop3A_266 = math.absf %parallel_loop3A_265 : vector<16xf32>
      %parallel_loop3A_267 = arith.constant 1.000000e+00 : f32
      %parallel_loop3A_268 = vector.broadcast %parallel_loop3A_267 : f32 to vector<16xf32>
      %parallel_loop3A_269 = arith.minimumf %parallel_loop3A_266, %parallel_loop3A_268 : vector<16xf32>
      %parallel_loop3A_270 = arith.subf %parallel_loop3A_266, %parallel_loop3A_269 : vector<16xf32>
      %parallel_loop3A_271 = arith.addf %parallel_loop3A_151, %parallel_loop3A_270 : vector<16xf32>
      %parallel_loop3A_272 = arith.mulf %parallel_loop3A_269, %parallel_loop3A_269 : vector<16xf32>
      %parallel_loop3A_273 = arith.addf %parallel_loop3A_152, %parallel_loop3A_272 : vector<16xf32>
      %parallel_loop3A_274 = arith.subf %parallel_loop3A_166, %parallel_loop3A_186 : vector<16xf32>
      %parallel_loop3A_275 = math.absf %parallel_loop3A_274 : vector<16xf32>
      %parallel_loop3A_276 = arith.constant 1.000000e+00 : f32
      %parallel_loop3A_277 = vector.broadcast %parallel_loop3A_276 : f32 to vector<16xf32>
      %parallel_loop3A_278 = arith.minimumf %parallel_loop3A_275, %parallel_loop3A_277 : vector<16xf32>
      %parallel_loop3A_279 = arith.subf %parallel_loop3A_275, %parallel_loop3A_278 : vector<16xf32>
      %parallel_loop3A_280 = arith.addf %parallel_loop3A_271, %parallel_loop3A_279 : vector<16xf32>
      %parallel_loop3A_281 = arith.mulf %parallel_loop3A_278, %parallel_loop3A_278 : vector<16xf32>
      %parallel_loop3A_282 = arith.addf %parallel_loop3A_273, %parallel_loop3A_281 : vector<16xf32>
      %parallel_loop3A_283 = arith.subf %parallel_loop3A_170, %parallel_loop3A_192 : vector<16xf32>
      %parallel_loop3A_284 = math.absf %parallel_loop3A_283 : vector<16xf32>
      %parallel_loop3A_285 = arith.constant 1.000000e+00 : f32
      %parallel_loop3A_286 = vector.broadcast %parallel_loop3A_285 : f32 to vector<16xf32>
      %parallel_loop3A_287 = arith.minimumf %parallel_loop3A_284, %parallel_loop3A_286 : vector<16xf32>
      %parallel_loop3A_288 = arith.subf %parallel_loop3A_284, %parallel_loop3A_287 : vector<16xf32>
      %parallel_loop3A_289 = arith.addf %parallel_loop3A_280, %parallel_loop3A_288 : vector<16xf32>
      %parallel_loop3A_290 = arith.mulf %parallel_loop3A_287, %parallel_loop3A_287 : vector<16xf32>
      %parallel_loop3A_291 = arith.addf %parallel_loop3A_282, %parallel_loop3A_290 : vector<16xf32>
      %parallel_loop3A_292 = arith.subf %parallel_loop3A_174, %parallel_loop3A_198 : vector<16xf32>
      %parallel_loop3A_293 = math.absf %parallel_loop3A_292 : vector<16xf32>
      %parallel_loop3A_294 = arith.constant 1.000000e+00 : f32
      %parallel_loop3A_295 = vector.broadcast %parallel_loop3A_294 : f32 to vector<16xf32>
      %parallel_loop3A_296 = arith.minimumf %parallel_loop3A_293, %parallel_loop3A_295 : vector<16xf32>
      %parallel_loop3A_297 = arith.subf %parallel_loop3A_293, %parallel_loop3A_296 : vector<16xf32>
      %parallel_loop3A_298 = arith.addf %parallel_loop3A_289, %parallel_loop3A_297 : vector<16xf32>
      %parallel_loop3A_299 = arith.mulf %parallel_loop3A_296, %parallel_loop3A_296 : vector<16xf32>
      %parallel_loop3A_300 = arith.addf %parallel_loop3A_291, %parallel_loop3A_299 : vector<16xf32>
      %parallel_loop3A_301 = arith.subf %parallel_loop3A_162, %parallel_loop3A_170 : vector<16xf32>
      %parallel_loop3A_302 = arith.subf %parallel_loop3A_166, %parallel_loop3A_174 : vector<16xf32>
      %parallel_loop3A_303 = arith.constant 0.000000e+00 : f32
      %parallel_loop3A_304 = vector.broadcast %parallel_loop3A_303 : f32 to vector<16xf32>
      %parallel_loop3A_305 = arith.maximumf %parallel_loop3A_301, %parallel_loop3A_304 : vector<16xf32>
      %parallel_loop3A_306 = arith.addf %parallel_loop3A_153, %parallel_loop3A_305 : vector<16xf32>
      %parallel_loop3A_307 = arith.constant 0.000000e+00 : f32
      %parallel_loop3A_308 = vector.broadcast %parallel_loop3A_307 : f32 to vector<16xf32>
      %parallel_loop3A_309 = arith.maximumf %parallel_loop3A_302, %parallel_loop3A_308 : vector<16xf32>
      %parallel_loop3A_310 = arith.addf %parallel_loop3A_306, %parallel_loop3A_309 : vector<16xf32>
      %parallel_loop3A_311 = arith.constant 1.000000e+00 : f32
      %parallel_loop3A_312 = vector.broadcast %parallel_loop3A_311 : f32 to vector<16xf32>
      %parallel_loop3A_313 = arith.cmpf oge, %parallel_loop3A_301, %parallel_loop3A_312 : vector<16xf32>
      %parallel_loop3A_314 = arith.constant 1.000000e+00 : f32
      %parallel_loop3A_315 = arith.constant 0.000000e+00 : f32
      %parallel_loop3A_316 = vector.broadcast %parallel_loop3A_314 : f32 to vector<16xf32>
      %parallel_loop3A_317 = vector.broadcast %parallel_loop3A_315 : f32 to vector<16xf32>
      %parallel_loop3A_318 = arith.select %parallel_loop3A_313, %parallel_loop3A_316, %parallel_loop3A_317 : vector<16xi1>, vector<16xf32>
      %parallel_loop3A_319 = arith.addf %parallel_loop3A_310, %parallel_loop3A_318 : vector<16xf32>
      %parallel_loop3A_320 = arith.constant 1.000000e+00 : f32
      %parallel_loop3A_321 = vector.broadcast %parallel_loop3A_320 : f32 to vector<16xf32>
      %parallel_loop3A_322 = arith.cmpf oge, %parallel_loop3A_302, %parallel_loop3A_321 : vector<16xf32>
      %parallel_loop3A_323 = arith.constant 1.000000e+00 : f32
      %parallel_loop3A_324 = arith.constant 0.000000e+00 : f32
      %parallel_loop3A_325 = vector.broadcast %parallel_loop3A_323 : f32 to vector<16xf32>
      %parallel_loop3A_326 = vector.broadcast %parallel_loop3A_324 : f32 to vector<16xf32>
      %parallel_loop3A_327 = arith.select %parallel_loop3A_322, %parallel_loop3A_325, %parallel_loop3A_326 : vector<16xi1>, vector<16xf32>
      %parallel_loop3A_328 = arith.addf %parallel_loop3A_319, %parallel_loop3A_327 : vector<16xf32>
      %parallel_loop3A_329 = arith.constant 0.000000e+00 : f32
      %parallel_loop3A_330 = vector.broadcast %parallel_loop3A_329 : f32 to vector<16xf32>
      %parallel_loop3A_331 = arith.minimumf %parallel_loop3A_162, %parallel_loop3A_330 : vector<16xf32>
      %parallel_loop3A_332 = arith.addf %parallel_loop3A_154, %parallel_loop3A_331 : vector<16xf32>
      %parallel_loop3A_333 = arith.constant 4.480000e+02 : f32
      %parallel_loop3A_334 = vector.broadcast %parallel_loop3A_333 : f32 to vector<16xf32>
      %parallel_loop3A_335 = arith.maximumf %parallel_loop3A_162, %parallel_loop3A_334 : vector<16xf32>
      %parallel_loop3A_336 = arith.addf %parallel_loop3A_155, %parallel_loop3A_335 : vector<16xf32>
      %parallel_loop3A_337 = arith.constant 0.000000e+00 : f32
      %parallel_loop3A_338 = vector.broadcast %parallel_loop3A_337 : f32 to vector<16xf32>
      %parallel_loop3A_339 = arith.minimumf %parallel_loop3A_166, %parallel_loop3A_338 : vector<16xf32>
      %parallel_loop3A_340 = arith.addf %parallel_loop3A_332, %parallel_loop3A_339 : vector<16xf32>
      %parallel_loop3A_341 = arith.constant 4.480000e+02 : f32
      %parallel_loop3A_342 = vector.broadcast %parallel_loop3A_341 : f32 to vector<16xf32>
      %parallel_loop3A_343 = arith.maximumf %parallel_loop3A_166, %parallel_loop3A_342 : vector<16xf32>
      %parallel_loop3A_344 = arith.addf %parallel_loop3A_336, %parallel_loop3A_343 : vector<16xf32>
      %parallel_loop3A_345 = arith.constant 0.000000e+00 : f32
      %parallel_loop3A_346 = vector.broadcast %parallel_loop3A_345 : f32 to vector<16xf32>
      %parallel_loop3A_347 = arith.minimumf %parallel_loop3A_170, %parallel_loop3A_346 : vector<16xf32>
      %parallel_loop3A_348 = arith.addf %parallel_loop3A_340, %parallel_loop3A_347 : vector<16xf32>
      %parallel_loop3A_349 = arith.constant 4.480000e+02 : f32
      %parallel_loop3A_350 = vector.broadcast %parallel_loop3A_349 : f32 to vector<16xf32>
      %parallel_loop3A_351 = arith.maximumf %parallel_loop3A_170, %parallel_loop3A_350 : vector<16xf32>
      %parallel_loop3A_352 = arith.addf %parallel_loop3A_344, %parallel_loop3A_351 : vector<16xf32>
      %parallel_loop3A_353 = arith.constant 0.000000e+00 : f32
      %parallel_loop3A_354 = vector.broadcast %parallel_loop3A_353 : f32 to vector<16xf32>
      %parallel_loop3A_355 = arith.minimumf %parallel_loop3A_174, %parallel_loop3A_354 : vector<16xf32>
      %parallel_loop3A_356 = arith.addf %parallel_loop3A_348, %parallel_loop3A_355 : vector<16xf32>
      %parallel_loop3A_357 = arith.constant 4.480000e+02 : f32
      %parallel_loop3A_358 = vector.broadcast %parallel_loop3A_357 : f32 to vector<16xf32>
      %parallel_loop3A_359 = arith.maximumf %parallel_loop3A_174, %parallel_loop3A_358 : vector<16xf32>
      %parallel_loop3A_360 = arith.addf %parallel_loop3A_352, %parallel_loop3A_359 : vector<16xf32>
      %parallel_loop3A_361 = arith.constant 1 : i32
      %parallel_loop3A_362 = arith.index_cast %parallel_loop3A_361 : i32 to index
      %parallel_loop3A_363 = arith.index_cast %parallel_loop3A_158 : i32 to index
      %parallel_loop3A_364 = tpu.vector_load %arg5[%parallel_loop3A_362, %parallel_loop3A_363] {strides = array<i32>} : memref<8x1280xf32, #tpu.memory_space<vmem>>, vector<16xf32>,
      %parallel_loop3A_365 = arith.constant 1 : i32
      %parallel_loop3A_366 = arith.index_cast %parallel_loop3A_365 : i32 to index
      %parallel_loop3A_367 = arith.index_cast %parallel_loop3A_158 : i32 to index
      %parallel_loop3A_368 = tpu.vector_load %arg6[%parallel_loop3A_366, %parallel_loop3A_367] {strides = array<i32>} : memref<8x1280xf32, #tpu.memory_space<vmem>>, vector<16xf32>,
      %parallel_loop3A_369 = arith.constant 1 : i32
      %parallel_loop3A_370 = arith.index_cast %parallel_loop3A_369 : i32 to index
      %parallel_loop3A_371 = arith.index_cast %parallel_loop3A_158 : i32 to index
      %parallel_loop3A_372 = tpu.vector_load %arg7[%parallel_loop3A_370, %parallel_loop3A_371] {strides = array<i32>} : memref<8x1280xf32, #tpu.memory_space<vmem>>, vector<16xf32>,
      %parallel_loop3A_373 = arith.constant 1 : i32
      %parallel_loop3A_374 = arith.index_cast %parallel_loop3A_373 : i32 to index
      %parallel_loop3A_375 = arith.index_cast %parallel_loop3A_158 : i32 to index
      %parallel_loop3A_376 = tpu.vector_load %arg8[%parallel_loop3A_374, %parallel_loop3A_375] {strides = array<i32>} : memref<8x1280xf32, #tpu.memory_space<vmem>>, vector<16xf32>,
      %parallel_loop3A_377 = arith.constant 1 : i32
      %parallel_loop3A_378 = arith.constant 0 : i32
      %parallel_loop3A_379 = arith.index_cast %parallel_loop3A_377 : i32 to index
      %parallel_loop3A_380 = arith.index_cast %parallel_loop3A_378 : i32 to index
      %parallel_loop3A_381 = arith.index_cast %parallel_loop3A_158 : i32 to index
      %parallel_loop3A_382 = tpu.vector_load %arg9[%parallel_loop3A_379, %parallel_loop3A_380, %parallel_loop3A_381] {strides = array<i32>} : memref<8x4x1280xf32, #tpu.memory_space<vmem>>, vector<16xf32>,
      %parallel_loop3A_383 = arith.constant 1 : i32
      %parallel_loop3A_384 = arith.constant 1 : i32
      %parallel_loop3A_385 = arith.index_cast %parallel_loop3A_383 : i32 to index
      %parallel_loop3A_386 = arith.index_cast %parallel_loop3A_384 : i32 to index
      %parallel_loop3A_387 = arith.index_cast %parallel_loop3A_158 : i32 to index
      %parallel_loop3A_388 = tpu.vector_load %arg9[%parallel_loop3A_385, %parallel_loop3A_386, %parallel_loop3A_387] {strides = array<i32>} : memref<8x4x1280xf32, #tpu.memory_space<vmem>>, vector<16xf32>,
      %parallel_loop3A_389 = arith.constant 1 : i32
      %parallel_loop3A_390 = arith.constant 2 : i32
      %parallel_loop3A_391 = arith.index_cast %parallel_loop3A_389 : i32 to index
      %parallel_loop3A_392 = arith.index_cast %parallel_loop3A_390 : i32 to index
      %parallel_loop3A_393 = arith.index_cast %parallel_loop3A_158 : i32 to index
      %parallel_loop3A_394 = tpu.vector_load %arg9[%parallel_loop3A_391, %parallel_loop3A_392, %parallel_loop3A_393] {strides = array<i32>} : memref<8x4x1280xf32, #tpu.memory_space<vmem>>, vector<16xf32>,
      %parallel_loop3A_395 = arith.constant 1 : i32
      %parallel_loop3A_396 = arith.constant 3 : i32
      %parallel_loop3A_397 = arith.index_cast %parallel_loop3A_395 : i32 to index
      %parallel_loop3A_398 = arith.index_cast %parallel_loop3A_396 : i32 to index
      %parallel_loop3A_399 = arith.index_cast %parallel_loop3A_158 : i32 to index
      %parallel_loop3A_400 = tpu.vector_load %arg9[%parallel_loop3A_397, %parallel_loop3A_398, %parallel_loop3A_399] {strides = array<i32>} : memref<8x4x1280xf32, #tpu.memory_space<vmem>>, vector<16xf32>,
      %parallel_loop3A_401 = arith.subf %parallel_loop3A_372, %parallel_loop3A_364 : vector<16xf32>
      %parallel_loop3A_402 = arith.constant 0.000000e+00 : f32
      %parallel_loop3A_403 = vector.broadcast %parallel_loop3A_402 : f32 to vector<16xf32>
      %parallel_loop3A_404 = arith.maximumf %parallel_loop3A_401, %parallel_loop3A_403 : vector<16xf32>
      %parallel_loop3A_405 = arith.subf %parallel_loop3A_376, %parallel_loop3A_368 : vector<16xf32>
      %parallel_loop3A_406 = arith.constant 0.000000e+00 : f32
      %parallel_loop3A_407 = vector.broadcast %parallel_loop3A_406 : f32 to vector<16xf32>
      %parallel_loop3A_408 = arith.maximumf %parallel_loop3A_405, %parallel_loop3A_407 : vector<16xf32>
      %parallel_loop3A_409 = arith.mulf %parallel_loop3A_404, %parallel_loop3A_408 : vector<16xf32>
      %parallel_loop3A_410 = arith.subf %parallel_loop3A_394, %parallel_loop3A_382 : vector<16xf32>
      %parallel_loop3A_411 = arith.constant 0.000000e+00 : f32
      %parallel_loop3A_412 = vector.broadcast %parallel_loop3A_411 : f32 to vector<16xf32>
      %parallel_loop3A_413 = arith.maximumf %parallel_loop3A_410, %parallel_loop3A_412 : vector<16xf32>
      %parallel_loop3A_414 = arith.subf %parallel_loop3A_400, %parallel_loop3A_388 : vector<16xf32>
      %parallel_loop3A_415 = arith.constant 0.000000e+00 : f32
      %parallel_loop3A_416 = vector.broadcast %parallel_loop3A_415 : f32 to vector<16xf32>
      %parallel_loop3A_417 = arith.maximumf %parallel_loop3A_414, %parallel_loop3A_416 : vector<16xf32>
      %parallel_loop3A_418 = arith.mulf %parallel_loop3A_413, %parallel_loop3A_417 : vector<16xf32>
      %parallel_loop3A_419 = arith.minimumf %parallel_loop3A_372, %parallel_loop3A_394 : vector<16xf32>
      %parallel_loop3A_420 = arith.maximumf %parallel_loop3A_364, %parallel_loop3A_382 : vector<16xf32>
      %parallel_loop3A_421 = arith.subf %parallel_loop3A_419, %parallel_loop3A_420 : vector<16xf32>
      %parallel_loop3A_422 = arith.constant 0.000000e+00 : f32
      %parallel_loop3A_423 = vector.broadcast %parallel_loop3A_422 : f32 to vector<16xf32>
      %parallel_loop3A_424 = arith.maximumf %parallel_loop3A_421, %parallel_loop3A_423 : vector<16xf32>
      %parallel_loop3A_425 = arith.minimumf %parallel_loop3A_376, %parallel_loop3A_400 : vector<16xf32>
      %parallel_loop3A_426 = arith.maximumf %parallel_loop3A_368, %parallel_loop3A_388 : vector<16xf32>
      %parallel_loop3A_427 = arith.subf %parallel_loop3A_425, %parallel_loop3A_426 : vector<16xf32>
      %parallel_loop3A_428 = arith.constant 0.000000e+00 : f32
      %parallel_loop3A_429 = vector.broadcast %parallel_loop3A_428 : f32 to vector<16xf32>
      %parallel_loop3A_430 = arith.maximumf %parallel_loop3A_427, %parallel_loop3A_429 : vector<16xf32>
      %parallel_loop3A_431 = arith.mulf %parallel_loop3A_424, %parallel_loop3A_430 : vector<16xf32>
      %parallel_loop3A_432 = arith.addf %parallel_loop3A_409, %parallel_loop3A_418 : vector<16xf32>
      %parallel_loop3A_433 = arith.subf %parallel_loop3A_432, %parallel_loop3A_431 : vector<16xf32>
      %parallel_loop3A_434 = arith.constant 1.000000e-07 : f32
      %parallel_loop3A_435 = vector.broadcast %parallel_loop3A_434 : f32 to vector<16xf32>
      %parallel_loop3A_436 = arith.addf %parallel_loop3A_433, %parallel_loop3A_435 : vector<16xf32>
      %parallel_loop3A_437 = arith.addf %parallel_loop3A_364, %parallel_loop3A_372 : vector<16xf32>
      %parallel_loop3A_438 = arith.addf %parallel_loop3A_382, %parallel_loop3A_394 : vector<16xf32>
      %parallel_loop3A_439 = arith.subf %parallel_loop3A_437, %parallel_loop3A_438 : vector<16xf32>
      %parallel_loop3A_440 = arith.addf %parallel_loop3A_368, %parallel_loop3A_376 : vector<16xf32>
      %parallel_loop3A_441 = arith.addf %parallel_loop3A_388, %parallel_loop3A_400 : vector<16xf32>
      %parallel_loop3A_442 = arith.subf %parallel_loop3A_440, %parallel_loop3A_441 : vector<16xf32>
      %parallel_loop3A_443 = arith.mulf %parallel_loop3A_439, %parallel_loop3A_439 : vector<16xf32>
      %parallel_loop3A_444 = arith.mulf %parallel_loop3A_442, %parallel_loop3A_442 : vector<16xf32>
      %parallel_loop3A_445 = arith.addf %parallel_loop3A_443, %parallel_loop3A_444 : vector<16xf32>
      %parallel_loop3A_446 = arith.constant 2.500000e-01 : f32
      %parallel_loop3A_447 = vector.broadcast %parallel_loop3A_446 : f32 to vector<16xf32>
      %parallel_loop3A_448 = arith.mulf %parallel_loop3A_447, %parallel_loop3A_445 : vector<16xf32>
      %parallel_loop3A_449 = arith.maximumf %parallel_loop3A_372, %parallel_loop3A_394 : vector<16xf32>
      %parallel_loop3A_450 = arith.minimumf %parallel_loop3A_364, %parallel_loop3A_382 : vector<16xf32>
      %parallel_loop3A_451 = arith.subf %parallel_loop3A_449, %parallel_loop3A_450 : vector<16xf32>
      %parallel_loop3A_452 = arith.maximumf %parallel_loop3A_376, %parallel_loop3A_400 : vector<16xf32>
      %parallel_loop3A_453 = arith.minimumf %parallel_loop3A_368, %parallel_loop3A_388 : vector<16xf32>
      %parallel_loop3A_454 = arith.subf %parallel_loop3A_452, %parallel_loop3A_453 : vector<16xf32>
      %parallel_loop3A_455 = arith.mulf %parallel_loop3A_451, %parallel_loop3A_451 : vector<16xf32>
      %parallel_loop3A_456 = arith.mulf %parallel_loop3A_454, %parallel_loop3A_454 : vector<16xf32>
      %parallel_loop3A_457 = arith.addf %parallel_loop3A_455, %parallel_loop3A_456 : vector<16xf32>
      %parallel_loop3A_458 = arith.constant 1.000000e-07 : f32
      %parallel_loop3A_459 = vector.broadcast %parallel_loop3A_458 : f32 to vector<16xf32>
      %parallel_loop3A_460 = arith.addf %parallel_loop3A_457, %parallel_loop3A_459 : vector<16xf32>
      %parallel_loop3A_461 = arith.mulf %parallel_loop3A_448, %parallel_loop3A_436 : vector<16xf32>
      %parallel_loop3A_462 = arith.mulf %parallel_loop3A_431, %parallel_loop3A_460 : vector<16xf32>
      %parallel_loop3A_463 = arith.subf %parallel_loop3A_461, %parallel_loop3A_462 : vector<16xf32>
      %parallel_loop3A_464 = arith.mulf %parallel_loop3A_436, %parallel_loop3A_460 : vector<16xf32>
      %parallel_loop3A_465 = arith.divf %parallel_loop3A_463, %parallel_loop3A_464 : vector<16xf32>
      %parallel_loop3A_466 = arith.addf %parallel_loop3A_264, %parallel_loop3A_465 : vector<16xf32>
      %parallel_loop3A_467 = arith.subf %parallel_loop3A_364, %parallel_loop3A_382 : vector<16xf32>
      %parallel_loop3A_468 = math.absf %parallel_loop3A_467 : vector<16xf32>
      %parallel_loop3A_469 = arith.constant 1.000000e+00 : f32
      %parallel_loop3A_470 = vector.broadcast %parallel_loop3A_469 : f32 to vector<16xf32>
      %parallel_loop3A_471 = arith.minimumf %parallel_loop3A_468, %parallel_loop3A_470 : vector<16xf32>
      %parallel_loop3A_472 = arith.subf %parallel_loop3A_468, %parallel_loop3A_471 : vector<16xf32>
      %parallel_loop3A_473 = arith.addf %parallel_loop3A_298, %parallel_loop3A_472 : vector<16xf32>
      %parallel_loop3A_474 = arith.mulf %parallel_loop3A_471, %parallel_loop3A_471 : vector<16xf32>
      %parallel_loop3A_475 = arith.addf %parallel_loop3A_300, %parallel_loop3A_474 : vector<16xf32>
      %parallel_loop3A_476 = arith.subf %parallel_loop3A_368, %parallel_loop3A_388 : vector<16xf32>
      %parallel_loop3A_477 = math.absf %parallel_loop3A_476 : vector<16xf32>
      %parallel_loop3A_478 = arith.constant 1.000000e+00 : f32
      %parallel_loop3A_479 = vector.broadcast %parallel_loop3A_478 : f32 to vector<16xf32>
      %parallel_loop3A_480 = arith.minimumf %parallel_loop3A_477, %parallel_loop3A_479 : vector<16xf32>
      %parallel_loop3A_481 = arith.subf %parallel_loop3A_477, %parallel_loop3A_480 : vector<16xf32>
      %parallel_loop3A_482 = arith.addf %parallel_loop3A_473, %parallel_loop3A_481 : vector<16xf32>
      %parallel_loop3A_483 = arith.mulf %parallel_loop3A_480, %parallel_loop3A_480 : vector<16xf32>
      %parallel_loop3A_484 = arith.addf %parallel_loop3A_475, %parallel_loop3A_483 : vector<16xf32>
      %parallel_loop3A_485 = arith.subf %parallel_loop3A_372, %parallel_loop3A_394 : vector<16xf32>
      %parallel_loop3A_486 = math.absf %parallel_loop3A_485 : vector<16xf32>
      %parallel_loop3A_487 = arith.constant 1.000000e+00 : f32
      %parallel_loop3A_488 = vector.broadcast %parallel_loop3A_487 : f32 to vector<16xf32>
      %parallel_loop3A_489 = arith.minimumf %parallel_loop3A_486, %parallel_loop3A_488 : vector<16xf32>
      %parallel_loop3A_490 = arith.subf %parallel_loop3A_486, %parallel_loop3A_489 : vector<16xf32>
      %parallel_loop3A_491 = arith.addf %parallel_loop3A_482, %parallel_loop3A_490 : vector<16xf32>
      %parallel_loop3A_492 = arith.mulf %parallel_loop3A_489, %parallel_loop3A_489 : vector<16xf32>
      %parallel_loop3A_493 = arith.addf %parallel_loop3A_484, %parallel_loop3A_492 : vector<16xf32>
      %parallel_loop3A_494 = arith.subf %parallel_loop3A_376, %parallel_loop3A_400 : vector<16xf32>
      %parallel_loop3A_495 = math.absf %parallel_loop3A_494 : vector<16xf32>
      %parallel_loop3A_496 = arith.constant 1.000000e+00 : f32
      %parallel_loop3A_497 = vector.broadcast %parallel_loop3A_496 : f32 to vector<16xf32>
      %parallel_loop3A_498 = arith.minimumf %parallel_loop3A_495, %parallel_loop3A_497 : vector<16xf32>
      %parallel_loop3A_499 = arith.subf %parallel_loop3A_495, %parallel_loop3A_498 : vector<16xf32>
      %parallel_loop3A_500 = arith.addf %parallel_loop3A_491, %parallel_loop3A_499 : vector<16xf32>
      %parallel_loop3A_501 = arith.mulf %parallel_loop3A_498, %parallel_loop3A_498 : vector<16xf32>
      %parallel_loop3A_502 = arith.addf %parallel_loop3A_493, %parallel_loop3A_501 : vector<16xf32>
      %parallel_loop3A_503 = arith.subf %parallel_loop3A_364, %parallel_loop3A_372 : vector<16xf32>
      %parallel_loop3A_504 = arith.subf %parallel_loop3A_368, %parallel_loop3A_376 : vector<16xf32>
      %parallel_loop3A_505 = arith.constant 0.000000e+00 : f32
      %parallel_loop3A_506 = vector.broadcast %parallel_loop3A_505 : f32 to vector<16xf32>
      %parallel_loop3A_507 = arith.maximumf %parallel_loop3A_503, %parallel_loop3A_506 : vector<16xf32>
      %parallel_loop3A_508 = arith.addf %parallel_loop3A_328, %parallel_loop3A_507 : vector<16xf32>
      %parallel_loop3A_509 = arith.constant 0.000000e+00 : f32
      %parallel_loop3A_510 = vector.broadcast %parallel_loop3A_509 : f32 to vector<16xf32>
      %parallel_loop3A_511 = arith.maximumf %parallel_loop3A_504, %parallel_loop3A_510 : vector<16xf32>
      %parallel_loop3A_512 = arith.addf %parallel_loop3A_508, %parallel_loop3A_511 : vector<16xf32>
      %parallel_loop3A_513 = arith.constant 1.000000e+00 : f32
      %parallel_loop3A_514 = vector.broadcast %parallel_loop3A_513 : f32 to vector<16xf32>
      %parallel_loop3A_515 = arith.cmpf oge, %parallel_loop3A_503, %parallel_loop3A_514 : vector<16xf32>
      %parallel_loop3A_516 = arith.constant 1.000000e+00 : f32
      %parallel_loop3A_517 = arith.constant 0.000000e+00 : f32
      %parallel_loop3A_518 = vector.broadcast %parallel_loop3A_516 : f32 to vector<16xf32>
      %parallel_loop3A_519 = vector.broadcast %parallel_loop3A_517 : f32 to vector<16xf32>
      %parallel_loop3A_520 = arith.select %parallel_loop3A_515, %parallel_loop3A_518, %parallel_loop3A_519 : vector<16xi1>, vector<16xf32>
      %parallel_loop3A_521 = arith.addf %parallel_loop3A_512, %parallel_loop3A_520 : vector<16xf32>
      %parallel_loop3A_522 = arith.constant 1.000000e+00 : f32
      %parallel_loop3A_523 = vector.broadcast %parallel_loop3A_522 : f32 to vector<16xf32>
      %parallel_loop3A_524 = arith.cmpf oge, %parallel_loop3A_504, %parallel_loop3A_523 : vector<16xf32>
      %parallel_loop3A_525 = arith.constant 1.000000e+00 : f32
      %parallel_loop3A_526 = arith.constant 0.000000e+00 : f32
      %parallel_loop3A_527 = vector.broadcast %parallel_loop3A_525 : f32 to vector<16xf32>
      %parallel_loop3A_528 = vector.broadcast %parallel_loop3A_526 : f32 to vector<16xf32>
      %parallel_loop3A_529 = arith.select %parallel_loop3A_524, %parallel_loop3A_527, %parallel_loop3A_528 : vector<16xi1>, vector<16xf32>
      %parallel_loop3A_530 = arith.addf %parallel_loop3A_521, %parallel_loop3A_529 : vector<16xf32>
      %parallel_loop3A_531 = arith.constant 0.000000e+00 : f32
      %parallel_loop3A_532 = vector.broadcast %parallel_loop3A_531 : f32 to vector<16xf32>
      %parallel_loop3A_533 = arith.minimumf %parallel_loop3A_364, %parallel_loop3A_532 : vector<16xf32>
      %parallel_loop3A_534 = arith.addf %parallel_loop3A_356, %parallel_loop3A_533 : vector<16xf32>
      %parallel_loop3A_535 = arith.constant 4.480000e+02 : f32
      %parallel_loop3A_536 = vector.broadcast %parallel_loop3A_535 : f32 to vector<16xf32>
      %parallel_loop3A_537 = arith.maximumf %parallel_loop3A_364, %parallel_loop3A_536 : vector<16xf32>
      %parallel_loop3A_538 = arith.addf %parallel_loop3A_360, %parallel_loop3A_537 : vector<16xf32>
      %parallel_loop3A_539 = arith.constant 0.000000e+00 : f32
      %parallel_loop3A_540 = vector.broadcast %parallel_loop3A_539 : f32 to vector<16xf32>
      %parallel_loop3A_541 = arith.minimumf %parallel_loop3A_368, %parallel_loop3A_540 : vector<16xf32>
      %parallel_loop3A_542 = arith.addf %parallel_loop3A_534, %parallel_loop3A_541 : vector<16xf32>
      %parallel_loop3A_543 = arith.constant 4.480000e+02 : f32
      %parallel_loop3A_544 = vector.broadcast %parallel_loop3A_543 : f32 to vector<16xf32>
      %parallel_loop3A_545 = arith.maximumf %parallel_loop3A_368, %parallel_loop3A_544 : vector<16xf32>
      %parallel_loop3A_546 = arith.addf %parallel_loop3A_538, %parallel_loop3A_545 : vector<16xf32>
      %parallel_loop3A_547 = arith.constant 0.000000e+00 : f32
      %parallel_loop3A_548 = vector.broadcast %parallel_loop3A_547 : f32 to vector<16xf32>
      %parallel_loop3A_549 = arith.minimumf %parallel_loop3A_372, %parallel_loop3A_548 : vector<16xf32>
      %parallel_loop3A_550 = arith.addf %parallel_loop3A_542, %parallel_loop3A_549 : vector<16xf32>
      %parallel_loop3A_551 = arith.constant 4.480000e+02 : f32
      %parallel_loop3A_552 = vector.broadcast %parallel_loop3A_551 : f32 to vector<16xf32>
      %parallel_loop3A_553 = arith.maximumf %parallel_loop3A_372, %parallel_loop3A_552 : vector<16xf32>
      %parallel_loop3A_554 = arith.addf %parallel_loop3A_546, %parallel_loop3A_553 : vector<16xf32>
      %parallel_loop3A_555 = arith.constant 0.000000e+00 : f32
      %parallel_loop3A_556 = vector.broadcast %parallel_loop3A_555 : f32 to vector<16xf32>
      %parallel_loop3A_557 = arith.minimumf %parallel_loop3A_376, %parallel_loop3A_556 : vector<16xf32>
      %parallel_loop3A_558 = arith.addf %parallel_loop3A_550, %parallel_loop3A_557 : vector<16xf32>
      %parallel_loop3A_559 = arith.constant 4.480000e+02 : f32
      %parallel_loop3A_560 = vector.broadcast %parallel_loop3A_559 : f32 to vector<16xf32>
      %parallel_loop3A_561 = arith.maximumf %parallel_loop3A_376, %parallel_loop3A_560 : vector<16xf32>
      %parallel_loop3A_562 = arith.addf %parallel_loop3A_554, %parallel_loop3A_561 : vector<16xf32>
      %parallel_loop3A_563 = arith.constant 2 : i32
      %parallel_loop3A_564 = arith.index_cast %parallel_loop3A_563 : i32 to index
      %parallel_loop3A_565 = arith.index_cast %parallel_loop3A_158 : i32 to index
      %parallel_loop3A_566 = tpu.vector_load %arg5[%parallel_loop3A_564, %parallel_loop3A_565] {strides = array<i32>} : memref<8x1280xf32, #tpu.memory_space<vmem>>, vector<16xf32>,
      %parallel_loop3A_567 = arith.constant 2 : i32
      %parallel_loop3A_568 = arith.index_cast %parallel_loop3A_567 : i32 to index
      %parallel_loop3A_569 = arith.index_cast %parallel_loop3A_158 : i32 to index
      %parallel_loop3A_570 = tpu.vector_load %arg6[%parallel_loop3A_568, %parallel_loop3A_569] {strides = array<i32>} : memref<8x1280xf32, #tpu.memory_space<vmem>>, vector<16xf32>,
      %parallel_loop3A_571 = arith.constant 2 : i32
      %parallel_loop3A_572 = arith.index_cast %parallel_loop3A_571 : i32 to index
      %parallel_loop3A_573 = arith.index_cast %parallel_loop3A_158 : i32 to index
      %parallel_loop3A_574 = tpu.vector_load %arg7[%parallel_loop3A_572, %parallel_loop3A_573] {strides = array<i32>} : memref<8x1280xf32, #tpu.memory_space<vmem>>, vector<16xf32>,
      %parallel_loop3A_575 = arith.constant 2 : i32
      %parallel_loop3A_576 = arith.index_cast %parallel_loop3A_575 : i32 to index
      %parallel_loop3A_577 = arith.index_cast %parallel_loop3A_158 : i32 to index
      %parallel_loop3A_578 = tpu.vector_load %arg8[%parallel_loop3A_576, %parallel_loop3A_577] {strides = array<i32>} : memref<8x1280xf32, #tpu.memory_space<vmem>>, vector<16xf32>,
      %parallel_loop3A_579 = arith.constant 2 : i32
      %parallel_loop3A_580 = arith.constant 0 : i32
      %parallel_loop3A_581 = arith.index_cast %parallel_loop3A_579 : i32 to index
      %parallel_loop3A_582 = arith.index_cast %parallel_loop3A_580 : i32 to index
      %parallel_loop3A_583 = arith.index_cast %parallel_loop3A_158 : i32 to index
      %parallel_loop3A_584 = tpu.vector_load %arg9[%parallel_loop3A_581, %parallel_loop3A_582, %parallel_loop3A_583] {strides = array<i32>} : memref<8x4x1280xf32, #tpu.memory_space<vmem>>, vector<16xf32>,
      %parallel_loop3A_585 = arith.constant 2 : i32
      %parallel_loop3A_586 = arith.constant 1 : i32
      %parallel_loop3A_587 = arith.index_cast %parallel_loop3A_585 : i32 to index
      %parallel_loop3A_588 = arith.index_cast %parallel_loop3A_586 : i32 to index
      %parallel_loop3A_589 = arith.index_cast %parallel_loop3A_158 : i32 to index
      %parallel_loop3A_590 = tpu.vector_load %arg9[%parallel_loop3A_587, %parallel_loop3A_588, %parallel_loop3A_589] {strides = array<i32>} : memref<8x4x1280xf32, #tpu.memory_space<vmem>>, vector<16xf32>,
      %parallel_loop3A_591 = arith.constant 2 : i32
      %parallel_loop3A_592 = arith.constant 2 : i32
      %parallel_loop3A_593 = arith.index_cast %parallel_loop3A_591 : i32 to index
      %parallel_loop3A_594 = arith.index_cast %parallel_loop3A_592 : i32 to index
      %parallel_loop3A_595 = arith.index_cast %parallel_loop3A_158 : i32 to index
      %parallel_loop3A_596 = tpu.vector_load %arg9[%parallel_loop3A_593, %parallel_loop3A_594, %parallel_loop3A_595] {strides = array<i32>} : memref<8x4x1280xf32, #tpu.memory_space<vmem>>, vector<16xf32>,
      %parallel_loop3A_597 = arith.constant 2 : i32
      %parallel_loop3A_598 = arith.constant 3 : i32
      %parallel_loop3A_599 = arith.index_cast %parallel_loop3A_597 : i32 to index
      %parallel_loop3A_600 = arith.index_cast %parallel_loop3A_598 : i32 to index
      %parallel_loop3A_601 = arith.index_cast %parallel_loop3A_158 : i32 to index
      %parallel_loop3A_602 = tpu.vector_load %arg9[%parallel_loop3A_599, %parallel_loop3A_600, %parallel_loop3A_601] {strides = array<i32>} : memref<8x4x1280xf32, #tpu.memory_space<vmem>>, vector<16xf32>,
      %parallel_loop3A_603 = arith.subf %parallel_loop3A_574, %parallel_loop3A_566 : vector<16xf32>
      %parallel_loop3A_604 = arith.constant 0.000000e+00 : f32
      %parallel_loop3A_605 = vector.broadcast %parallel_loop3A_604 : f32 to vector<16xf32>
      %parallel_loop3A_606 = arith.maximumf %parallel_loop3A_603, %parallel_loop3A_605 : vector<16xf32>
      %parallel_loop3A_607 = arith.subf %parallel_loop3A_578, %parallel_loop3A_570 : vector<16xf32>
      %parallel_loop3A_608 = arith.constant 0.000000e+00 : f32
      %parallel_loop3A_609 = vector.broadcast %parallel_loop3A_608 : f32 to vector<16xf32>
      %parallel_loop3A_610 = arith.maximumf %parallel_loop3A_607, %parallel_loop3A_609 : vector<16xf32>
      %parallel_loop3A_611 = arith.mulf %parallel_loop3A_606, %parallel_loop3A_610 : vector<16xf32>
      %parallel_loop3A_612 = arith.subf %parallel_loop3A_596, %parallel_loop3A_584 : vector<16xf32>
      %parallel_loop3A_613 = arith.constant 0.000000e+00 : f32
      %parallel_loop3A_614 = vector.broadcast %parallel_loop3A_613 : f32 to vector<16xf32>
      %parallel_loop3A_615 = arith.maximumf %parallel_loop3A_612, %parallel_loop3A_614 : vector<16xf32>
      %parallel_loop3A_616 = arith.subf %parallel_loop3A_602, %parallel_loop3A_590 : vector<16xf32>
      %parallel_loop3A_617 = arith.constant 0.000000e+00 : f32
      %parallel_loop3A_618 = vector.broadcast %parallel_loop3A_617 : f32 to vector<16xf32>
      %parallel_loop3A_619 = arith.maximumf %parallel_loop3A_616, %parallel_loop3A_618 : vector<16xf32>
      %parallel_loop3A_620 = arith.mulf %parallel_loop3A_615, %parallel_loop3A_619 : vector<16xf32>
      %parallel_loop3A_621 = arith.minimumf %parallel_loop3A_574, %parallel_loop3A_596 : vector<16xf32>
      %parallel_loop3A_622 = arith.maximumf %parallel_loop3A_566, %parallel_loop3A_584 : vector<16xf32>
      %parallel_loop3A_623 = arith.subf %parallel_loop3A_621, %parallel_loop3A_622 : vector<16xf32>
      %parallel_loop3A_624 = arith.constant 0.000000e+00 : f32
      %parallel_loop3A_625 = vector.broadcast %parallel_loop3A_624 : f32 to vector<16xf32>
      %parallel_loop3A_626 = arith.maximumf %parallel_loop3A_623, %parallel_loop3A_625 : vector<16xf32>
      %parallel_loop3A_627 = arith.minimumf %parallel_loop3A_578, %parallel_loop3A_602 : vector<16xf32>
      %parallel_loop3A_628 = arith.maximumf %parallel_loop3A_570, %parallel_loop3A_590 : vector<16xf32>
      %parallel_loop3A_629 = arith.subf %parallel_loop3A_627, %parallel_loop3A_628 : vector<16xf32>
      %parallel_loop3A_630 = arith.constant 0.000000e+00 : f32
      %parallel_loop3A_631 = vector.broadcast %parallel_loop3A_630 : f32 to vector<16xf32>
      %parallel_loop3A_632 = arith.maximumf %parallel_loop3A_629, %parallel_loop3A_631 : vector<16xf32>
      %parallel_loop3A_633 = arith.mulf %parallel_loop3A_626, %parallel_loop3A_632 : vector<16xf32>
      %parallel_loop3A_634 = arith.addf %parallel_loop3A_611, %parallel_loop3A_620 : vector<16xf32>
      %parallel_loop3A_635 = arith.subf %parallel_loop3A_634, %parallel_loop3A_633 : vector<16xf32>
      %parallel_loop3A_636 = arith.constant 1.000000e-07 : f32
      %parallel_loop3A_637 = vector.broadcast %parallel_loop3A_636 : f32 to vector<16xf32>
      %parallel_loop3A_638 = arith.addf %parallel_loop3A_635, %parallel_loop3A_637 : vector<16xf32>
      %parallel_loop3A_639 = arith.addf %parallel_loop3A_566, %parallel_loop3A_574 : vector<16xf32>
      %parallel_loop3A_640 = arith.addf %parallel_loop3A_584, %parallel_loop3A_596 : vector<16xf32>
      %parallel_loop3A_641 = arith.subf %parallel_loop3A_639, %parallel_loop3A_640 : vector<16xf32>
      %parallel_loop3A_642 = arith.addf %parallel_loop3A_570, %parallel_loop3A_578 : vector<16xf32>
      %parallel_loop3A_643 = arith.addf %parallel_loop3A_590, %parallel_loop3A_602 : vector<16xf32>
      %parallel_loop3A_644 = arith.subf %parallel_loop3A_642, %parallel_loop3A_643 : vector<16xf32>
      %parallel_loop3A_645 = arith.mulf %parallel_loop3A_641, %parallel_loop3A_641 : vector<16xf32>
      %parallel_loop3A_646 = arith.mulf %parallel_loop3A_644, %parallel_loop3A_644 : vector<16xf32>
      %parallel_loop3A_647 = arith.addf %parallel_loop3A_645, %parallel_loop3A_646 : vector<16xf32>
      %parallel_loop3A_648 = arith.constant 2.500000e-01 : f32
      %parallel_loop3A_649 = vector.broadcast %parallel_loop3A_648 : f32 to vector<16xf32>
      %parallel_loop3A_650 = arith.mulf %parallel_loop3A_649, %parallel_loop3A_647 : vector<16xf32>
      %parallel_loop3A_651 = arith.maximumf %parallel_loop3A_574, %parallel_loop3A_596 : vector<16xf32>
      %parallel_loop3A_652 = arith.minimumf %parallel_loop3A_566, %parallel_loop3A_584 : vector<16xf32>
      %parallel_loop3A_653 = arith.subf %parallel_loop3A_651, %parallel_loop3A_652 : vector<16xf32>
      %parallel_loop3A_654 = arith.maximumf %parallel_loop3A_578, %parallel_loop3A_602 : vector<16xf32>
      %parallel_loop3A_655 = arith.minimumf %parallel_loop3A_570, %parallel_loop3A_590 : vector<16xf32>
      %parallel_loop3A_656 = arith.subf %parallel_loop3A_654, %parallel_loop3A_655 : vector<16xf32>
      %parallel_loop3A_657 = arith.mulf %parallel_loop3A_653, %parallel_loop3A_653 : vector<16xf32>
      %parallel_loop3A_658 = arith.mulf %parallel_loop3A_656, %parallel_loop3A_656 : vector<16xf32>
      %parallel_loop3A_659 = arith.addf %parallel_loop3A_657, %parallel_loop3A_658 : vector<16xf32>
      %parallel_loop3A_660 = arith.constant 1.000000e-07 : f32
      %parallel_loop3A_661 = vector.broadcast %parallel_loop3A_660 : f32 to vector<16xf32>
      %parallel_loop3A_662 = arith.addf %parallel_loop3A_659, %parallel_loop3A_661 : vector<16xf32>
      %parallel_loop3A_663 = arith.mulf %parallel_loop3A_650, %parallel_loop3A_638 : vector<16xf32>
      %parallel_loop3A_664 = arith.mulf %parallel_loop3A_633, %parallel_loop3A_662 : vector<16xf32>
      %parallel_loop3A_665 = arith.subf %parallel_loop3A_663, %parallel_loop3A_664 : vector<16xf32>
      %parallel_loop3A_666 = arith.mulf %parallel_loop3A_638, %parallel_loop3A_662 : vector<16xf32>
      %parallel_loop3A_667 = arith.divf %parallel_loop3A_665, %parallel_loop3A_666 : vector<16xf32>
      %parallel_loop3A_668 = arith.addf %parallel_loop3A_466, %parallel_loop3A_667 : vector<16xf32>
      %parallel_loop3A_669 = arith.subf %parallel_loop3A_566, %parallel_loop3A_584 : vector<16xf32>
      %parallel_loop3A_670 = math.absf %parallel_loop3A_669 : vector<16xf32>
      %parallel_loop3A_671 = arith.constant 1.000000e+00 : f32
      %parallel_loop3A_672 = vector.broadcast %parallel_loop3A_671 : f32 to vector<16xf32>
      %parallel_loop3A_673 = arith.minimumf %parallel_loop3A_670, %parallel_loop3A_672 : vector<16xf32>
      %parallel_loop3A_674 = arith.subf %parallel_loop3A_670, %parallel_loop3A_673 : vector<16xf32>
      %parallel_loop3A_675 = arith.addf %parallel_loop3A_500, %parallel_loop3A_674 : vector<16xf32>
      %parallel_loop3A_676 = arith.mulf %parallel_loop3A_673, %parallel_loop3A_673 : vector<16xf32>
      %parallel_loop3A_677 = arith.addf %parallel_loop3A_502, %parallel_loop3A_676 : vector<16xf32>
      %parallel_loop3A_678 = arith.subf %parallel_loop3A_570, %parallel_loop3A_590 : vector<16xf32>
      %parallel_loop3A_679 = math.absf %parallel_loop3A_678 : vector<16xf32>
      %parallel_loop3A_680 = arith.constant 1.000000e+00 : f32
      %parallel_loop3A_681 = vector.broadcast %parallel_loop3A_680 : f32 to vector<16xf32>
      %parallel_loop3A_682 = arith.minimumf %parallel_loop3A_679, %parallel_loop3A_681 : vector<16xf32>
      %parallel_loop3A_683 = arith.subf %parallel_loop3A_679, %parallel_loop3A_682 : vector<16xf32>
      %parallel_loop3A_684 = arith.addf %parallel_loop3A_675, %parallel_loop3A_683 : vector<16xf32>
      %parallel_loop3A_685 = arith.mulf %parallel_loop3A_682, %parallel_loop3A_682 : vector<16xf32>
      %parallel_loop3A_686 = arith.addf %parallel_loop3A_677, %parallel_loop3A_685 : vector<16xf32>
      %parallel_loop3A_687 = arith.subf %parallel_loop3A_574, %parallel_loop3A_596 : vector<16xf32>
      %parallel_loop3A_688 = math.absf %parallel_loop3A_687 : vector<16xf32>
      %parallel_loop3A_689 = arith.constant 1.000000e+00 : f32
      %parallel_loop3A_690 = vector.broadcast %parallel_loop3A_689 : f32 to vector<16xf32>
      %parallel_loop3A_691 = arith.minimumf %parallel_loop3A_688, %parallel_loop3A_690 : vector<16xf32>
      %parallel_loop3A_692 = arith.subf %parallel_loop3A_688, %parallel_loop3A_691 : vector<16xf32>
      %parallel_loop3A_693 = arith.addf %parallel_loop3A_684, %parallel_loop3A_692 : vector<16xf32>
      %parallel_loop3A_694 = arith.mulf %parallel_loop3A_691, %parallel_loop3A_691 : vector<16xf32>
      %parallel_loop3A_695 = arith.addf %parallel_loop3A_686, %parallel_loop3A_694 : vector<16xf32>
      %parallel_loop3A_696 = arith.subf %parallel_loop3A_578, %parallel_loop3A_602 : vector<16xf32>
      %parallel_loop3A_697 = math.absf %parallel_loop3A_696 : vector<16xf32>
      %parallel_loop3A_698 = arith.constant 1.000000e+00 : f32
      %parallel_loop3A_699 = vector.broadcast %parallel_loop3A_698 : f32 to vector<16xf32>
      %parallel_loop3A_700 = arith.minimumf %parallel_loop3A_697, %parallel_loop3A_699 : vector<16xf32>
      %parallel_loop3A_701 = arith.subf %parallel_loop3A_697, %parallel_loop3A_700 : vector<16xf32>
      %parallel_loop3A_702 = arith.addf %parallel_loop3A_693, %parallel_loop3A_701 : vector<16xf32>
      %parallel_loop3A_703 = arith.mulf %parallel_loop3A_700, %parallel_loop3A_700 : vector<16xf32>
      %parallel_loop3A_704 = arith.addf %parallel_loop3A_695, %parallel_loop3A_703 : vector<16xf32>
      %parallel_loop3A_705 = arith.subf %parallel_loop3A_566, %parallel_loop3A_574 : vector<16xf32>
      %parallel_loop3A_706 = arith.subf %parallel_loop3A_570, %parallel_loop3A_578 : vector<16xf32>
      %parallel_loop3A_707 = arith.constant 0.000000e+00 : f32
      %parallel_loop3A_708 = vector.broadcast %parallel_loop3A_707 : f32 to vector<16xf32>
      %parallel_loop3A_709 = arith.maximumf %parallel_loop3A_705, %parallel_loop3A_708 : vector<16xf32>
      %parallel_loop3A_710 = arith.addf %parallel_loop3A_530, %parallel_loop3A_709 : vector<16xf32>
      %parallel_loop3A_711 = arith.constant 0.000000e+00 : f32
      %parallel_loop3A_712 = vector.broadcast %parallel_loop3A_711 : f32 to vector<16xf32>
      %parallel_loop3A_713 = arith.maximumf %parallel_loop3A_706, %parallel_loop3A_712 : vector<16xf32>
      %parallel_loop3A_714 = arith.addf %parallel_loop3A_710, %parallel_loop3A_713 : vector<16xf32>
      %parallel_loop3A_715 = arith.constant 1.000000e+00 : f32
      %parallel_loop3A_716 = vector.broadcast %parallel_loop3A_715 : f32 to vector<16xf32>
      %parallel_loop3A_717 = arith.cmpf oge, %parallel_loop3A_705, %parallel_loop3A_716 : vector<16xf32>
      %parallel_loop3A_718 = arith.constant 1.000000e+00 : f32
      %parallel_loop3A_719 = arith.constant 0.000000e+00 : f32
      %parallel_loop3A_720 = vector.broadcast %parallel_loop3A_718 : f32 to vector<16xf32>
      %parallel_loop3A_721 = vector.broadcast %parallel_loop3A_719 : f32 to vector<16xf32>
      %parallel_loop3A_722 = arith.select %parallel_loop3A_717, %parallel_loop3A_720, %parallel_loop3A_721 : vector<16xi1>, vector<16xf32>
      %parallel_loop3A_723 = arith.addf %parallel_loop3A_714, %parallel_loop3A_722 : vector<16xf32>
      %parallel_loop3A_724 = arith.constant 1.000000e+00 : f32
      %parallel_loop3A_725 = vector.broadcast %parallel_loop3A_724 : f32 to vector<16xf32>
      %parallel_loop3A_726 = arith.cmpf oge, %parallel_loop3A_706, %parallel_loop3A_725 : vector<16xf32>
      %parallel_loop3A_727 = arith.constant 1.000000e+00 : f32
      %parallel_loop3A_728 = arith.constant 0.000000e+00 : f32
      %parallel_loop3A_729 = vector.broadcast %parallel_loop3A_727 : f32 to vector<16xf32>
      %parallel_loop3A_730 = vector.broadcast %parallel_loop3A_728 : f32 to vector<16xf32>
      %parallel_loop3A_731 = arith.select %parallel_loop3A_726, %parallel_loop3A_729, %parallel_loop3A_730 : vector<16xi1>, vector<16xf32>
      %parallel_loop3A_732 = arith.addf %parallel_loop3A_723, %parallel_loop3A_731 : vector<16xf32>
      %parallel_loop3A_733 = arith.constant 0.000000e+00 : f32
      %parallel_loop3A_734 = vector.broadcast %parallel_loop3A_733 : f32 to vector<16xf32>
      %parallel_loop3A_735 = arith.minimumf %parallel_loop3A_566, %parallel_loop3A_734 : vector<16xf32>
      %parallel_loop3A_736 = arith.addf %parallel_loop3A_558, %parallel_loop3A_735 : vector<16xf32>
      %parallel_loop3A_737 = arith.constant 4.480000e+02 : f32
      %parallel_loop3A_738 = vector.broadcast %parallel_loop3A_737 : f32 to vector<16xf32>
      %parallel_loop3A_739 = arith.maximumf %parallel_loop3A_566, %parallel_loop3A_738 : vector<16xf32>
      %parallel_loop3A_740 = arith.addf %parallel_loop3A_562, %parallel_loop3A_739 : vector<16xf32>
      %parallel_loop3A_741 = arith.constant 0.000000e+00 : f32
      %parallel_loop3A_742 = vector.broadcast %parallel_loop3A_741 : f32 to vector<16xf32>
      %parallel_loop3A_743 = arith.minimumf %parallel_loop3A_570, %parallel_loop3A_742 : vector<16xf32>
      %parallel_loop3A_744 = arith.addf %parallel_loop3A_736, %parallel_loop3A_743 : vector<16xf32>
      %parallel_loop3A_745 = arith.constant 4.480000e+02 : f32
      %parallel_loop3A_746 = vector.broadcast %parallel_loop3A_745 : f32 to vector<16xf32>
      %parallel_loop3A_747 = arith.maximumf %parallel_loop3A_570, %parallel_loop3A_746 : vector<16xf32>
      %parallel_loop3A_748 = arith.addf %parallel_loop3A_740, %parallel_loop3A_747 : vector<16xf32>
      %parallel_loop3A_749 = arith.constant 0.000000e+00 : f32
      %parallel_loop3A_750 = vector.broadcast %parallel_loop3A_749 : f32 to vector<16xf32>
      %parallel_loop3A_751 = arith.minimumf %parallel_loop3A_574, %parallel_loop3A_750 : vector<16xf32>
      %parallel_loop3A_752 = arith.addf %parallel_loop3A_744, %parallel_loop3A_751 : vector<16xf32>
      %parallel_loop3A_753 = arith.constant 4.480000e+02 : f32
      %parallel_loop3A_754 = vector.broadcast %parallel_loop3A_753 : f32 to vector<16xf32>
      %parallel_loop3A_755 = arith.maximumf %parallel_loop3A_574, %parallel_loop3A_754 : vector<16xf32>
      %parallel_loop3A_756 = arith.addf %parallel_loop3A_748, %parallel_loop3A_755 : vector<16xf32>
      %parallel_loop3A_757 = arith.constant 0.000000e+00 : f32
      %parallel_loop3A_758 = vector.broadcast %parallel_loop3A_757 : f32 to vector<16xf32>
      %parallel_loop3A_759 = arith.minimumf %parallel_loop3A_578, %parallel_loop3A_758 : vector<16xf32>
      %parallel_loop3A_760 = arith.addf %parallel_loop3A_752, %parallel_loop3A_759 : vector<16xf32>
      %parallel_loop3A_761 = arith.constant 4.480000e+02 : f32
      %parallel_loop3A_762 = vector.broadcast %parallel_loop3A_761 : f32 to vector<16xf32>
      %parallel_loop3A_763 = arith.maximumf %parallel_loop3A_578, %parallel_loop3A_762 : vector<16xf32>
      %parallel_loop3A_764 = arith.addf %parallel_loop3A_756, %parallel_loop3A_763 : vector<16xf32>
      %parallel_loop3A_765 = arith.constant 3 : i32
      %parallel_loop3A_766 = arith.index_cast %parallel_loop3A_765 : i32 to index
      %parallel_loop3A_767 = arith.index_cast %parallel_loop3A_158 : i32 to index
      %parallel_loop3A_768 = tpu.vector_load %arg5[%parallel_loop3A_766, %parallel_loop3A_767] {strides = array<i32>} : memref<8x1280xf32, #tpu.memory_space<vmem>>, vector<16xf32>,
      %parallel_loop3A_769 = arith.constant 3 : i32
      %parallel_loop3A_770 = arith.index_cast %parallel_loop3A_769 : i32 to index
      %parallel_loop3A_771 = arith.index_cast %parallel_loop3A_158 : i32 to index
      %parallel_loop3A_772 = tpu.vector_load %arg6[%parallel_loop3A_770, %parallel_loop3A_771] {strides = array<i32>} : memref<8x1280xf32, #tpu.memory_space<vmem>>, vector<16xf32>,
      %parallel_loop3A_773 = arith.constant 3 : i32
      %parallel_loop3A_774 = arith.index_cast %parallel_loop3A_773 : i32 to index
      %parallel_loop3A_775 = arith.index_cast %parallel_loop3A_158 : i32 to index
      %parallel_loop3A_776 = tpu.vector_load %arg7[%parallel_loop3A_774, %parallel_loop3A_775] {strides = array<i32>} : memref<8x1280xf32, #tpu.memory_space<vmem>>, vector<16xf32>,
      %parallel_loop3A_777 = arith.constant 3 : i32
      %parallel_loop3A_778 = arith.index_cast %parallel_loop3A_777 : i32 to index
      %parallel_loop3A_779 = arith.index_cast %parallel_loop3A_158 : i32 to index
      %parallel_loop3A_780 = tpu.vector_load %arg8[%parallel_loop3A_778, %parallel_loop3A_779] {strides = array<i32>} : memref<8x1280xf32, #tpu.memory_space<vmem>>, vector<16xf32>,
      %parallel_loop3A_781 = arith.constant 3 : i32
      %parallel_loop3A_782 = arith.constant 0 : i32
      %parallel_loop3A_783 = arith.index_cast %parallel_loop3A_781 : i32 to index
      %parallel_loop3A_784 = arith.index_cast %parallel_loop3A_782 : i32 to index
      %parallel_loop3A_785 = arith.index_cast %parallel_loop3A_158 : i32 to index
      %parallel_loop3A_786 = tpu.vector_load %arg9[%parallel_loop3A_783, %parallel_loop3A_784, %parallel_loop3A_785] {strides = array<i32>} : memref<8x4x1280xf32, #tpu.memory_space<vmem>>, vector<16xf32>,
      %parallel_loop3A_787 = arith.constant 3 : i32
      %parallel_loop3A_788 = arith.constant 1 : i32
      %parallel_loop3A_789 = arith.index_cast %parallel_loop3A_787 : i32 to index
      %parallel_loop3A_790 = arith.index_cast %parallel_loop3A_788 : i32 to index
      %parallel_loop3A_791 = arith.index_cast %parallel_loop3A_158 : i32 to index
      %parallel_loop3A_792 = tpu.vector_load %arg9[%parallel_loop3A_789, %parallel_loop3A_790, %parallel_loop3A_791] {strides = array<i32>} : memref<8x4x1280xf32, #tpu.memory_space<vmem>>, vector<16xf32>,
      %parallel_loop3A_793 = arith.constant 3 : i32
      %parallel_loop3A_794 = arith.constant 2 : i32
      %parallel_loop3A_795 = arith.index_cast %parallel_loop3A_793 : i32 to index
      %parallel_loop3A_796 = arith.index_cast %parallel_loop3A_794 : i32 to index
      %parallel_loop3A_797 = arith.index_cast %parallel_loop3A_158 : i32 to index
      %parallel_loop3A_798 = tpu.vector_load %arg9[%parallel_loop3A_795, %parallel_loop3A_796, %parallel_loop3A_797] {strides = array<i32>} : memref<8x4x1280xf32, #tpu.memory_space<vmem>>, vector<16xf32>,
      %parallel_loop3A_799 = arith.constant 3 : i32
      %parallel_loop3A_800 = arith.constant 3 : i32
      %parallel_loop3A_801 = arith.index_cast %parallel_loop3A_799 : i32 to index
      %parallel_loop3A_802 = arith.index_cast %parallel_loop3A_800 : i32 to index
      %parallel_loop3A_803 = arith.index_cast %parallel_loop3A_158 : i32 to index
      %parallel_loop3A_804 = tpu.vector_load %arg9[%parallel_loop3A_801, %parallel_loop3A_802, %parallel_loop3A_803] {strides = array<i32>} : memref<8x4x1280xf32, #tpu.memory_space<vmem>>, vector<16xf32>,
      %parallel_loop3A_805 = arith.subf %parallel_loop3A_776, %parallel_loop3A_768 : vector<16xf32>
      %parallel_loop3A_806 = arith.constant 0.000000e+00 : f32
      %parallel_loop3A_807 = vector.broadcast %parallel_loop3A_806 : f32 to vector<16xf32>
      %parallel_loop3A_808 = arith.maximumf %parallel_loop3A_805, %parallel_loop3A_807 : vector<16xf32>
      %parallel_loop3A_809 = arith.subf %parallel_loop3A_780, %parallel_loop3A_772 : vector<16xf32>
      %parallel_loop3A_810 = arith.constant 0.000000e+00 : f32
      %parallel_loop3A_811 = vector.broadcast %parallel_loop3A_810 : f32 to vector<16xf32>
      %parallel_loop3A_812 = arith.maximumf %parallel_loop3A_809, %parallel_loop3A_811 : vector<16xf32>
      %parallel_loop3A_813 = arith.mulf %parallel_loop3A_808, %parallel_loop3A_812 : vector<16xf32>
      %parallel_loop3A_814 = arith.subf %parallel_loop3A_798, %parallel_loop3A_786 : vector<16xf32>
      %parallel_loop3A_815 = arith.constant 0.000000e+00 : f32
      %parallel_loop3A_816 = vector.broadcast %parallel_loop3A_815 : f32 to vector<16xf32>
      %parallel_loop3A_817 = arith.maximumf %parallel_loop3A_814, %parallel_loop3A_816 : vector<16xf32>
      %parallel_loop3A_818 = arith.subf %parallel_loop3A_804, %parallel_loop3A_792 : vector<16xf32>
      %parallel_loop3A_819 = arith.constant 0.000000e+00 : f32
      %parallel_loop3A_820 = vector.broadcast %parallel_loop3A_819 : f32 to vector<16xf32>
      %parallel_loop3A_821 = arith.maximumf %parallel_loop3A_818, %parallel_loop3A_820 : vector<16xf32>
      %parallel_loop3A_822 = arith.mulf %parallel_loop3A_817, %parallel_loop3A_821 : vector<16xf32>
      %parallel_loop3A_823 = arith.minimumf %parallel_loop3A_776, %parallel_loop3A_798 : vector<16xf32>
      %parallel_loop3A_824 = arith.maximumf %parallel_loop3A_768, %parallel_loop3A_786 : vector<16xf32>
      %parallel_loop3A_825 = arith.subf %parallel_loop3A_823, %parallel_loop3A_824 : vector<16xf32>
      %parallel_loop3A_826 = arith.constant 0.000000e+00 : f32
      %parallel_loop3A_827 = vector.broadcast %parallel_loop3A_826 : f32 to vector<16xf32>
      %parallel_loop3A_828 = arith.maximumf %parallel_loop3A_825, %parallel_loop3A_827 : vector<16xf32>
      %parallel_loop3A_829 = arith.minimumf %parallel_loop3A_780, %parallel_loop3A_804 : vector<16xf32>
      %parallel_loop3A_830 = arith.maximumf %parallel_loop3A_772, %parallel_loop3A_792 : vector<16xf32>
      %parallel_loop3A_831 = arith.subf %parallel_loop3A_829, %parallel_loop3A_830 : vector<16xf32>
      %parallel_loop3A_832 = arith.constant 0.000000e+00 : f32
      %parallel_loop3A_833 = vector.broadcast %parallel_loop3A_832 : f32 to vector<16xf32>
      %parallel_loop3A_834 = arith.maximumf %parallel_loop3A_831, %parallel_loop3A_833 : vector<16xf32>
      %parallel_loop3A_835 = arith.mulf %parallel_loop3A_828, %parallel_loop3A_834 : vector<16xf32>
      %parallel_loop3A_836 = arith.addf %parallel_loop3A_813, %parallel_loop3A_822 : vector<16xf32>
      %parallel_loop3A_837 = arith.subf %parallel_loop3A_836, %parallel_loop3A_835 : vector<16xf32>
      %parallel_loop3A_838 = arith.constant 1.000000e-07 : f32
      %parallel_loop3A_839 = vector.broadcast %parallel_loop3A_838 : f32 to vector<16xf32>
      %parallel_loop3A_840 = arith.addf %parallel_loop3A_837, %parallel_loop3A_839 : vector<16xf32>
      %parallel_loop3A_841 = arith.addf %parallel_loop3A_768, %parallel_loop3A_776 : vector<16xf32>
      %parallel_loop3A_842 = arith.addf %parallel_loop3A_786, %parallel_loop3A_798 : vector<16xf32>
      %parallel_loop3A_843 = arith.subf %parallel_loop3A_841, %parallel_loop3A_842 : vector<16xf32>
      %parallel_loop3A_844 = arith.addf %parallel_loop3A_772, %parallel_loop3A_780 : vector<16xf32>
      %parallel_loop3A_845 = arith.addf %parallel_loop3A_792, %parallel_loop3A_804 : vector<16xf32>
      %parallel_loop3A_846 = arith.subf %parallel_loop3A_844, %parallel_loop3A_845 : vector<16xf32>
      %parallel_loop3A_847 = arith.mulf %parallel_loop3A_843, %parallel_loop3A_843 : vector<16xf32>
      %parallel_loop3A_848 = arith.mulf %parallel_loop3A_846, %parallel_loop3A_846 : vector<16xf32>
      %parallel_loop3A_849 = arith.addf %parallel_loop3A_847, %parallel_loop3A_848 : vector<16xf32>
      %parallel_loop3A_850 = arith.constant 2.500000e-01 : f32
      %parallel_loop3A_851 = vector.broadcast %parallel_loop3A_850 : f32 to vector<16xf32>
      %parallel_loop3A_852 = arith.mulf %parallel_loop3A_851, %parallel_loop3A_849 : vector<16xf32>
      %parallel_loop3A_853 = arith.maximumf %parallel_loop3A_776, %parallel_loop3A_798 : vector<16xf32>
      %parallel_loop3A_854 = arith.minimumf %parallel_loop3A_768, %parallel_loop3A_786 : vector<16xf32>
      %parallel_loop3A_855 = arith.subf %parallel_loop3A_853, %parallel_loop3A_854 : vector<16xf32>
      %parallel_loop3A_856 = arith.maximumf %parallel_loop3A_780, %parallel_loop3A_804 : vector<16xf32>
      %parallel_loop3A_857 = arith.minimumf %parallel_loop3A_772, %parallel_loop3A_792 : vector<16xf32>
      %parallel_loop3A_858 = arith.subf %parallel_loop3A_856, %parallel_loop3A_857 : vector<16xf32>
      %parallel_loop3A_859 = arith.mulf %parallel_loop3A_855, %parallel_loop3A_855 : vector<16xf32>
      %parallel_loop3A_860 = arith.mulf %parallel_loop3A_858, %parallel_loop3A_858 : vector<16xf32>
      %parallel_loop3A_861 = arith.addf %parallel_loop3A_859, %parallel_loop3A_860 : vector<16xf32>
      %parallel_loop3A_862 = arith.constant 1.000000e-07 : f32
      %parallel_loop3A_863 = vector.broadcast %parallel_loop3A_862 : f32 to vector<16xf32>
      %parallel_loop3A_864 = arith.addf %parallel_loop3A_861, %parallel_loop3A_863 : vector<16xf32>
      %parallel_loop3A_865 = arith.mulf %parallel_loop3A_852, %parallel_loop3A_840 : vector<16xf32>
      %parallel_loop3A_866 = arith.mulf %parallel_loop3A_835, %parallel_loop3A_864 : vector<16xf32>
      %parallel_loop3A_867 = arith.subf %parallel_loop3A_865, %parallel_loop3A_866 : vector<16xf32>
      %parallel_loop3A_868 = arith.mulf %parallel_loop3A_840, %parallel_loop3A_864 : vector<16xf32>
      %parallel_loop3A_869 = arith.divf %parallel_loop3A_867, %parallel_loop3A_868 : vector<16xf32>
      %parallel_loop3A_870 = arith.addf %parallel_loop3A_668, %parallel_loop3A_869 : vector<16xf32>
      %parallel_loop3A_871 = arith.subf %parallel_loop3A_768, %parallel_loop3A_786 : vector<16xf32>
      %parallel_loop3A_872 = math.absf %parallel_loop3A_871 : vector<16xf32>
      %parallel_loop3A_873 = arith.constant 1.000000e+00 : f32
      %parallel_loop3A_874 = vector.broadcast %parallel_loop3A_873 : f32 to vector<16xf32>
      %parallel_loop3A_875 = arith.minimumf %parallel_loop3A_872, %parallel_loop3A_874 : vector<16xf32>
      %parallel_loop3A_876 = arith.subf %parallel_loop3A_872, %parallel_loop3A_875 : vector<16xf32>
      %parallel_loop3A_877 = arith.addf %parallel_loop3A_702, %parallel_loop3A_876 : vector<16xf32>
      %parallel_loop3A_878 = arith.mulf %parallel_loop3A_875, %parallel_loop3A_875 : vector<16xf32>
      %parallel_loop3A_879 = arith.addf %parallel_loop3A_704, %parallel_loop3A_878 : vector<16xf32>
      %parallel_loop3A_880 = arith.subf %parallel_loop3A_772, %parallel_loop3A_792 : vector<16xf32>
      %parallel_loop3A_881 = math.absf %parallel_loop3A_880 : vector<16xf32>
      %parallel_loop3A_882 = arith.constant 1.000000e+00 : f32
      %parallel_loop3A_883 = vector.broadcast %parallel_loop3A_882 : f32 to vector<16xf32>
      %parallel_loop3A_884 = arith.minimumf %parallel_loop3A_881, %parallel_loop3A_883 : vector<16xf32>
      %parallel_loop3A_885 = arith.subf %parallel_loop3A_881, %parallel_loop3A_884 : vector<16xf32>
      %parallel_loop3A_886 = arith.addf %parallel_loop3A_877, %parallel_loop3A_885 : vector<16xf32>
      %parallel_loop3A_887 = arith.mulf %parallel_loop3A_884, %parallel_loop3A_884 : vector<16xf32>
      %parallel_loop3A_888 = arith.addf %parallel_loop3A_879, %parallel_loop3A_887 : vector<16xf32>
      %parallel_loop3A_889 = arith.subf %parallel_loop3A_776, %parallel_loop3A_798 : vector<16xf32>
      %parallel_loop3A_890 = math.absf %parallel_loop3A_889 : vector<16xf32>
      %parallel_loop3A_891 = arith.constant 1.000000e+00 : f32
      %parallel_loop3A_892 = vector.broadcast %parallel_loop3A_891 : f32 to vector<16xf32>
      %parallel_loop3A_893 = arith.minimumf %parallel_loop3A_890, %parallel_loop3A_892 : vector<16xf32>
      %parallel_loop3A_894 = arith.subf %parallel_loop3A_890, %parallel_loop3A_893 : vector<16xf32>
      %parallel_loop3A_895 = arith.addf %parallel_loop3A_886, %parallel_loop3A_894 : vector<16xf32>
      %parallel_loop3A_896 = arith.mulf %parallel_loop3A_893, %parallel_loop3A_893 : vector<16xf32>
      %parallel_loop3A_897 = arith.addf %parallel_loop3A_888, %parallel_loop3A_896 : vector<16xf32>
      %parallel_loop3A_898 = arith.subf %parallel_loop3A_780, %parallel_loop3A_804 : vector<16xf32>
      %parallel_loop3A_899 = math.absf %parallel_loop3A_898 : vector<16xf32>
      %parallel_loop3A_900 = arith.constant 1.000000e+00 : f32
      %parallel_loop3A_901 = vector.broadcast %parallel_loop3A_900 : f32 to vector<16xf32>
      %parallel_loop3A_902 = arith.minimumf %parallel_loop3A_899, %parallel_loop3A_901 : vector<16xf32>
      %parallel_loop3A_903 = arith.subf %parallel_loop3A_899, %parallel_loop3A_902 : vector<16xf32>
      %parallel_loop3A_904 = arith.addf %parallel_loop3A_895, %parallel_loop3A_903 : vector<16xf32>
      %parallel_loop3A_905 = arith.mulf %parallel_loop3A_902, %parallel_loop3A_902 : vector<16xf32>
      %parallel_loop3A_906 = arith.addf %parallel_loop3A_897, %parallel_loop3A_905 : vector<16xf32>
      %parallel_loop3A_907 = arith.subf %parallel_loop3A_768, %parallel_loop3A_776 : vector<16xf32>
      %parallel_loop3A_908 = arith.subf %parallel_loop3A_772, %parallel_loop3A_780 : vector<16xf32>
      %parallel_loop3A_909 = arith.constant 0.000000e+00 : f32
      %parallel_loop3A_910 = vector.broadcast %parallel_loop3A_909 : f32 to vector<16xf32>
      %parallel_loop3A_911 = arith.maximumf %parallel_loop3A_907, %parallel_loop3A_910 : vector<16xf32>
      %parallel_loop3A_912 = arith.addf %parallel_loop3A_732, %parallel_loop3A_911 : vector<16xf32>
      %parallel_loop3A_913 = arith.constant 0.000000e+00 : f32
      %parallel_loop3A_914 = vector.broadcast %parallel_loop3A_913 : f32 to vector<16xf32>
      %parallel_loop3A_915 = arith.maximumf %parallel_loop3A_908, %parallel_loop3A_914 : vector<16xf32>
      %parallel_loop3A_916 = arith.addf %parallel_loop3A_912, %parallel_loop3A_915 : vector<16xf32>
      %parallel_loop3A_917 = arith.constant 1.000000e+00 : f32
      %parallel_loop3A_918 = vector.broadcast %parallel_loop3A_917 : f32 to vector<16xf32>
      %parallel_loop3A_919 = arith.cmpf oge, %parallel_loop3A_907, %parallel_loop3A_918 : vector<16xf32>
      %parallel_loop3A_920 = arith.constant 1.000000e+00 : f32
      %parallel_loop3A_921 = arith.constant 0.000000e+00 : f32
      %parallel_loop3A_922 = vector.broadcast %parallel_loop3A_920 : f32 to vector<16xf32>
      %parallel_loop3A_923 = vector.broadcast %parallel_loop3A_921 : f32 to vector<16xf32>
      %parallel_loop3A_924 = arith.select %parallel_loop3A_919, %parallel_loop3A_922, %parallel_loop3A_923 : vector<16xi1>, vector<16xf32>
      %parallel_loop3A_925 = arith.addf %parallel_loop3A_916, %parallel_loop3A_924 : vector<16xf32>
      %parallel_loop3A_926 = arith.constant 1.000000e+00 : f32
      %parallel_loop3A_927 = vector.broadcast %parallel_loop3A_926 : f32 to vector<16xf32>
      %parallel_loop3A_928 = arith.cmpf oge, %parallel_loop3A_908, %parallel_loop3A_927 : vector<16xf32>
      %parallel_loop3A_929 = arith.constant 1.000000e+00 : f32
      %parallel_loop3A_930 = arith.constant 0.000000e+00 : f32
      %parallel_loop3A_931 = vector.broadcast %parallel_loop3A_929 : f32 to vector<16xf32>
      %parallel_loop3A_932 = vector.broadcast %parallel_loop3A_930 : f32 to vector<16xf32>
      %parallel_loop3A_933 = arith.select %parallel_loop3A_928, %parallel_loop3A_931, %parallel_loop3A_932 : vector<16xi1>, vector<16xf32>
      %parallel_loop3A_934 = arith.addf %parallel_loop3A_925, %parallel_loop3A_933 : vector<16xf32>
      %parallel_loop3A_935 = arith.constant 0.000000e+00 : f32
      %parallel_loop3A_936 = vector.broadcast %parallel_loop3A_935 : f32 to vector<16xf32>
      %parallel_loop3A_937 = arith.minimumf %parallel_loop3A_768, %parallel_loop3A_936 : vector<16xf32>
      %parallel_loop3A_938 = arith.addf %parallel_loop3A_760, %parallel_loop3A_937 : vector<16xf32>
      %parallel_loop3A_939 = arith.constant 4.480000e+02 : f32
      %parallel_loop3A_940 = vector.broadcast %parallel_loop3A_939 : f32 to vector<16xf32>
      %parallel_loop3A_941 = arith.maximumf %parallel_loop3A_768, %parallel_loop3A_940 : vector<16xf32>
      %parallel_loop3A_942 = arith.addf %parallel_loop3A_764, %parallel_loop3A_941 : vector<16xf32>
      %parallel_loop3A_943 = arith.constant 0.000000e+00 : f32
      %parallel_loop3A_944 = vector.broadcast %parallel_loop3A_943 : f32 to vector<16xf32>
      %parallel_loop3A_945 = arith.minimumf %parallel_loop3A_772, %parallel_loop3A_944 : vector<16xf32>
      %parallel_loop3A_946 = arith.addf %parallel_loop3A_938, %parallel_loop3A_945 : vector<16xf32>
      %parallel_loop3A_947 = arith.constant 4.480000e+02 : f32
      %parallel_loop3A_948 = vector.broadcast %parallel_loop3A_947 : f32 to vector<16xf32>
      %parallel_loop3A_949 = arith.maximumf %parallel_loop3A_772, %parallel_loop3A_948 : vector<16xf32>
      %parallel_loop3A_950 = arith.addf %parallel_loop3A_942, %parallel_loop3A_949 : vector<16xf32>
      %parallel_loop3A_951 = arith.constant 0.000000e+00 : f32
      %parallel_loop3A_952 = vector.broadcast %parallel_loop3A_951 : f32 to vector<16xf32>
      %parallel_loop3A_953 = arith.minimumf %parallel_loop3A_776, %parallel_loop3A_952 : vector<16xf32>
      %parallel_loop3A_954 = arith.addf %parallel_loop3A_946, %parallel_loop3A_953 : vector<16xf32>
      %parallel_loop3A_955 = arith.constant 4.480000e+02 : f32
      %parallel_loop3A_956 = vector.broadcast %parallel_loop3A_955 : f32 to vector<16xf32>
      %parallel_loop3A_957 = arith.maximumf %parallel_loop3A_776, %parallel_loop3A_956 : vector<16xf32>
      %parallel_loop3A_958 = arith.addf %parallel_loop3A_950, %parallel_loop3A_957 : vector<16xf32>
      %parallel_loop3A_959 = arith.constant 0.000000e+00 : f32
      %parallel_loop3A_960 = vector.broadcast %parallel_loop3A_959 : f32 to vector<16xf32>
      %parallel_loop3A_961 = arith.minimumf %parallel_loop3A_780, %parallel_loop3A_960 : vector<16xf32>
      %parallel_loop3A_962 = arith.addf %parallel_loop3A_954, %parallel_loop3A_961 : vector<16xf32>
      %parallel_loop3A_963 = arith.constant 4.480000e+02 : f32
      %parallel_loop3A_964 = vector.broadcast %parallel_loop3A_963 : f32 to vector<16xf32>
      %parallel_loop3A_965 = arith.maximumf %parallel_loop3A_780, %parallel_loop3A_964 : vector<16xf32>
      %parallel_loop3A_966 = arith.addf %parallel_loop3A_958, %parallel_loop3A_965 : vector<16xf32>
      %parallel_loop3A_967 = arith.constant 4 : i32
      %parallel_loop3A_968 = arith.index_cast %parallel_loop3A_967 : i32 to index
      %parallel_loop3A_969 = arith.index_cast %parallel_loop3A_158 : i32 to index
      %parallel_loop3A_970 = tpu.vector_load %arg5[%parallel_loop3A_968, %parallel_loop3A_969] {strides = array<i32>} : memref<8x1280xf32, #tpu.memory_space<vmem>>, vector<16xf32>,
      %parallel_loop3A_971 = arith.constant 4 : i32
      %parallel_loop3A_972 = arith.index_cast %parallel_loop3A_971 : i32 to index
      %parallel_loop3A_973 = arith.index_cast %parallel_loop3A_158 : i32 to index
      %parallel_loop3A_974 = tpu.vector_load %arg6[%parallel_loop3A_972, %parallel_loop3A_973] {strides = array<i32>} : memref<8x1280xf32, #tpu.memory_space<vmem>>, vector<16xf32>,
      %parallel_loop3A_975 = arith.constant 4 : i32
      %parallel_loop3A_976 = arith.index_cast %parallel_loop3A_975 : i32 to index
      %parallel_loop3A_977 = arith.index_cast %parallel_loop3A_158 : i32 to index
      %parallel_loop3A_978 = tpu.vector_load %arg7[%parallel_loop3A_976, %parallel_loop3A_977] {strides = array<i32>} : memref<8x1280xf32, #tpu.memory_space<vmem>>, vector<16xf32>,
      %parallel_loop3A_979 = arith.constant 4 : i32
      %parallel_loop3A_980 = arith.index_cast %parallel_loop3A_979 : i32 to index
      %parallel_loop3A_981 = arith.index_cast %parallel_loop3A_158 : i32 to index
      %parallel_loop3A_982 = tpu.vector_load %arg8[%parallel_loop3A_980, %parallel_loop3A_981] {strides = array<i32>} : memref<8x1280xf32, #tpu.memory_space<vmem>>, vector<16xf32>,
      %parallel_loop3A_983 = arith.constant 4 : i32
      %parallel_loop3A_984 = arith.constant 0 : i32
      %parallel_loop3A_985 = arith.index_cast %parallel_loop3A_983 : i32 to index
      %parallel_loop3A_986 = arith.index_cast %parallel_loop3A_984 : i32 to index
      %parallel_loop3A_987 = arith.index_cast %parallel_loop3A_158 : i32 to index
      %parallel_loop3A_988 = tpu.vector_load %arg9[%parallel_loop3A_985, %parallel_loop3A_986, %parallel_loop3A_987] {strides = array<i32>} : memref<8x4x1280xf32, #tpu.memory_space<vmem>>, vector<16xf32>,
      %parallel_loop3A_989 = arith.constant 4 : i32
      %parallel_loop3A_990 = arith.constant 1 : i32
      %parallel_loop3A_991 = arith.index_cast %parallel_loop3A_989 : i32 to index
      %parallel_loop3A_992 = arith.index_cast %parallel_loop3A_990 : i32 to index
      %parallel_loop3A_993 = arith.index_cast %parallel_loop3A_158 : i32 to index
      %parallel_loop3A_994 = tpu.vector_load %arg9[%parallel_loop3A_991, %parallel_loop3A_992, %parallel_loop3A_993] {strides = array<i32>} : memref<8x4x1280xf32, #tpu.memory_space<vmem>>, vector<16xf32>,
      %parallel_loop3A_995 = arith.constant 4 : i32
      %parallel_loop3A_996 = arith.constant 2 : i32
      %parallel_loop3A_997 = arith.index_cast %parallel_loop3A_995 : i32 to index
      %parallel_loop3A_998 = arith.index_cast %parallel_loop3A_996 : i32 to index
      %parallel_loop3A_999 = arith.index_cast %parallel_loop3A_158 : i32 to index
      %parallel_loop3A_1000 = tpu.vector_load %arg9[%parallel_loop3A_997, %parallel_loop3A_998, %parallel_loop3A_999] {strides = array<i32>} : memref<8x4x1280xf32, #tpu.memory_space<vmem>>, vector<16xf32>,
      %parallel_loop3A_1001 = arith.constant 4 : i32
      %parallel_loop3A_1002 = arith.constant 3 : i32
      %parallel_loop3A_1003 = arith.index_cast %parallel_loop3A_1001 : i32 to index
      %parallel_loop3A_1004 = arith.index_cast %parallel_loop3A_1002 : i32 to index
      %parallel_loop3A_1005 = arith.index_cast %parallel_loop3A_158 : i32 to index
      %parallel_loop3A_1006 = tpu.vector_load %arg9[%parallel_loop3A_1003, %parallel_loop3A_1004, %parallel_loop3A_1005] {strides = array<i32>} : memref<8x4x1280xf32, #tpu.memory_space<vmem>>, vector<16xf32>,
      %parallel_loop3A_1007 = arith.subf %parallel_loop3A_978, %parallel_loop3A_970 : vector<16xf32>
      %parallel_loop3A_1008 = arith.constant 0.000000e+00 : f32
      %parallel_loop3A_1009 = vector.broadcast %parallel_loop3A_1008 : f32 to vector<16xf32>
      %parallel_loop3A_1010 = arith.maximumf %parallel_loop3A_1007, %parallel_loop3A_1009 : vector<16xf32>
      %parallel_loop3A_1011 = arith.subf %parallel_loop3A_982, %parallel_loop3A_974 : vector<16xf32>
      %parallel_loop3A_1012 = arith.constant 0.000000e+00 : f32
      %parallel_loop3A_1013 = vector.broadcast %parallel_loop3A_1012 : f32 to vector<16xf32>
      %parallel_loop3A_1014 = arith.maximumf %parallel_loop3A_1011, %parallel_loop3A_1013 : vector<16xf32>
      %parallel_loop3A_1015 = arith.mulf %parallel_loop3A_1010, %parallel_loop3A_1014 : vector<16xf32>
      %parallel_loop3A_1016 = arith.subf %parallel_loop3A_1000, %parallel_loop3A_988 : vector<16xf32>
      %parallel_loop3A_1017 = arith.constant 0.000000e+00 : f32
      %parallel_loop3A_1018 = vector.broadcast %parallel_loop3A_1017 : f32 to vector<16xf32>
      %parallel_loop3A_1019 = arith.maximumf %parallel_loop3A_1016, %parallel_loop3A_1018 : vector<16xf32>
      %parallel_loop3A_1020 = arith.subf %parallel_loop3A_1006, %parallel_loop3A_994 : vector<16xf32>
      %parallel_loop3A_1021 = arith.constant 0.000000e+00 : f32
      %parallel_loop3A_1022 = vector.broadcast %parallel_loop3A_1021 : f32 to vector<16xf32>
      %parallel_loop3A_1023 = arith.maximumf %parallel_loop3A_1020, %parallel_loop3A_1022 : vector<16xf32>
      %parallel_loop3A_1024 = arith.mulf %parallel_loop3A_1019, %parallel_loop3A_1023 : vector<16xf32>
      %parallel_loop3A_1025 = arith.minimumf %parallel_loop3A_978, %parallel_loop3A_1000 : vector<16xf32>
      %parallel_loop3A_1026 = arith.maximumf %parallel_loop3A_970, %parallel_loop3A_988 : vector<16xf32>
      %parallel_loop3A_1027 = arith.subf %parallel_loop3A_1025, %parallel_loop3A_1026 : vector<16xf32>
      %parallel_loop3A_1028 = arith.constant 0.000000e+00 : f32
      %parallel_loop3A_1029 = vector.broadcast %parallel_loop3A_1028 : f32 to vector<16xf32>
      %parallel_loop3A_1030 = arith.maximumf %parallel_loop3A_1027, %parallel_loop3A_1029 : vector<16xf32>
      %parallel_loop3A_1031 = arith.minimumf %parallel_loop3A_982, %parallel_loop3A_1006 : vector<16xf32>
      %parallel_loop3A_1032 = arith.maximumf %parallel_loop3A_974, %parallel_loop3A_994 : vector<16xf32>
      %parallel_loop3A_1033 = arith.subf %parallel_loop3A_1031, %parallel_loop3A_1032 : vector<16xf32>
      %parallel_loop3A_1034 = arith.constant 0.000000e+00 : f32
      %parallel_loop3A_1035 = vector.broadcast %parallel_loop3A_1034 : f32 to vector<16xf32>
      %parallel_loop3A_1036 = arith.maximumf %parallel_loop3A_1033, %parallel_loop3A_1035 : vector<16xf32>
      %parallel_loop3A_1037 = arith.mulf %parallel_loop3A_1030, %parallel_loop3A_1036 : vector<16xf32>
      %parallel_loop3A_1038 = arith.addf %parallel_loop3A_1015, %parallel_loop3A_1024 : vector<16xf32>
      %parallel_loop3A_1039 = arith.subf %parallel_loop3A_1038, %parallel_loop3A_1037 : vector<16xf32>
      %parallel_loop3A_1040 = arith.constant 1.000000e-07 : f32
      %parallel_loop3A_1041 = vector.broadcast %parallel_loop3A_1040 : f32 to vector<16xf32>
      %parallel_loop3A_1042 = arith.addf %parallel_loop3A_1039, %parallel_loop3A_1041 : vector<16xf32>
      %parallel_loop3A_1043 = arith.addf %parallel_loop3A_970, %parallel_loop3A_978 : vector<16xf32>
      %parallel_loop3A_1044 = arith.addf %parallel_loop3A_988, %parallel_loop3A_1000 : vector<16xf32>
      %parallel_loop3A_1045 = arith.subf %parallel_loop3A_1043, %parallel_loop3A_1044 : vector<16xf32>
      %parallel_loop3A_1046 = arith.addf %parallel_loop3A_974, %parallel_loop3A_982 : vector<16xf32>
      %parallel_loop3A_1047 = arith.addf %parallel_loop3A_994, %parallel_loop3A_1006 : vector<16xf32>
      %parallel_loop3A_1048 = arith.subf %parallel_loop3A_1046, %parallel_loop3A_1047 : vector<16xf32>
      %parallel_loop3A_1049 = arith.mulf %parallel_loop3A_1045, %parallel_loop3A_1045 : vector<16xf32>
      %parallel_loop3A_1050 = arith.mulf %parallel_loop3A_1048, %parallel_loop3A_1048 : vector<16xf32>
      %parallel_loop3A_1051 = arith.addf %parallel_loop3A_1049, %parallel_loop3A_1050 : vector<16xf32>
      %parallel_loop3A_1052 = arith.constant 2.500000e-01 : f32
      %parallel_loop3A_1053 = vector.broadcast %parallel_loop3A_1052 : f32 to vector<16xf32>
      %parallel_loop3A_1054 = arith.mulf %parallel_loop3A_1053, %parallel_loop3A_1051 : vector<16xf32>
      %parallel_loop3A_1055 = arith.maximumf %parallel_loop3A_978, %parallel_loop3A_1000 : vector<16xf32>
      %parallel_loop3A_1056 = arith.minimumf %parallel_loop3A_970, %parallel_loop3A_988 : vector<16xf32>
      %parallel_loop3A_1057 = arith.subf %parallel_loop3A_1055, %parallel_loop3A_1056 : vector<16xf32>
      %parallel_loop3A_1058 = arith.maximumf %parallel_loop3A_982, %parallel_loop3A_1006 : vector<16xf32>
      %parallel_loop3A_1059 = arith.minimumf %parallel_loop3A_974, %parallel_loop3A_994 : vector<16xf32>
      %parallel_loop3A_1060 = arith.subf %parallel_loop3A_1058, %parallel_loop3A_1059 : vector<16xf32>
      %parallel_loop3A_1061 = arith.mulf %parallel_loop3A_1057, %parallel_loop3A_1057 : vector<16xf32>
      %parallel_loop3A_1062 = arith.mulf %parallel_loop3A_1060, %parallel_loop3A_1060 : vector<16xf32>
      %parallel_loop3A_1063 = arith.addf %parallel_loop3A_1061, %parallel_loop3A_1062 : vector<16xf32>
      %parallel_loop3A_1064 = arith.constant 1.000000e-07 : f32
      %parallel_loop3A_1065 = vector.broadcast %parallel_loop3A_1064 : f32 to vector<16xf32>
      %parallel_loop3A_1066 = arith.addf %parallel_loop3A_1063, %parallel_loop3A_1065 : vector<16xf32>
      %parallel_loop3A_1067 = arith.mulf %parallel_loop3A_1054, %parallel_loop3A_1042 : vector<16xf32>
      %parallel_loop3A_1068 = arith.mulf %parallel_loop3A_1037, %parallel_loop3A_1066 : vector<16xf32>
      %parallel_loop3A_1069 = arith.subf %parallel_loop3A_1067, %parallel_loop3A_1068 : vector<16xf32>
      %parallel_loop3A_1070 = arith.mulf %parallel_loop3A_1042, %parallel_loop3A_1066 : vector<16xf32>
      %parallel_loop3A_1071 = arith.divf %parallel_loop3A_1069, %parallel_loop3A_1070 : vector<16xf32>
      %parallel_loop3A_1072 = arith.addf %parallel_loop3A_870, %parallel_loop3A_1071 : vector<16xf32>
      %parallel_loop3A_1073 = arith.subf %parallel_loop3A_970, %parallel_loop3A_988 : vector<16xf32>
      %parallel_loop3A_1074 = math.absf %parallel_loop3A_1073 : vector<16xf32>
      %parallel_loop3A_1075 = arith.constant 1.000000e+00 : f32
      %parallel_loop3A_1076 = vector.broadcast %parallel_loop3A_1075 : f32 to vector<16xf32>
      %parallel_loop3A_1077 = arith.minimumf %parallel_loop3A_1074, %parallel_loop3A_1076 : vector<16xf32>
      %parallel_loop3A_1078 = arith.subf %parallel_loop3A_1074, %parallel_loop3A_1077 : vector<16xf32>
      %parallel_loop3A_1079 = arith.addf %parallel_loop3A_904, %parallel_loop3A_1078 : vector<16xf32>
      %parallel_loop3A_1080 = arith.mulf %parallel_loop3A_1077, %parallel_loop3A_1077 : vector<16xf32>
      %parallel_loop3A_1081 = arith.addf %parallel_loop3A_906, %parallel_loop3A_1080 : vector<16xf32>
      %parallel_loop3A_1082 = arith.subf %parallel_loop3A_974, %parallel_loop3A_994 : vector<16xf32>
      %parallel_loop3A_1083 = math.absf %parallel_loop3A_1082 : vector<16xf32>
      %parallel_loop3A_1084 = arith.constant 1.000000e+00 : f32
      %parallel_loop3A_1085 = vector.broadcast %parallel_loop3A_1084 : f32 to vector<16xf32>
      %parallel_loop3A_1086 = arith.minimumf %parallel_loop3A_1083, %parallel_loop3A_1085 : vector<16xf32>
      %parallel_loop3A_1087 = arith.subf %parallel_loop3A_1083, %parallel_loop3A_1086 : vector<16xf32>
      %parallel_loop3A_1088 = arith.addf %parallel_loop3A_1079, %parallel_loop3A_1087 : vector<16xf32>
      %parallel_loop3A_1089 = arith.mulf %parallel_loop3A_1086, %parallel_loop3A_1086 : vector<16xf32>
      %parallel_loop3A_1090 = arith.addf %parallel_loop3A_1081, %parallel_loop3A_1089 : vector<16xf32>
      %parallel_loop3A_1091 = arith.subf %parallel_loop3A_978, %parallel_loop3A_1000 : vector<16xf32>
      %parallel_loop3A_1092 = math.absf %parallel_loop3A_1091 : vector<16xf32>
      %parallel_loop3A_1093 = arith.constant 1.000000e+00 : f32
      %parallel_loop3A_1094 = vector.broadcast %parallel_loop3A_1093 : f32 to vector<16xf32>
      %parallel_loop3A_1095 = arith.minimumf %parallel_loop3A_1092, %parallel_loop3A_1094 : vector<16xf32>
      %parallel_loop3A_1096 = arith.subf %parallel_loop3A_1092, %parallel_loop3A_1095 : vector<16xf32>
      %parallel_loop3A_1097 = arith.addf %parallel_loop3A_1088, %parallel_loop3A_1096 : vector<16xf32>
      %parallel_loop3A_1098 = arith.mulf %parallel_loop3A_1095, %parallel_loop3A_1095 : vector<16xf32>
      %parallel_loop3A_1099 = arith.addf %parallel_loop3A_1090, %parallel_loop3A_1098 : vector<16xf32>
      %parallel_loop3A_1100 = arith.subf %parallel_loop3A_982, %parallel_loop3A_1006 : vector<16xf32>
      %parallel_loop3A_1101 = math.absf %parallel_loop3A_1100 : vector<16xf32>
      %parallel_loop3A_1102 = arith.constant 1.000000e+00 : f32
      %parallel_loop3A_1103 = vector.broadcast %parallel_loop3A_1102 : f32 to vector<16xf32>
      %parallel_loop3A_1104 = arith.minimumf %parallel_loop3A_1101, %parallel_loop3A_1103 : vector<16xf32>
      %parallel_loop3A_1105 = arith.subf %parallel_loop3A_1101, %parallel_loop3A_1104 : vector<16xf32>
      %parallel_loop3A_1106 = arith.addf %parallel_loop3A_1097, %parallel_loop3A_1105 : vector<16xf32>
      %parallel_loop3A_1107 = arith.mulf %parallel_loop3A_1104, %parallel_loop3A_1104 : vector<16xf32>
      %parallel_loop3A_1108 = arith.addf %parallel_loop3A_1099, %parallel_loop3A_1107 : vector<16xf32>
      %parallel_loop3A_1109 = arith.subf %parallel_loop3A_970, %parallel_loop3A_978 : vector<16xf32>
      %parallel_loop3A_1110 = arith.subf %parallel_loop3A_974, %parallel_loop3A_982 : vector<16xf32>
      %parallel_loop3A_1111 = arith.constant 0.000000e+00 : f32
      %parallel_loop3A_1112 = vector.broadcast %parallel_loop3A_1111 : f32 to vector<16xf32>
      %parallel_loop3A_1113 = arith.maximumf %parallel_loop3A_1109, %parallel_loop3A_1112 : vector<16xf32>
      %parallel_loop3A_1114 = arith.addf %parallel_loop3A_934, %parallel_loop3A_1113 : vector<16xf32>
      %parallel_loop3A_1115 = arith.constant 0.000000e+00 : f32
      %parallel_loop3A_1116 = vector.broadcast %parallel_loop3A_1115 : f32 to vector<16xf32>
      %parallel_loop3A_1117 = arith.maximumf %parallel_loop3A_1110, %parallel_loop3A_1116 : vector<16xf32>
      %parallel_loop3A_1118 = arith.addf %parallel_loop3A_1114, %parallel_loop3A_1117 : vector<16xf32>
      %parallel_loop3A_1119 = arith.constant 1.000000e+00 : f32
      %parallel_loop3A_1120 = vector.broadcast %parallel_loop3A_1119 : f32 to vector<16xf32>
      %parallel_loop3A_1121 = arith.cmpf oge, %parallel_loop3A_1109, %parallel_loop3A_1120 : vector<16xf32>
      %parallel_loop3A_1122 = arith.constant 1.000000e+00 : f32
      %parallel_loop3A_1123 = arith.constant 0.000000e+00 : f32
      %parallel_loop3A_1124 = vector.broadcast %parallel_loop3A_1122 : f32 to vector<16xf32>
      %parallel_loop3A_1125 = vector.broadcast %parallel_loop3A_1123 : f32 to vector<16xf32>
      %parallel_loop3A_1126 = arith.select %parallel_loop3A_1121, %parallel_loop3A_1124, %parallel_loop3A_1125 : vector<16xi1>, vector<16xf32>
      %parallel_loop3A_1127 = arith.addf %parallel_loop3A_1118, %parallel_loop3A_1126 : vector<16xf32>
      %parallel_loop3A_1128 = arith.constant 1.000000e+00 : f32
      %parallel_loop3A_1129 = vector.broadcast %parallel_loop3A_1128 : f32 to vector<16xf32>
      %parallel_loop3A_1130 = arith.cmpf oge, %parallel_loop3A_1110, %parallel_loop3A_1129 : vector<16xf32>
      %parallel_loop3A_1131 = arith.constant 1.000000e+00 : f32
      %parallel_loop3A_1132 = arith.constant 0.000000e+00 : f32
      %parallel_loop3A_1133 = vector.broadcast %parallel_loop3A_1131 : f32 to vector<16xf32>
      %parallel_loop3A_1134 = vector.broadcast %parallel_loop3A_1132 : f32 to vector<16xf32>
      %parallel_loop3A_1135 = arith.select %parallel_loop3A_1130, %parallel_loop3A_1133, %parallel_loop3A_1134 : vector<16xi1>, vector<16xf32>
      %parallel_loop3A_1136 = arith.addf %parallel_loop3A_1127, %parallel_loop3A_1135 : vector<16xf32>
      %parallel_loop3A_1137 = arith.constant 0.000000e+00 : f32
      %parallel_loop3A_1138 = vector.broadcast %parallel_loop3A_1137 : f32 to vector<16xf32>
      %parallel_loop3A_1139 = arith.minimumf %parallel_loop3A_970, %parallel_loop3A_1138 : vector<16xf32>
      %parallel_loop3A_1140 = arith.addf %parallel_loop3A_962, %parallel_loop3A_1139 : vector<16xf32>
      %parallel_loop3A_1141 = arith.constant 4.480000e+02 : f32
      %parallel_loop3A_1142 = vector.broadcast %parallel_loop3A_1141 : f32 to vector<16xf32>
      %parallel_loop3A_1143 = arith.maximumf %parallel_loop3A_970, %parallel_loop3A_1142 : vector<16xf32>
      %parallel_loop3A_1144 = arith.addf %parallel_loop3A_966, %parallel_loop3A_1143 : vector<16xf32>
      %parallel_loop3A_1145 = arith.constant 0.000000e+00 : f32
      %parallel_loop3A_1146 = vector.broadcast %parallel_loop3A_1145 : f32 to vector<16xf32>
      %parallel_loop3A_1147 = arith.minimumf %parallel_loop3A_974, %parallel_loop3A_1146 : vector<16xf32>
      %parallel_loop3A_1148 = arith.addf %parallel_loop3A_1140, %parallel_loop3A_1147 : vector<16xf32>
      %parallel_loop3A_1149 = arith.constant 4.480000e+02 : f32
      %parallel_loop3A_1150 = vector.broadcast %parallel_loop3A_1149 : f32 to vector<16xf32>
      %parallel_loop3A_1151 = arith.maximumf %parallel_loop3A_974, %parallel_loop3A_1150 : vector<16xf32>
      %parallel_loop3A_1152 = arith.addf %parallel_loop3A_1144, %parallel_loop3A_1151 : vector<16xf32>
      %parallel_loop3A_1153 = arith.constant 0.000000e+00 : f32
      %parallel_loop3A_1154 = vector.broadcast %parallel_loop3A_1153 : f32 to vector<16xf32>
      %parallel_loop3A_1155 = arith.minimumf %parallel_loop3A_978, %parallel_loop3A_1154 : vector<16xf32>
      %parallel_loop3A_1156 = arith.addf %parallel_loop3A_1148, %parallel_loop3A_1155 : vector<16xf32>
      %parallel_loop3A_1157 = arith.constant 4.480000e+02 : f32
      %parallel_loop3A_1158 = vector.broadcast %parallel_loop3A_1157 : f32 to vector<16xf32>
      %parallel_loop3A_1159 = arith.maximumf %parallel_loop3A_978, %parallel_loop3A_1158 : vector<16xf32>
      %parallel_loop3A_1160 = arith.addf %parallel_loop3A_1152, %parallel_loop3A_1159 : vector<16xf32>
      %parallel_loop3A_1161 = arith.constant 0.000000e+00 : f32
      %parallel_loop3A_1162 = vector.broadcast %parallel_loop3A_1161 : f32 to vector<16xf32>
      %parallel_loop3A_1163 = arith.minimumf %parallel_loop3A_982, %parallel_loop3A_1162 : vector<16xf32>
      %parallel_loop3A_1164 = arith.addf %parallel_loop3A_1156, %parallel_loop3A_1163 : vector<16xf32>
      %parallel_loop3A_1165 = arith.constant 4.480000e+02 : f32
      %parallel_loop3A_1166 = vector.broadcast %parallel_loop3A_1165 : f32 to vector<16xf32>
      %parallel_loop3A_1167 = arith.maximumf %parallel_loop3A_982, %parallel_loop3A_1166 : vector<16xf32>
      %parallel_loop3A_1168 = arith.addf %parallel_loop3A_1160, %parallel_loop3A_1167 : vector<16xf32>
      %parallel_loop3A_1169 = arith.constant 5 : i32
      %parallel_loop3A_1170 = arith.index_cast %parallel_loop3A_1169 : i32 to index
      %parallel_loop3A_1171 = arith.index_cast %parallel_loop3A_158 : i32 to index
      %parallel_loop3A_1172 = tpu.vector_load %arg5[%parallel_loop3A_1170, %parallel_loop3A_1171] {strides = array<i32>} : memref<8x1280xf32, #tpu.memory_space<vmem>>, vector<16xf32>,
      %parallel_loop3A_1173 = arith.constant 5 : i32
      %parallel_loop3A_1174 = arith.index_cast %parallel_loop3A_1173 : i32 to index
      %parallel_loop3A_1175 = arith.index_cast %parallel_loop3A_158 : i32 to index
      %parallel_loop3A_1176 = tpu.vector_load %arg6[%parallel_loop3A_1174, %parallel_loop3A_1175] {strides = array<i32>} : memref<8x1280xf32, #tpu.memory_space<vmem>>, vector<16xf32>,
      %parallel_loop3A_1177 = arith.constant 5 : i32
      %parallel_loop3A_1178 = arith.index_cast %parallel_loop3A_1177 : i32 to index
      %parallel_loop3A_1179 = arith.index_cast %parallel_loop3A_158 : i32 to index
      %parallel_loop3A_1180 = tpu.vector_load %arg7[%parallel_loop3A_1178, %parallel_loop3A_1179] {strides = array<i32>} : memref<8x1280xf32, #tpu.memory_space<vmem>>, vector<16xf32>,
      %parallel_loop3A_1181 = arith.constant 5 : i32
      %parallel_loop3A_1182 = arith.index_cast %parallel_loop3A_1181 : i32 to index
      %parallel_loop3A_1183 = arith.index_cast %parallel_loop3A_158 : i32 to index
      %parallel_loop3A_1184 = tpu.vector_load %arg8[%parallel_loop3A_1182, %parallel_loop3A_1183] {strides = array<i32>} : memref<8x1280xf32, #tpu.memory_space<vmem>>, vector<16xf32>,
      %parallel_loop3A_1185 = arith.constant 5 : i32
      %parallel_loop3A_1186 = arith.constant 0 : i32
      %parallel_loop3A_1187 = arith.index_cast %parallel_loop3A_1185 : i32 to index
      %parallel_loop3A_1188 = arith.index_cast %parallel_loop3A_1186 : i32 to index
      %parallel_loop3A_1189 = arith.index_cast %parallel_loop3A_158 : i32 to index
      %parallel_loop3A_1190 = tpu.vector_load %arg9[%parallel_loop3A_1187, %parallel_loop3A_1188, %parallel_loop3A_1189] {strides = array<i32>} : memref<8x4x1280xf32, #tpu.memory_space<vmem>>, vector<16xf32>,
      %parallel_loop3A_1191 = arith.constant 5 : i32
      %parallel_loop3A_1192 = arith.constant 1 : i32
      %parallel_loop3A_1193 = arith.index_cast %parallel_loop3A_1191 : i32 to index
      %parallel_loop3A_1194 = arith.index_cast %parallel_loop3A_1192 : i32 to index
      %parallel_loop3A_1195 = arith.index_cast %parallel_loop3A_158 : i32 to index
      %parallel_loop3A_1196 = tpu.vector_load %arg9[%parallel_loop3A_1193, %parallel_loop3A_1194, %parallel_loop3A_1195] {strides = array<i32>} : memref<8x4x1280xf32, #tpu.memory_space<vmem>>, vector<16xf32>,
      %parallel_loop3A_1197 = arith.constant 5 : i32
      %parallel_loop3A_1198 = arith.constant 2 : i32
      %parallel_loop3A_1199 = arith.index_cast %parallel_loop3A_1197 : i32 to index
      %parallel_loop3A_1200 = arith.index_cast %parallel_loop3A_1198 : i32 to index
      %parallel_loop3A_1201 = arith.index_cast %parallel_loop3A_158 : i32 to index
      %parallel_loop3A_1202 = tpu.vector_load %arg9[%parallel_loop3A_1199, %parallel_loop3A_1200, %parallel_loop3A_1201] {strides = array<i32>} : memref<8x4x1280xf32, #tpu.memory_space<vmem>>, vector<16xf32>,
      %parallel_loop3A_1203 = arith.constant 5 : i32
      %parallel_loop3A_1204 = arith.constant 3 : i32
      %parallel_loop3A_1205 = arith.index_cast %parallel_loop3A_1203 : i32 to index
      %parallel_loop3A_1206 = arith.index_cast %parallel_loop3A_1204 : i32 to index
      %parallel_loop3A_1207 = arith.index_cast %parallel_loop3A_158 : i32 to index
      %parallel_loop3A_1208 = tpu.vector_load %arg9[%parallel_loop3A_1205, %parallel_loop3A_1206, %parallel_loop3A_1207] {strides = array<i32>} : memref<8x4x1280xf32, #tpu.memory_space<vmem>>, vector<16xf32>,
      %parallel_loop3A_1209 = arith.subf %parallel_loop3A_1180, %parallel_loop3A_1172 : vector<16xf32>
      %parallel_loop3A_1210 = arith.constant 0.000000e+00 : f32
      %parallel_loop3A_1211 = vector.broadcast %parallel_loop3A_1210 : f32 to vector<16xf32>
      %parallel_loop3A_1212 = arith.maximumf %parallel_loop3A_1209, %parallel_loop3A_1211 : vector<16xf32>
      %parallel_loop3A_1213 = arith.subf %parallel_loop3A_1184, %parallel_loop3A_1176 : vector<16xf32>
      %parallel_loop3A_1214 = arith.constant 0.000000e+00 : f32
      %parallel_loop3A_1215 = vector.broadcast %parallel_loop3A_1214 : f32 to vector<16xf32>
      %parallel_loop3A_1216 = arith.maximumf %parallel_loop3A_1213, %parallel_loop3A_1215 : vector<16xf32>
      %parallel_loop3A_1217 = arith.mulf %parallel_loop3A_1212, %parallel_loop3A_1216 : vector<16xf32>
      %parallel_loop3A_1218 = arith.subf %parallel_loop3A_1202, %parallel_loop3A_1190 : vector<16xf32>
      %parallel_loop3A_1219 = arith.constant 0.000000e+00 : f32
      %parallel_loop3A_1220 = vector.broadcast %parallel_loop3A_1219 : f32 to vector<16xf32>
      %parallel_loop3A_1221 = arith.maximumf %parallel_loop3A_1218, %parallel_loop3A_1220 : vector<16xf32>
      %parallel_loop3A_1222 = arith.subf %parallel_loop3A_1208, %parallel_loop3A_1196 : vector<16xf32>
      %parallel_loop3A_1223 = arith.constant 0.000000e+00 : f32
      %parallel_loop3A_1224 = vector.broadcast %parallel_loop3A_1223 : f32 to vector<16xf32>
      %parallel_loop3A_1225 = arith.maximumf %parallel_loop3A_1222, %parallel_loop3A_1224 : vector<16xf32>
      %parallel_loop3A_1226 = arith.mulf %parallel_loop3A_1221, %parallel_loop3A_1225 : vector<16xf32>
      %parallel_loop3A_1227 = arith.minimumf %parallel_loop3A_1180, %parallel_loop3A_1202 : vector<16xf32>
      %parallel_loop3A_1228 = arith.maximumf %parallel_loop3A_1172, %parallel_loop3A_1190 : vector<16xf32>
      %parallel_loop3A_1229 = arith.subf %parallel_loop3A_1227, %parallel_loop3A_1228 : vector<16xf32>
      %parallel_loop3A_1230 = arith.constant 0.000000e+00 : f32
      %parallel_loop3A_1231 = vector.broadcast %parallel_loop3A_1230 : f32 to vector<16xf32>
      %parallel_loop3A_1232 = arith.maximumf %parallel_loop3A_1229, %parallel_loop3A_1231 : vector<16xf32>
      %parallel_loop3A_1233 = arith.minimumf %parallel_loop3A_1184, %parallel_loop3A_1208 : vector<16xf32>
      %parallel_loop3A_1234 = arith.maximumf %parallel_loop3A_1176, %parallel_loop3A_1196 : vector<16xf32>
      %parallel_loop3A_1235 = arith.subf %parallel_loop3A_1233, %parallel_loop3A_1234 : vector<16xf32>
      %parallel_loop3A_1236 = arith.constant 0.000000e+00 : f32
      %parallel_loop3A_1237 = vector.broadcast %parallel_loop3A_1236 : f32 to vector<16xf32>
      %parallel_loop3A_1238 = arith.maximumf %parallel_loop3A_1235, %parallel_loop3A_1237 : vector<16xf32>
      %parallel_loop3A_1239 = arith.mulf %parallel_loop3A_1232, %parallel_loop3A_1238 : vector<16xf32>
      %parallel_loop3A_1240 = arith.addf %parallel_loop3A_1217, %parallel_loop3A_1226 : vector<16xf32>
      %parallel_loop3A_1241 = arith.subf %parallel_loop3A_1240, %parallel_loop3A_1239 : vector<16xf32>
      %parallel_loop3A_1242 = arith.constant 1.000000e-07 : f32
      %parallel_loop3A_1243 = vector.broadcast %parallel_loop3A_1242 : f32 to vector<16xf32>
      %parallel_loop3A_1244 = arith.addf %parallel_loop3A_1241, %parallel_loop3A_1243 : vector<16xf32>
      %parallel_loop3A_1245 = arith.addf %parallel_loop3A_1172, %parallel_loop3A_1180 : vector<16xf32>
      %parallel_loop3A_1246 = arith.addf %parallel_loop3A_1190, %parallel_loop3A_1202 : vector<16xf32>
      %parallel_loop3A_1247 = arith.subf %parallel_loop3A_1245, %parallel_loop3A_1246 : vector<16xf32>
      %parallel_loop3A_1248 = arith.addf %parallel_loop3A_1176, %parallel_loop3A_1184 : vector<16xf32>
      %parallel_loop3A_1249 = arith.addf %parallel_loop3A_1196, %parallel_loop3A_1208 : vector<16xf32>
      %parallel_loop3A_1250 = arith.subf %parallel_loop3A_1248, %parallel_loop3A_1249 : vector<16xf32>
      %parallel_loop3A_1251 = arith.mulf %parallel_loop3A_1247, %parallel_loop3A_1247 : vector<16xf32>
      %parallel_loop3A_1252 = arith.mulf %parallel_loop3A_1250, %parallel_loop3A_1250 : vector<16xf32>
      %parallel_loop3A_1253 = arith.addf %parallel_loop3A_1251, %parallel_loop3A_1252 : vector<16xf32>
      %parallel_loop3A_1254 = arith.constant 2.500000e-01 : f32
      %parallel_loop3A_1255 = vector.broadcast %parallel_loop3A_1254 : f32 to vector<16xf32>
      %parallel_loop3A_1256 = arith.mulf %parallel_loop3A_1255, %parallel_loop3A_1253 : vector<16xf32>
      %parallel_loop3A_1257 = arith.maximumf %parallel_loop3A_1180, %parallel_loop3A_1202 : vector<16xf32>
      %parallel_loop3A_1258 = arith.minimumf %parallel_loop3A_1172, %parallel_loop3A_1190 : vector<16xf32>
      %parallel_loop3A_1259 = arith.subf %parallel_loop3A_1257, %parallel_loop3A_1258 : vector<16xf32>
      %parallel_loop3A_1260 = arith.maximumf %parallel_loop3A_1184, %parallel_loop3A_1208 : vector<16xf32>
      %parallel_loop3A_1261 = arith.minimumf %parallel_loop3A_1176, %parallel_loop3A_1196 : vector<16xf32>
      %parallel_loop3A_1262 = arith.subf %parallel_loop3A_1260, %parallel_loop3A_1261 : vector<16xf32>
      %parallel_loop3A_1263 = arith.mulf %parallel_loop3A_1259, %parallel_loop3A_1259 : vector<16xf32>
      %parallel_loop3A_1264 = arith.mulf %parallel_loop3A_1262, %parallel_loop3A_1262 : vector<16xf32>
      %parallel_loop3A_1265 = arith.addf %parallel_loop3A_1263, %parallel_loop3A_1264 : vector<16xf32>
      %parallel_loop3A_1266 = arith.constant 1.000000e-07 : f32
      %parallel_loop3A_1267 = vector.broadcast %parallel_loop3A_1266 : f32 to vector<16xf32>
      %parallel_loop3A_1268 = arith.addf %parallel_loop3A_1265, %parallel_loop3A_1267 : vector<16xf32>
      %parallel_loop3A_1269 = arith.mulf %parallel_loop3A_1256, %parallel_loop3A_1244 : vector<16xf32>
      %parallel_loop3A_1270 = arith.mulf %parallel_loop3A_1239, %parallel_loop3A_1268 : vector<16xf32>
      %parallel_loop3A_1271 = arith.subf %parallel_loop3A_1269, %parallel_loop3A_1270 : vector<16xf32>
      %parallel_loop3A_1272 = arith.mulf %parallel_loop3A_1244, %parallel_loop3A_1268 : vector<16xf32>
      %parallel_loop3A_1273 = arith.divf %parallel_loop3A_1271, %parallel_loop3A_1272 : vector<16xf32>
      %parallel_loop3A_1274 = arith.addf %parallel_loop3A_1072, %parallel_loop3A_1273 : vector<16xf32>
      %parallel_loop3A_1275 = arith.subf %parallel_loop3A_1172, %parallel_loop3A_1190 : vector<16xf32>
      %parallel_loop3A_1276 = math.absf %parallel_loop3A_1275 : vector<16xf32>
      %parallel_loop3A_1277 = arith.constant 1.000000e+00 : f32
      %parallel_loop3A_1278 = vector.broadcast %parallel_loop3A_1277 : f32 to vector<16xf32>
      %parallel_loop3A_1279 = arith.minimumf %parallel_loop3A_1276, %parallel_loop3A_1278 : vector<16xf32>
      %parallel_loop3A_1280 = arith.subf %parallel_loop3A_1276, %parallel_loop3A_1279 : vector<16xf32>
      %parallel_loop3A_1281 = arith.addf %parallel_loop3A_1106, %parallel_loop3A_1280 : vector<16xf32>
      %parallel_loop3A_1282 = arith.mulf %parallel_loop3A_1279, %parallel_loop3A_1279 : vector<16xf32>
      %parallel_loop3A_1283 = arith.addf %parallel_loop3A_1108, %parallel_loop3A_1282 : vector<16xf32>
      %parallel_loop3A_1284 = arith.subf %parallel_loop3A_1176, %parallel_loop3A_1196 : vector<16xf32>
      %parallel_loop3A_1285 = math.absf %parallel_loop3A_1284 : vector<16xf32>
      %parallel_loop3A_1286 = arith.constant 1.000000e+00 : f32
      %parallel_loop3A_1287 = vector.broadcast %parallel_loop3A_1286 : f32 to vector<16xf32>
      %parallel_loop3A_1288 = arith.minimumf %parallel_loop3A_1285, %parallel_loop3A_1287 : vector<16xf32>
      %parallel_loop3A_1289 = arith.subf %parallel_loop3A_1285, %parallel_loop3A_1288 : vector<16xf32>
      %parallel_loop3A_1290 = arith.addf %parallel_loop3A_1281, %parallel_loop3A_1289 : vector<16xf32>
      %parallel_loop3A_1291 = arith.mulf %parallel_loop3A_1288, %parallel_loop3A_1288 : vector<16xf32>
      %parallel_loop3A_1292 = arith.addf %parallel_loop3A_1283, %parallel_loop3A_1291 : vector<16xf32>
      %parallel_loop3A_1293 = arith.subf %parallel_loop3A_1180, %parallel_loop3A_1202 : vector<16xf32>
      %parallel_loop3A_1294 = math.absf %parallel_loop3A_1293 : vector<16xf32>
      %parallel_loop3A_1295 = arith.constant 1.000000e+00 : f32
      %parallel_loop3A_1296 = vector.broadcast %parallel_loop3A_1295 : f32 to vector<16xf32>
      %parallel_loop3A_1297 = arith.minimumf %parallel_loop3A_1294, %parallel_loop3A_1296 : vector<16xf32>
      %parallel_loop3A_1298 = arith.subf %parallel_loop3A_1294, %parallel_loop3A_1297 : vector<16xf32>
      %parallel_loop3A_1299 = arith.addf %parallel_loop3A_1290, %parallel_loop3A_1298 : vector<16xf32>
      %parallel_loop3A_1300 = arith.mulf %parallel_loop3A_1297, %parallel_loop3A_1297 : vector<16xf32>
      %parallel_loop3A_1301 = arith.addf %parallel_loop3A_1292, %parallel_loop3A_1300 : vector<16xf32>
      %parallel_loop3A_1302 = arith.subf %parallel_loop3A_1184, %parallel_loop3A_1208 : vector<16xf32>
      %parallel_loop3A_1303 = math.absf %parallel_loop3A_1302 : vector<16xf32>
      %parallel_loop3A_1304 = arith.constant 1.000000e+00 : f32
      %parallel_loop3A_1305 = vector.broadcast %parallel_loop3A_1304 : f32 to vector<16xf32>
      %parallel_loop3A_1306 = arith.minimumf %parallel_loop3A_1303, %parallel_loop3A_1305 : vector<16xf32>
      %parallel_loop3A_1307 = arith.subf %parallel_loop3A_1303, %parallel_loop3A_1306 : vector<16xf32>
      %parallel_loop3A_1308 = arith.addf %parallel_loop3A_1299, %parallel_loop3A_1307 : vector<16xf32>
      %parallel_loop3A_1309 = arith.mulf %parallel_loop3A_1306, %parallel_loop3A_1306 : vector<16xf32>
      %parallel_loop3A_1310 = arith.addf %parallel_loop3A_1301, %parallel_loop3A_1309 : vector<16xf32>
      %parallel_loop3A_1311 = arith.subf %parallel_loop3A_1172, %parallel_loop3A_1180 : vector<16xf32>
      %parallel_loop3A_1312 = arith.subf %parallel_loop3A_1176, %parallel_loop3A_1184 : vector<16xf32>
      %parallel_loop3A_1313 = arith.constant 0.000000e+00 : f32
      %parallel_loop3A_1314 = vector.broadcast %parallel_loop3A_1313 : f32 to vector<16xf32>
      %parallel_loop3A_1315 = arith.maximumf %parallel_loop3A_1311, %parallel_loop3A_1314 : vector<16xf32>
      %parallel_loop3A_1316 = arith.addf %parallel_loop3A_1136, %parallel_loop3A_1315 : vector<16xf32>
      %parallel_loop3A_1317 = arith.constant 0.000000e+00 : f32
      %parallel_loop3A_1318 = vector.broadcast %parallel_loop3A_1317 : f32 to vector<16xf32>
      %parallel_loop3A_1319 = arith.maximumf %parallel_loop3A_1312, %parallel_loop3A_1318 : vector<16xf32>
      %parallel_loop3A_1320 = arith.addf %parallel_loop3A_1316, %parallel_loop3A_1319 : vector<16xf32>
      %parallel_loop3A_1321 = arith.constant 1.000000e+00 : f32
      %parallel_loop3A_1322 = vector.broadcast %parallel_loop3A_1321 : f32 to vector<16xf32>
      %parallel_loop3A_1323 = arith.cmpf oge, %parallel_loop3A_1311, %parallel_loop3A_1322 : vector<16xf32>
      %parallel_loop3A_1324 = arith.constant 1.000000e+00 : f32
      %parallel_loop3A_1325 = arith.constant 0.000000e+00 : f32
      %parallel_loop3A_1326 = vector.broadcast %parallel_loop3A_1324 : f32 to vector<16xf32>
      %parallel_loop3A_1327 = vector.broadcast %parallel_loop3A_1325 : f32 to vector<16xf32>
      %parallel_loop3A_1328 = arith.select %parallel_loop3A_1323, %parallel_loop3A_1326, %parallel_loop3A_1327 : vector<16xi1>, vector<16xf32>
      %parallel_loop3A_1329 = arith.addf %parallel_loop3A_1320, %parallel_loop3A_1328 : vector<16xf32>
      %parallel_loop3A_1330 = arith.constant 1.000000e+00 : f32
      %parallel_loop3A_1331 = vector.broadcast %parallel_loop3A_1330 : f32 to vector<16xf32>
      %parallel_loop3A_1332 = arith.cmpf oge, %parallel_loop3A_1312, %parallel_loop3A_1331 : vector<16xf32>
      %parallel_loop3A_1333 = arith.constant 1.000000e+00 : f32
      %parallel_loop3A_1334 = arith.constant 0.000000e+00 : f32
      %parallel_loop3A_1335 = vector.broadcast %parallel_loop3A_1333 : f32 to vector<16xf32>
      %parallel_loop3A_1336 = vector.broadcast %parallel_loop3A_1334 : f32 to vector<16xf32>
      %parallel_loop3A_1337 = arith.select %parallel_loop3A_1332, %parallel_loop3A_1335, %parallel_loop3A_1336 : vector<16xi1>, vector<16xf32>
      %parallel_loop3A_1338 = arith.addf %parallel_loop3A_1329, %parallel_loop3A_1337 : vector<16xf32>
      %parallel_loop3A_1339 = arith.constant 0.000000e+00 : f32
      %parallel_loop3A_1340 = vector.broadcast %parallel_loop3A_1339 : f32 to vector<16xf32>
      %parallel_loop3A_1341 = arith.minimumf %parallel_loop3A_1172, %parallel_loop3A_1340 : vector<16xf32>
      %parallel_loop3A_1342 = arith.addf %parallel_loop3A_1164, %parallel_loop3A_1341 : vector<16xf32>
      %parallel_loop3A_1343 = arith.constant 4.480000e+02 : f32
      %parallel_loop3A_1344 = vector.broadcast %parallel_loop3A_1343 : f32 to vector<16xf32>
      %parallel_loop3A_1345 = arith.maximumf %parallel_loop3A_1172, %parallel_loop3A_1344 : vector<16xf32>
      %parallel_loop3A_1346 = arith.addf %parallel_loop3A_1168, %parallel_loop3A_1345 : vector<16xf32>
      %parallel_loop3A_1347 = arith.constant 0.000000e+00 : f32
      %parallel_loop3A_1348 = vector.broadcast %parallel_loop3A_1347 : f32 to vector<16xf32>
      %parallel_loop3A_1349 = arith.minimumf %parallel_loop3A_1176, %parallel_loop3A_1348 : vector<16xf32>
      %parallel_loop3A_1350 = arith.addf %parallel_loop3A_1342, %parallel_loop3A_1349 : vector<16xf32>
      %parallel_loop3A_1351 = arith.constant 4.480000e+02 : f32
      %parallel_loop3A_1352 = vector.broadcast %parallel_loop3A_1351 : f32 to vector<16xf32>
      %parallel_loop3A_1353 = arith.maximumf %parallel_loop3A_1176, %parallel_loop3A_1352 : vector<16xf32>
      %parallel_loop3A_1354 = arith.addf %parallel_loop3A_1346, %parallel_loop3A_1353 : vector<16xf32>
      %parallel_loop3A_1355 = arith.constant 0.000000e+00 : f32
      %parallel_loop3A_1356 = vector.broadcast %parallel_loop3A_1355 : f32 to vector<16xf32>
      %parallel_loop3A_1357 = arith.minimumf %parallel_loop3A_1180, %parallel_loop3A_1356 : vector<16xf32>
      %parallel_loop3A_1358 = arith.addf %parallel_loop3A_1350, %parallel_loop3A_1357 : vector<16xf32>
      %parallel_loop3A_1359 = arith.constant 4.480000e+02 : f32
      %parallel_loop3A_1360 = vector.broadcast %parallel_loop3A_1359 : f32 to vector<16xf32>
      %parallel_loop3A_1361 = arith.maximumf %parallel_loop3A_1180, %parallel_loop3A_1360 : vector<16xf32>
      %parallel_loop3A_1362 = arith.addf %parallel_loop3A_1354, %parallel_loop3A_1361 : vector<16xf32>
      %parallel_loop3A_1363 = arith.constant 0.000000e+00 : f32
      %parallel_loop3A_1364 = vector.broadcast %parallel_loop3A_1363 : f32 to vector<16xf32>
      %parallel_loop3A_1365 = arith.minimumf %parallel_loop3A_1184, %parallel_loop3A_1364 : vector<16xf32>
      %parallel_loop3A_1366 = arith.addf %parallel_loop3A_1358, %parallel_loop3A_1365 : vector<16xf32>
      %parallel_loop3A_1367 = arith.constant 4.480000e+02 : f32
      %parallel_loop3A_1368 = vector.broadcast %parallel_loop3A_1367 : f32 to vector<16xf32>
      %parallel_loop3A_1369 = arith.maximumf %parallel_loop3A_1184, %parallel_loop3A_1368 : vector<16xf32>
      %parallel_loop3A_1370 = arith.addf %parallel_loop3A_1362, %parallel_loop3A_1369 : vector<16xf32>
      %parallel_loop3A_1371 = arith.constant 6 : i32
      %parallel_loop3A_1372 = arith.index_cast %parallel_loop3A_1371 : i32 to index
      %parallel_loop3A_1373 = arith.index_cast %parallel_loop3A_158 : i32 to index
      %parallel_loop3A_1374 = tpu.vector_load %arg5[%parallel_loop3A_1372, %parallel_loop3A_1373] {strides = array<i32>} : memref<8x1280xf32, #tpu.memory_space<vmem>>, vector<16xf32>,
      %parallel_loop3A_1375 = arith.constant 6 : i32
      %parallel_loop3A_1376 = arith.index_cast %parallel_loop3A_1375 : i32 to index
      %parallel_loop3A_1377 = arith.index_cast %parallel_loop3A_158 : i32 to index
      %parallel_loop3A_1378 = tpu.vector_load %arg6[%parallel_loop3A_1376, %parallel_loop3A_1377] {strides = array<i32>} : memref<8x1280xf32, #tpu.memory_space<vmem>>, vector<16xf32>,
      %parallel_loop3A_1379 = arith.constant 6 : i32
      %parallel_loop3A_1380 = arith.index_cast %parallel_loop3A_1379 : i32 to index
      %parallel_loop3A_1381 = arith.index_cast %parallel_loop3A_158 : i32 to index
      %parallel_loop3A_1382 = tpu.vector_load %arg7[%parallel_loop3A_1380, %parallel_loop3A_1381] {strides = array<i32>} : memref<8x1280xf32, #tpu.memory_space<vmem>>, vector<16xf32>,
      %parallel_loop3A_1383 = arith.constant 6 : i32
      %parallel_loop3A_1384 = arith.index_cast %parallel_loop3A_1383 : i32 to index
      %parallel_loop3A_1385 = arith.index_cast %parallel_loop3A_158 : i32 to index
      %parallel_loop3A_1386 = tpu.vector_load %arg8[%parallel_loop3A_1384, %parallel_loop3A_1385] {strides = array<i32>} : memref<8x1280xf32, #tpu.memory_space<vmem>>, vector<16xf32>,
      %parallel_loop3A_1387 = arith.constant 6 : i32
      %parallel_loop3A_1388 = arith.constant 0 : i32
      %parallel_loop3A_1389 = arith.index_cast %parallel_loop3A_1387 : i32 to index
      %parallel_loop3A_1390 = arith.index_cast %parallel_loop3A_1388 : i32 to index
      %parallel_loop3A_1391 = arith.index_cast %parallel_loop3A_158 : i32 to index
      %parallel_loop3A_1392 = tpu.vector_load %arg9[%parallel_loop3A_1389, %parallel_loop3A_1390, %parallel_loop3A_1391] {strides = array<i32>} : memref<8x4x1280xf32, #tpu.memory_space<vmem>>, vector<16xf32>,
      %parallel_loop3A_1393 = arith.constant 6 : i32
      %parallel_loop3A_1394 = arith.constant 1 : i32
      %parallel_loop3A_1395 = arith.index_cast %parallel_loop3A_1393 : i32 to index
      %parallel_loop3A_1396 = arith.index_cast %parallel_loop3A_1394 : i32 to index
      %parallel_loop3A_1397 = arith.index_cast %parallel_loop3A_158 : i32 to index
      %parallel_loop3A_1398 = tpu.vector_load %arg9[%parallel_loop3A_1395, %parallel_loop3A_1396, %parallel_loop3A_1397] {strides = array<i32>} : memref<8x4x1280xf32, #tpu.memory_space<vmem>>, vector<16xf32>,
      %parallel_loop3A_1399 = arith.constant 6 : i32
      %parallel_loop3A_1400 = arith.constant 2 : i32
      %parallel_loop3A_1401 = arith.index_cast %parallel_loop3A_1399 : i32 to index
      %parallel_loop3A_1402 = arith.index_cast %parallel_loop3A_1400 : i32 to index
      %parallel_loop3A_1403 = arith.index_cast %parallel_loop3A_158 : i32 to index
      %parallel_loop3A_1404 = tpu.vector_load %arg9[%parallel_loop3A_1401, %parallel_loop3A_1402, %parallel_loop3A_1403] {strides = array<i32>} : memref<8x4x1280xf32, #tpu.memory_space<vmem>>, vector<16xf32>,
      %parallel_loop3A_1405 = arith.constant 6 : i32
      %parallel_loop3A_1406 = arith.constant 3 : i32
      %parallel_loop3A_1407 = arith.index_cast %parallel_loop3A_1405 : i32 to index
      %parallel_loop3A_1408 = arith.index_cast %parallel_loop3A_1406 : i32 to index
      %parallel_loop3A_1409 = arith.index_cast %parallel_loop3A_158 : i32 to index
      %parallel_loop3A_1410 = tpu.vector_load %arg9[%parallel_loop3A_1407, %parallel_loop3A_1408, %parallel_loop3A_1409] {strides = array<i32>} : memref<8x4x1280xf32, #tpu.memory_space<vmem>>, vector<16xf32>,
      %parallel_loop3A_1411 = arith.subf %parallel_loop3A_1382, %parallel_loop3A_1374 : vector<16xf32>
      %parallel_loop3A_1412 = arith.constant 0.000000e+00 : f32
      %parallel_loop3A_1413 = vector.broadcast %parallel_loop3A_1412 : f32 to vector<16xf32>
      %parallel_loop3A_1414 = arith.maximumf %parallel_loop3A_1411, %parallel_loop3A_1413 : vector<16xf32>
      %parallel_loop3A_1415 = arith.subf %parallel_loop3A_1386, %parallel_loop3A_1378 : vector<16xf32>
      %parallel_loop3A_1416 = arith.constant 0.000000e+00 : f32
      %parallel_loop3A_1417 = vector.broadcast %parallel_loop3A_1416 : f32 to vector<16xf32>
      %parallel_loop3A_1418 = arith.maximumf %parallel_loop3A_1415, %parallel_loop3A_1417 : vector<16xf32>
      %parallel_loop3A_1419 = arith.mulf %parallel_loop3A_1414, %parallel_loop3A_1418 : vector<16xf32>
      %parallel_loop3A_1420 = arith.subf %parallel_loop3A_1404, %parallel_loop3A_1392 : vector<16xf32>
      %parallel_loop3A_1421 = arith.constant 0.000000e+00 : f32
      %parallel_loop3A_1422 = vector.broadcast %parallel_loop3A_1421 : f32 to vector<16xf32>
      %parallel_loop3A_1423 = arith.maximumf %parallel_loop3A_1420, %parallel_loop3A_1422 : vector<16xf32>
      %parallel_loop3A_1424 = arith.subf %parallel_loop3A_1410, %parallel_loop3A_1398 : vector<16xf32>
      %parallel_loop3A_1425 = arith.constant 0.000000e+00 : f32
      %parallel_loop3A_1426 = vector.broadcast %parallel_loop3A_1425 : f32 to vector<16xf32>
      %parallel_loop3A_1427 = arith.maximumf %parallel_loop3A_1424, %parallel_loop3A_1426 : vector<16xf32>
      %parallel_loop3A_1428 = arith.mulf %parallel_loop3A_1423, %parallel_loop3A_1427 : vector<16xf32>
      %parallel_loop3A_1429 = arith.minimumf %parallel_loop3A_1382, %parallel_loop3A_1404 : vector<16xf32>
      %parallel_loop3A_1430 = arith.maximumf %parallel_loop3A_1374, %parallel_loop3A_1392 : vector<16xf32>
      %parallel_loop3A_1431 = arith.subf %parallel_loop3A_1429, %parallel_loop3A_1430 : vector<16xf32>
      %parallel_loop3A_1432 = arith.constant 0.000000e+00 : f32
      %parallel_loop3A_1433 = vector.broadcast %parallel_loop3A_1432 : f32 to vector<16xf32>
      %parallel_loop3A_1434 = arith.maximumf %parallel_loop3A_1431, %parallel_loop3A_1433 : vector<16xf32>
      %parallel_loop3A_1435 = arith.minimumf %parallel_loop3A_1386, %parallel_loop3A_1410 : vector<16xf32>
      %parallel_loop3A_1436 = arith.maximumf %parallel_loop3A_1378, %parallel_loop3A_1398 : vector<16xf32>
      %parallel_loop3A_1437 = arith.subf %parallel_loop3A_1435, %parallel_loop3A_1436 : vector<16xf32>
      %parallel_loop3A_1438 = arith.constant 0.000000e+00 : f32
      %parallel_loop3A_1439 = vector.broadcast %parallel_loop3A_1438 : f32 to vector<16xf32>
      %parallel_loop3A_1440 = arith.maximumf %parallel_loop3A_1437, %parallel_loop3A_1439 : vector<16xf32>
      %parallel_loop3A_1441 = arith.mulf %parallel_loop3A_1434, %parallel_loop3A_1440 : vector<16xf32>
      %parallel_loop3A_1442 = arith.addf %parallel_loop3A_1419, %parallel_loop3A_1428 : vector<16xf32>
      %parallel_loop3A_1443 = arith.subf %parallel_loop3A_1442, %parallel_loop3A_1441 : vector<16xf32>
      %parallel_loop3A_1444 = arith.constant 1.000000e-07 : f32
      %parallel_loop3A_1445 = vector.broadcast %parallel_loop3A_1444 : f32 to vector<16xf32>
      %parallel_loop3A_1446 = arith.addf %parallel_loop3A_1443, %parallel_loop3A_1445 : vector<16xf32>
      %parallel_loop3A_1447 = arith.addf %parallel_loop3A_1374, %parallel_loop3A_1382 : vector<16xf32>
      %parallel_loop3A_1448 = arith.addf %parallel_loop3A_1392, %parallel_loop3A_1404 : vector<16xf32>
      %parallel_loop3A_1449 = arith.subf %parallel_loop3A_1447, %parallel_loop3A_1448 : vector<16xf32>
      %parallel_loop3A_1450 = arith.addf %parallel_loop3A_1378, %parallel_loop3A_1386 : vector<16xf32>
      %parallel_loop3A_1451 = arith.addf %parallel_loop3A_1398, %parallel_loop3A_1410 : vector<16xf32>
      %parallel_loop3A_1452 = arith.subf %parallel_loop3A_1450, %parallel_loop3A_1451 : vector<16xf32>
      %parallel_loop3A_1453 = arith.mulf %parallel_loop3A_1449, %parallel_loop3A_1449 : vector<16xf32>
      %parallel_loop3A_1454 = arith.mulf %parallel_loop3A_1452, %parallel_loop3A_1452 : vector<16xf32>
      %parallel_loop3A_1455 = arith.addf %parallel_loop3A_1453, %parallel_loop3A_1454 : vector<16xf32>
      %parallel_loop3A_1456 = arith.constant 2.500000e-01 : f32
      %parallel_loop3A_1457 = vector.broadcast %parallel_loop3A_1456 : f32 to vector<16xf32>
      %parallel_loop3A_1458 = arith.mulf %parallel_loop3A_1457, %parallel_loop3A_1455 : vector<16xf32>
      %parallel_loop3A_1459 = arith.maximumf %parallel_loop3A_1382, %parallel_loop3A_1404 : vector<16xf32>
      %parallel_loop3A_1460 = arith.minimumf %parallel_loop3A_1374, %parallel_loop3A_1392 : vector<16xf32>
      %parallel_loop3A_1461 = arith.subf %parallel_loop3A_1459, %parallel_loop3A_1460 : vector<16xf32>
      %parallel_loop3A_1462 = arith.maximumf %parallel_loop3A_1386, %parallel_loop3A_1410 : vector<16xf32>
      %parallel_loop3A_1463 = arith.minimumf %parallel_loop3A_1378, %parallel_loop3A_1398 : vector<16xf32>
      %parallel_loop3A_1464 = arith.subf %parallel_loop3A_1462, %parallel_loop3A_1463 : vector<16xf32>
      %parallel_loop3A_1465 = arith.mulf %parallel_loop3A_1461, %parallel_loop3A_1461 : vector<16xf32>
      %parallel_loop3A_1466 = arith.mulf %parallel_loop3A_1464, %parallel_loop3A_1464 : vector<16xf32>
      %parallel_loop3A_1467 = arith.addf %parallel_loop3A_1465, %parallel_loop3A_1466 : vector<16xf32>
      %parallel_loop3A_1468 = arith.constant 1.000000e-07 : f32
      %parallel_loop3A_1469 = vector.broadcast %parallel_loop3A_1468 : f32 to vector<16xf32>
      %parallel_loop3A_1470 = arith.addf %parallel_loop3A_1467, %parallel_loop3A_1469 : vector<16xf32>
      %parallel_loop3A_1471 = arith.mulf %parallel_loop3A_1458, %parallel_loop3A_1446 : vector<16xf32>
      %parallel_loop3A_1472 = arith.mulf %parallel_loop3A_1441, %parallel_loop3A_1470 : vector<16xf32>
      %parallel_loop3A_1473 = arith.subf %parallel_loop3A_1471, %parallel_loop3A_1472 : vector<16xf32>
      %parallel_loop3A_1474 = arith.mulf %parallel_loop3A_1446, %parallel_loop3A_1470 : vector<16xf32>
      %parallel_loop3A_1475 = arith.divf %parallel_loop3A_1473, %parallel_loop3A_1474 : vector<16xf32>
      %parallel_loop3A_1476 = arith.addf %parallel_loop3A_1274, %parallel_loop3A_1475 : vector<16xf32>
      %parallel_loop3A_1477 = arith.subf %parallel_loop3A_1374, %parallel_loop3A_1392 : vector<16xf32>
      %parallel_loop3A_1478 = math.absf %parallel_loop3A_1477 : vector<16xf32>
      %parallel_loop3A_1479 = arith.constant 1.000000e+00 : f32
      %parallel_loop3A_1480 = vector.broadcast %parallel_loop3A_1479 : f32 to vector<16xf32>
      %parallel_loop3A_1481 = arith.minimumf %parallel_loop3A_1478, %parallel_loop3A_1480 : vector<16xf32>
      %parallel_loop3A_1482 = arith.subf %parallel_loop3A_1478, %parallel_loop3A_1481 : vector<16xf32>
      %parallel_loop3A_1483 = arith.addf %parallel_loop3A_1308, %parallel_loop3A_1482 : vector<16xf32>
      %parallel_loop3A_1484 = arith.mulf %parallel_loop3A_1481, %parallel_loop3A_1481 : vector<16xf32>
      %parallel_loop3A_1485 = arith.addf %parallel_loop3A_1310, %parallel_loop3A_1484 : vector<16xf32>
      %parallel_loop3A_1486 = arith.subf %parallel_loop3A_1378, %parallel_loop3A_1398 : vector<16xf32>
      %parallel_loop3A_1487 = math.absf %parallel_loop3A_1486 : vector<16xf32>
      %parallel_loop3A_1488 = arith.constant 1.000000e+00 : f32
      %parallel_loop3A_1489 = vector.broadcast %parallel_loop3A_1488 : f32 to vector<16xf32>
      %parallel_loop3A_1490 = arith.minimumf %parallel_loop3A_1487, %parallel_loop3A_1489 : vector<16xf32>
      %parallel_loop3A_1491 = arith.subf %parallel_loop3A_1487, %parallel_loop3A_1490 : vector<16xf32>
      %parallel_loop3A_1492 = arith.addf %parallel_loop3A_1483, %parallel_loop3A_1491 : vector<16xf32>
      %parallel_loop3A_1493 = arith.mulf %parallel_loop3A_1490, %parallel_loop3A_1490 : vector<16xf32>
      %parallel_loop3A_1494 = arith.addf %parallel_loop3A_1485, %parallel_loop3A_1493 : vector<16xf32>
      %parallel_loop3A_1495 = arith.subf %parallel_loop3A_1382, %parallel_loop3A_1404 : vector<16xf32>
      %parallel_loop3A_1496 = math.absf %parallel_loop3A_1495 : vector<16xf32>
      %parallel_loop3A_1497 = arith.constant 1.000000e+00 : f32
      %parallel_loop3A_1498 = vector.broadcast %parallel_loop3A_1497 : f32 to vector<16xf32>
      %parallel_loop3A_1499 = arith.minimumf %parallel_loop3A_1496, %parallel_loop3A_1498 : vector<16xf32>
      %parallel_loop3A_1500 = arith.subf %parallel_loop3A_1496, %parallel_loop3A_1499 : vector<16xf32>
      %parallel_loop3A_1501 = arith.addf %parallel_loop3A_1492, %parallel_loop3A_1500 : vector<16xf32>
      %parallel_loop3A_1502 = arith.mulf %parallel_loop3A_1499, %parallel_loop3A_1499 : vector<16xf32>
      %parallel_loop3A_1503 = arith.addf %parallel_loop3A_1494, %parallel_loop3A_1502 : vector<16xf32>
      %parallel_loop3A_1504 = arith.subf %parallel_loop3A_1386, %parallel_loop3A_1410 : vector<16xf32>
      %parallel_loop3A_1505 = math.absf %parallel_loop3A_1504 : vector<16xf32>
      %parallel_loop3A_1506 = arith.constant 1.000000e+00 : f32
      %parallel_loop3A_1507 = vector.broadcast %parallel_loop3A_1506 : f32 to vector<16xf32>
      %parallel_loop3A_1508 = arith.minimumf %parallel_loop3A_1505, %parallel_loop3A_1507 : vector<16xf32>
      %parallel_loop3A_1509 = arith.subf %parallel_loop3A_1505, %parallel_loop3A_1508 : vector<16xf32>
      %parallel_loop3A_1510 = arith.addf %parallel_loop3A_1501, %parallel_loop3A_1509 : vector<16xf32>
      %parallel_loop3A_1511 = arith.mulf %parallel_loop3A_1508, %parallel_loop3A_1508 : vector<16xf32>
      %parallel_loop3A_1512 = arith.addf %parallel_loop3A_1503, %parallel_loop3A_1511 : vector<16xf32>
      %parallel_loop3A_1513 = arith.subf %parallel_loop3A_1374, %parallel_loop3A_1382 : vector<16xf32>
      %parallel_loop3A_1514 = arith.subf %parallel_loop3A_1378, %parallel_loop3A_1386 : vector<16xf32>
      %parallel_loop3A_1515 = arith.constant 0.000000e+00 : f32
      %parallel_loop3A_1516 = vector.broadcast %parallel_loop3A_1515 : f32 to vector<16xf32>
      %parallel_loop3A_1517 = arith.maximumf %parallel_loop3A_1513, %parallel_loop3A_1516 : vector<16xf32>
      %parallel_loop3A_1518 = arith.addf %parallel_loop3A_1338, %parallel_loop3A_1517 : vector<16xf32>
      %parallel_loop3A_1519 = arith.constant 0.000000e+00 : f32
      %parallel_loop3A_1520 = vector.broadcast %parallel_loop3A_1519 : f32 to vector<16xf32>
      %parallel_loop3A_1521 = arith.maximumf %parallel_loop3A_1514, %parallel_loop3A_1520 : vector<16xf32>
      %parallel_loop3A_1522 = arith.addf %parallel_loop3A_1518, %parallel_loop3A_1521 : vector<16xf32>
      %parallel_loop3A_1523 = arith.constant 1.000000e+00 : f32
      %parallel_loop3A_1524 = vector.broadcast %parallel_loop3A_1523 : f32 to vector<16xf32>
      %parallel_loop3A_1525 = arith.cmpf oge, %parallel_loop3A_1513, %parallel_loop3A_1524 : vector<16xf32>
      %parallel_loop3A_1526 = arith.constant 1.000000e+00 : f32
      %parallel_loop3A_1527 = arith.constant 0.000000e+00 : f32
      %parallel_loop3A_1528 = vector.broadcast %parallel_loop3A_1526 : f32 to vector<16xf32>
      %parallel_loop3A_1529 = vector.broadcast %parallel_loop3A_1527 : f32 to vector<16xf32>
      %parallel_loop3A_1530 = arith.select %parallel_loop3A_1525, %parallel_loop3A_1528, %parallel_loop3A_1529 : vector<16xi1>, vector<16xf32>
      %parallel_loop3A_1531 = arith.addf %parallel_loop3A_1522, %parallel_loop3A_1530 : vector<16xf32>
      %parallel_loop3A_1532 = arith.constant 1.000000e+00 : f32
      %parallel_loop3A_1533 = vector.broadcast %parallel_loop3A_1532 : f32 to vector<16xf32>
      %parallel_loop3A_1534 = arith.cmpf oge, %parallel_loop3A_1514, %parallel_loop3A_1533 : vector<16xf32>
      %parallel_loop3A_1535 = arith.constant 1.000000e+00 : f32
      %parallel_loop3A_1536 = arith.constant 0.000000e+00 : f32
      %parallel_loop3A_1537 = vector.broadcast %parallel_loop3A_1535 : f32 to vector<16xf32>
      %parallel_loop3A_1538 = vector.broadcast %parallel_loop3A_1536 : f32 to vector<16xf32>
      %parallel_loop3A_1539 = arith.select %parallel_loop3A_1534, %parallel_loop3A_1537, %parallel_loop3A_1538 : vector<16xi1>, vector<16xf32>
      %parallel_loop3A_1540 = arith.addf %parallel_loop3A_1531, %parallel_loop3A_1539 : vector<16xf32>
      %parallel_loop3A_1541 = arith.constant 0.000000e+00 : f32
      %parallel_loop3A_1542 = vector.broadcast %parallel_loop3A_1541 : f32 to vector<16xf32>
      %parallel_loop3A_1543 = arith.minimumf %parallel_loop3A_1374, %parallel_loop3A_1542 : vector<16xf32>
      %parallel_loop3A_1544 = arith.addf %parallel_loop3A_1366, %parallel_loop3A_1543 : vector<16xf32>
      %parallel_loop3A_1545 = arith.constant 4.480000e+02 : f32
      %parallel_loop3A_1546 = vector.broadcast %parallel_loop3A_1545 : f32 to vector<16xf32>
      %parallel_loop3A_1547 = arith.maximumf %parallel_loop3A_1374, %parallel_loop3A_1546 : vector<16xf32>
      %parallel_loop3A_1548 = arith.addf %parallel_loop3A_1370, %parallel_loop3A_1547 : vector<16xf32>
      %parallel_loop3A_1549 = arith.constant 0.000000e+00 : f32
      %parallel_loop3A_1550 = vector.broadcast %parallel_loop3A_1549 : f32 to vector<16xf32>
      %parallel_loop3A_1551 = arith.minimumf %parallel_loop3A_1378, %parallel_loop3A_1550 : vector<16xf32>
      %parallel_loop3A_1552 = arith.addf %parallel_loop3A_1544, %parallel_loop3A_1551 : vector<16xf32>
      %parallel_loop3A_1553 = arith.constant 4.480000e+02 : f32
      %parallel_loop3A_1554 = vector.broadcast %parallel_loop3A_1553 : f32 to vector<16xf32>
      %parallel_loop3A_1555 = arith.maximumf %parallel_loop3A_1378, %parallel_loop3A_1554 : vector<16xf32>
      %parallel_loop3A_1556 = arith.addf %parallel_loop3A_1548, %parallel_loop3A_1555 : vector<16xf32>
      %parallel_loop3A_1557 = arith.constant 0.000000e+00 : f32
      %parallel_loop3A_1558 = vector.broadcast %parallel_loop3A_1557 : f32 to vector<16xf32>
      %parallel_loop3A_1559 = arith.minimumf %parallel_loop3A_1382, %parallel_loop3A_1558 : vector<16xf32>
      %parallel_loop3A_1560 = arith.addf %parallel_loop3A_1552, %parallel_loop3A_1559 : vector<16xf32>
      %parallel_loop3A_1561 = arith.constant 4.480000e+02 : f32
      %parallel_loop3A_1562 = vector.broadcast %parallel_loop3A_1561 : f32 to vector<16xf32>
      %parallel_loop3A_1563 = arith.maximumf %parallel_loop3A_1382, %parallel_loop3A_1562 : vector<16xf32>
      %parallel_loop3A_1564 = arith.addf %parallel_loop3A_1556, %parallel_loop3A_1563 : vector<16xf32>
      %parallel_loop3A_1565 = arith.constant 0.000000e+00 : f32
      %parallel_loop3A_1566 = vector.broadcast %parallel_loop3A_1565 : f32 to vector<16xf32>
      %parallel_loop3A_1567 = arith.minimumf %parallel_loop3A_1386, %parallel_loop3A_1566 : vector<16xf32>
      %parallel_loop3A_1568 = arith.addf %parallel_loop3A_1560, %parallel_loop3A_1567 : vector<16xf32>
      %parallel_loop3A_1569 = arith.constant 4.480000e+02 : f32
      %parallel_loop3A_1570 = vector.broadcast %parallel_loop3A_1569 : f32 to vector<16xf32>
      %parallel_loop3A_1571 = arith.maximumf %parallel_loop3A_1386, %parallel_loop3A_1570 : vector<16xf32>
      %parallel_loop3A_1572 = arith.addf %parallel_loop3A_1564, %parallel_loop3A_1571 : vector<16xf32>
      %parallel_loop3A_1573 = arith.constant 7 : i32
      %parallel_loop3A_1574 = arith.index_cast %parallel_loop3A_1573 : i32 to index
      %parallel_loop3A_1575 = arith.index_cast %parallel_loop3A_158 : i32 to index
      %parallel_loop3A_1576 = tpu.vector_load %arg5[%parallel_loop3A_1574, %parallel_loop3A_1575] {strides = array<i32>} : memref<8x1280xf32, #tpu.memory_space<vmem>>, vector<16xf32>,
      %parallel_loop3A_1577 = arith.constant 7 : i32
      %parallel_loop3A_1578 = arith.index_cast %parallel_loop3A_1577 : i32 to index
      %parallel_loop3A_1579 = arith.index_cast %parallel_loop3A_158 : i32 to index
      %parallel_loop3A_1580 = tpu.vector_load %arg6[%parallel_loop3A_1578, %parallel_loop3A_1579] {strides = array<i32>} : memref<8x1280xf32, #tpu.memory_space<vmem>>, vector<16xf32>,
      %parallel_loop3A_1581 = arith.constant 7 : i32
      %parallel_loop3A_1582 = arith.index_cast %parallel_loop3A_1581 : i32 to index
      %parallel_loop3A_1583 = arith.index_cast %parallel_loop3A_158 : i32 to index
      %parallel_loop3A_1584 = tpu.vector_load %arg7[%parallel_loop3A_1582, %parallel_loop3A_1583] {strides = array<i32>} : memref<8x1280xf32, #tpu.memory_space<vmem>>, vector<16xf32>,
      %parallel_loop3A_1585 = arith.constant 7 : i32
      %parallel_loop3A_1586 = arith.index_cast %parallel_loop3A_1585 : i32 to index
      %parallel_loop3A_1587 = arith.index_cast %parallel_loop3A_158 : i32 to index
      %parallel_loop3A_1588 = tpu.vector_load %arg8[%parallel_loop3A_1586, %parallel_loop3A_1587] {strides = array<i32>} : memref<8x1280xf32, #tpu.memory_space<vmem>>, vector<16xf32>,
      %parallel_loop3A_1589 = arith.constant 7 : i32
      %parallel_loop3A_1590 = arith.constant 0 : i32
      %parallel_loop3A_1591 = arith.index_cast %parallel_loop3A_1589 : i32 to index
      %parallel_loop3A_1592 = arith.index_cast %parallel_loop3A_1590 : i32 to index
      %parallel_loop3A_1593 = arith.index_cast %parallel_loop3A_158 : i32 to index
      %parallel_loop3A_1594 = tpu.vector_load %arg9[%parallel_loop3A_1591, %parallel_loop3A_1592, %parallel_loop3A_1593] {strides = array<i32>} : memref<8x4x1280xf32, #tpu.memory_space<vmem>>, vector<16xf32>,
      %parallel_loop3A_1595 = arith.constant 7 : i32
      %parallel_loop3A_1596 = arith.constant 1 : i32
      %parallel_loop3A_1597 = arith.index_cast %parallel_loop3A_1595 : i32 to index
      %parallel_loop3A_1598 = arith.index_cast %parallel_loop3A_1596 : i32 to index
      %parallel_loop3A_1599 = arith.index_cast %parallel_loop3A_158 : i32 to index
      %parallel_loop3A_1600 = tpu.vector_load %arg9[%parallel_loop3A_1597, %parallel_loop3A_1598, %parallel_loop3A_1599] {strides = array<i32>} : memref<8x4x1280xf32, #tpu.memory_space<vmem>>, vector<16xf32>,
      %parallel_loop3A_1601 = arith.constant 7 : i32
      %parallel_loop3A_1602 = arith.constant 2 : i32
      %parallel_loop3A_1603 = arith.index_cast %parallel_loop3A_1601 : i32 to index
      %parallel_loop3A_1604 = arith.index_cast %parallel_loop3A_1602 : i32 to index
      %parallel_loop3A_1605 = arith.index_cast %parallel_loop3A_158 : i32 to index
      %parallel_loop3A_1606 = tpu.vector_load %arg9[%parallel_loop3A_1603, %parallel_loop3A_1604, %parallel_loop3A_1605] {strides = array<i32>} : memref<8x4x1280xf32, #tpu.memory_space<vmem>>, vector<16xf32>,
      %parallel_loop3A_1607 = arith.constant 7 : i32
      %parallel_loop3A_1608 = arith.constant 3 : i32
      %parallel_loop3A_1609 = arith.index_cast %parallel_loop3A_1607 : i32 to index
      %parallel_loop3A_1610 = arith.index_cast %parallel_loop3A_1608 : i32 to index
      %parallel_loop3A_1611 = arith.index_cast %parallel_loop3A_158 : i32 to index
      %parallel_loop3A_1612 = tpu.vector_load %arg9[%parallel_loop3A_1609, %parallel_loop3A_1610, %parallel_loop3A_1611] {strides = array<i32>} : memref<8x4x1280xf32, #tpu.memory_space<vmem>>, vector<16xf32>,
      %parallel_loop3A_1613 = arith.subf %parallel_loop3A_1584, %parallel_loop3A_1576 : vector<16xf32>
      %parallel_loop3A_1614 = arith.constant 0.000000e+00 : f32
      %parallel_loop3A_1615 = vector.broadcast %parallel_loop3A_1614 : f32 to vector<16xf32>
      %parallel_loop3A_1616 = arith.maximumf %parallel_loop3A_1613, %parallel_loop3A_1615 : vector<16xf32>
      %parallel_loop3A_1617 = arith.subf %parallel_loop3A_1588, %parallel_loop3A_1580 : vector<16xf32>
      %parallel_loop3A_1618 = arith.constant 0.000000e+00 : f32
      %parallel_loop3A_1619 = vector.broadcast %parallel_loop3A_1618 : f32 to vector<16xf32>
      %parallel_loop3A_1620 = arith.maximumf %parallel_loop3A_1617, %parallel_loop3A_1619 : vector<16xf32>
      %parallel_loop3A_1621 = arith.mulf %parallel_loop3A_1616, %parallel_loop3A_1620 : vector<16xf32>
      %parallel_loop3A_1622 = arith.subf %parallel_loop3A_1606, %parallel_loop3A_1594 : vector<16xf32>
      %parallel_loop3A_1623 = arith.constant 0.000000e+00 : f32
      %parallel_loop3A_1624 = vector.broadcast %parallel_loop3A_1623 : f32 to vector<16xf32>
      %parallel_loop3A_1625 = arith.maximumf %parallel_loop3A_1622, %parallel_loop3A_1624 : vector<16xf32>
      %parallel_loop3A_1626 = arith.subf %parallel_loop3A_1612, %parallel_loop3A_1600 : vector<16xf32>
      %parallel_loop3A_1627 = arith.constant 0.000000e+00 : f32
      %parallel_loop3A_1628 = vector.broadcast %parallel_loop3A_1627 : f32 to vector<16xf32>
      %parallel_loop3A_1629 = arith.maximumf %parallel_loop3A_1626, %parallel_loop3A_1628 : vector<16xf32>
      %parallel_loop3A_1630 = arith.mulf %parallel_loop3A_1625, %parallel_loop3A_1629 : vector<16xf32>
      %parallel_loop3A_1631 = arith.minimumf %parallel_loop3A_1584, %parallel_loop3A_1606 : vector<16xf32>
      %parallel_loop3A_1632 = arith.maximumf %parallel_loop3A_1576, %parallel_loop3A_1594 : vector<16xf32>
      %parallel_loop3A_1633 = arith.subf %parallel_loop3A_1631, %parallel_loop3A_1632 : vector<16xf32>
      %parallel_loop3A_1634 = arith.constant 0.000000e+00 : f32
      %parallel_loop3A_1635 = vector.broadcast %parallel_loop3A_1634 : f32 to vector<16xf32>
      %parallel_loop3A_1636 = arith.maximumf %parallel_loop3A_1633, %parallel_loop3A_1635 : vector<16xf32>
      %parallel_loop3A_1637 = arith.minimumf %parallel_loop3A_1588, %parallel_loop3A_1612 : vector<16xf32>
      %parallel_loop3A_1638 = arith.maximumf %parallel_loop3A_1580, %parallel_loop3A_1600 : vector<16xf32>
      %parallel_loop3A_1639 = arith.subf %parallel_loop3A_1637, %parallel_loop3A_1638 : vector<16xf32>
      %parallel_loop3A_1640 = arith.constant 0.000000e+00 : f32
      %parallel_loop3A_1641 = vector.broadcast %parallel_loop3A_1640 : f32 to vector<16xf32>
      %parallel_loop3A_1642 = arith.maximumf %parallel_loop3A_1639, %parallel_loop3A_1641 : vector<16xf32>
      %parallel_loop3A_1643 = arith.mulf %parallel_loop3A_1636, %parallel_loop3A_1642 : vector<16xf32>
      %parallel_loop3A_1644 = arith.addf %parallel_loop3A_1621, %parallel_loop3A_1630 : vector<16xf32>
      %parallel_loop3A_1645 = arith.subf %parallel_loop3A_1644, %parallel_loop3A_1643 : vector<16xf32>
      %parallel_loop3A_1646 = arith.constant 1.000000e-07 : f32
      %parallel_loop3A_1647 = vector.broadcast %parallel_loop3A_1646 : f32 to vector<16xf32>
      %parallel_loop3A_1648 = arith.addf %parallel_loop3A_1645, %parallel_loop3A_1647 : vector<16xf32>
      %parallel_loop3A_1649 = arith.addf %parallel_loop3A_1576, %parallel_loop3A_1584 : vector<16xf32>
      %parallel_loop3A_1650 = arith.addf %parallel_loop3A_1594, %parallel_loop3A_1606 : vector<16xf32>
      %parallel_loop3A_1651 = arith.subf %parallel_loop3A_1649, %parallel_loop3A_1650 : vector<16xf32>
      %parallel_loop3A_1652 = arith.addf %parallel_loop3A_1580, %parallel_loop3A_1588 : vector<16xf32>
      %parallel_loop3A_1653 = arith.addf %parallel_loop3A_1600, %parallel_loop3A_1612 : vector<16xf32>
      %parallel_loop3A_1654 = arith.subf %parallel_loop3A_1652, %parallel_loop3A_1653 : vector<16xf32>
      %parallel_loop3A_1655 = arith.mulf %parallel_loop3A_1651, %parallel_loop3A_1651 : vector<16xf32>
      %parallel_loop3A_1656 = arith.mulf %parallel_loop3A_1654, %parallel_loop3A_1654 : vector<16xf32>
      %parallel_loop3A_1657 = arith.addf %parallel_loop3A_1655, %parallel_loop3A_1656 : vector<16xf32>
      %parallel_loop3A_1658 = arith.constant 2.500000e-01 : f32
      %parallel_loop3A_1659 = vector.broadcast %parallel_loop3A_1658 : f32 to vector<16xf32>
      %parallel_loop3A_1660 = arith.mulf %parallel_loop3A_1659, %parallel_loop3A_1657 : vector<16xf32>
      %parallel_loop3A_1661 = arith.maximumf %parallel_loop3A_1584, %parallel_loop3A_1606 : vector<16xf32>
      %parallel_loop3A_1662 = arith.minimumf %parallel_loop3A_1576, %parallel_loop3A_1594 : vector<16xf32>
      %parallel_loop3A_1663 = arith.subf %parallel_loop3A_1661, %parallel_loop3A_1662 : vector<16xf32>
      %parallel_loop3A_1664 = arith.maximumf %parallel_loop3A_1588, %parallel_loop3A_1612 : vector<16xf32>
      %parallel_loop3A_1665 = arith.minimumf %parallel_loop3A_1580, %parallel_loop3A_1600 : vector<16xf32>
      %parallel_loop3A_1666 = arith.subf %parallel_loop3A_1664, %parallel_loop3A_1665 : vector<16xf32>
      %parallel_loop3A_1667 = arith.mulf %parallel_loop3A_1663, %parallel_loop3A_1663 : vector<16xf32>
      %parallel_loop3A_1668 = arith.mulf %parallel_loop3A_1666, %parallel_loop3A_1666 : vector<16xf32>
      %parallel_loop3A_1669 = arith.addf %parallel_loop3A_1667, %parallel_loop3A_1668 : vector<16xf32>
      %parallel_loop3A_1670 = arith.constant 1.000000e-07 : f32
      %parallel_loop3A_1671 = vector.broadcast %parallel_loop3A_1670 : f32 to vector<16xf32>
      %parallel_loop3A_1672 = arith.addf %parallel_loop3A_1669, %parallel_loop3A_1671 : vector<16xf32>
      %parallel_loop3A_1673 = arith.mulf %parallel_loop3A_1660, %parallel_loop3A_1648 : vector<16xf32>
      %parallel_loop3A_1674 = arith.mulf %parallel_loop3A_1643, %parallel_loop3A_1672 : vector<16xf32>
      %parallel_loop3A_1675 = arith.subf %parallel_loop3A_1673, %parallel_loop3A_1674 : vector<16xf32>
      %parallel_loop3A_1676 = arith.mulf %parallel_loop3A_1648, %parallel_loop3A_1672 : vector<16xf32>
      %parallel_loop3A_1677 = arith.divf %parallel_loop3A_1675, %parallel_loop3A_1676 : vector<16xf32>
      %parallel_loop3A_1678 = arith.addf %parallel_loop3A_1476, %parallel_loop3A_1677 : vector<16xf32>
      %parallel_loop3A_1679 = arith.subf %parallel_loop3A_1576, %parallel_loop3A_1594 : vector<16xf32>
      %parallel_loop3A_1680 = math.absf %parallel_loop3A_1679 : vector<16xf32>
      %parallel_loop3A_1681 = arith.constant 1.000000e+00 : f32
      %parallel_loop3A_1682 = vector.broadcast %parallel_loop3A_1681 : f32 to vector<16xf32>
      %parallel_loop3A_1683 = arith.minimumf %parallel_loop3A_1680, %parallel_loop3A_1682 : vector<16xf32>
      %parallel_loop3A_1684 = arith.subf %parallel_loop3A_1680, %parallel_loop3A_1683 : vector<16xf32>
      %parallel_loop3A_1685 = arith.addf %parallel_loop3A_1510, %parallel_loop3A_1684 : vector<16xf32>
      %parallel_loop3A_1686 = arith.mulf %parallel_loop3A_1683, %parallel_loop3A_1683 : vector<16xf32>
      %parallel_loop3A_1687 = arith.addf %parallel_loop3A_1512, %parallel_loop3A_1686 : vector<16xf32>
      %parallel_loop3A_1688 = arith.subf %parallel_loop3A_1580, %parallel_loop3A_1600 : vector<16xf32>
      %parallel_loop3A_1689 = math.absf %parallel_loop3A_1688 : vector<16xf32>
      %parallel_loop3A_1690 = arith.constant 1.000000e+00 : f32
      %parallel_loop3A_1691 = vector.broadcast %parallel_loop3A_1690 : f32 to vector<16xf32>
      %parallel_loop3A_1692 = arith.minimumf %parallel_loop3A_1689, %parallel_loop3A_1691 : vector<16xf32>
      %parallel_loop3A_1693 = arith.subf %parallel_loop3A_1689, %parallel_loop3A_1692 : vector<16xf32>
      %parallel_loop3A_1694 = arith.addf %parallel_loop3A_1685, %parallel_loop3A_1693 : vector<16xf32>
      %parallel_loop3A_1695 = arith.mulf %parallel_loop3A_1692, %parallel_loop3A_1692 : vector<16xf32>
      %parallel_loop3A_1696 = arith.addf %parallel_loop3A_1687, %parallel_loop3A_1695 : vector<16xf32>
      %parallel_loop3A_1697 = arith.subf %parallel_loop3A_1584, %parallel_loop3A_1606 : vector<16xf32>
      %parallel_loop3A_1698 = math.absf %parallel_loop3A_1697 : vector<16xf32>
      %parallel_loop3A_1699 = arith.constant 1.000000e+00 : f32
      %parallel_loop3A_1700 = vector.broadcast %parallel_loop3A_1699 : f32 to vector<16xf32>
      %parallel_loop3A_1701 = arith.minimumf %parallel_loop3A_1698, %parallel_loop3A_1700 : vector<16xf32>
      %parallel_loop3A_1702 = arith.subf %parallel_loop3A_1698, %parallel_loop3A_1701 : vector<16xf32>
      %parallel_loop3A_1703 = arith.addf %parallel_loop3A_1694, %parallel_loop3A_1702 : vector<16xf32>
      %parallel_loop3A_1704 = arith.mulf %parallel_loop3A_1701, %parallel_loop3A_1701 : vector<16xf32>
      %parallel_loop3A_1705 = arith.addf %parallel_loop3A_1696, %parallel_loop3A_1704 : vector<16xf32>
      %parallel_loop3A_1706 = arith.subf %parallel_loop3A_1588, %parallel_loop3A_1612 : vector<16xf32>
      %parallel_loop3A_1707 = math.absf %parallel_loop3A_1706 : vector<16xf32>
      %parallel_loop3A_1708 = arith.constant 1.000000e+00 : f32
      %parallel_loop3A_1709 = vector.broadcast %parallel_loop3A_1708 : f32 to vector<16xf32>
      %parallel_loop3A_1710 = arith.minimumf %parallel_loop3A_1707, %parallel_loop3A_1709 : vector<16xf32>
      %parallel_loop3A_1711 = arith.subf %parallel_loop3A_1707, %parallel_loop3A_1710 : vector<16xf32>
      %parallel_loop3A_1712 = arith.addf %parallel_loop3A_1703, %parallel_loop3A_1711 : vector<16xf32>
      %parallel_loop3A_1713 = arith.mulf %parallel_loop3A_1710, %parallel_loop3A_1710 : vector<16xf32>
      %parallel_loop3A_1714 = arith.addf %parallel_loop3A_1705, %parallel_loop3A_1713 : vector<16xf32>
      %parallel_loop3A_1715 = arith.subf %parallel_loop3A_1576, %parallel_loop3A_1584 : vector<16xf32>
      %parallel_loop3A_1716 = arith.subf %parallel_loop3A_1580, %parallel_loop3A_1588 : vector<16xf32>
      %parallel_loop3A_1717 = arith.constant 0.000000e+00 : f32
      %parallel_loop3A_1718 = vector.broadcast %parallel_loop3A_1717 : f32 to vector<16xf32>
      %parallel_loop3A_1719 = arith.maximumf %parallel_loop3A_1715, %parallel_loop3A_1718 : vector<16xf32>
      %parallel_loop3A_1720 = arith.addf %parallel_loop3A_1540, %parallel_loop3A_1719 : vector<16xf32>
      %parallel_loop3A_1721 = arith.constant 0.000000e+00 : f32
      %parallel_loop3A_1722 = vector.broadcast %parallel_loop3A_1721 : f32 to vector<16xf32>
      %parallel_loop3A_1723 = arith.maximumf %parallel_loop3A_1716, %parallel_loop3A_1722 : vector<16xf32>
      %parallel_loop3A_1724 = arith.addf %parallel_loop3A_1720, %parallel_loop3A_1723 : vector<16xf32>
      %parallel_loop3A_1725 = arith.constant 1.000000e+00 : f32
      %parallel_loop3A_1726 = vector.broadcast %parallel_loop3A_1725 : f32 to vector<16xf32>
      %parallel_loop3A_1727 = arith.cmpf oge, %parallel_loop3A_1715, %parallel_loop3A_1726 : vector<16xf32>
      %parallel_loop3A_1728 = arith.constant 1.000000e+00 : f32
      %parallel_loop3A_1729 = arith.constant 0.000000e+00 : f32
      %parallel_loop3A_1730 = vector.broadcast %parallel_loop3A_1728 : f32 to vector<16xf32>
      %parallel_loop3A_1731 = vector.broadcast %parallel_loop3A_1729 : f32 to vector<16xf32>
      %parallel_loop3A_1732 = arith.select %parallel_loop3A_1727, %parallel_loop3A_1730, %parallel_loop3A_1731 : vector<16xi1>, vector<16xf32>
      %parallel_loop3A_1733 = arith.addf %parallel_loop3A_1724, %parallel_loop3A_1732 : vector<16xf32>
      %parallel_loop3A_1734 = arith.constant 1.000000e+00 : f32
      %parallel_loop3A_1735 = vector.broadcast %parallel_loop3A_1734 : f32 to vector<16xf32>
      %parallel_loop3A_1736 = arith.cmpf oge, %parallel_loop3A_1716, %parallel_loop3A_1735 : vector<16xf32>
      %parallel_loop3A_1737 = arith.constant 1.000000e+00 : f32
      %parallel_loop3A_1738 = arith.constant 0.000000e+00 : f32
      %parallel_loop3A_1739 = vector.broadcast %parallel_loop3A_1737 : f32 to vector<16xf32>
      %parallel_loop3A_1740 = vector.broadcast %parallel_loop3A_1738 : f32 to vector<16xf32>
      %parallel_loop3A_1741 = arith.select %parallel_loop3A_1736, %parallel_loop3A_1739, %parallel_loop3A_1740 : vector<16xi1>, vector<16xf32>
      %parallel_loop3A_1742 = arith.addf %parallel_loop3A_1733, %parallel_loop3A_1741 : vector<16xf32>
      %parallel_loop3A_1743 = arith.constant 0.000000e+00 : f32
      %parallel_loop3A_1744 = vector.broadcast %parallel_loop3A_1743 : f32 to vector<16xf32>
      %parallel_loop3A_1745 = arith.minimumf %parallel_loop3A_1576, %parallel_loop3A_1744 : vector<16xf32>
      %parallel_loop3A_1746 = arith.addf %parallel_loop3A_1568, %parallel_loop3A_1745 : vector<16xf32>
      %parallel_loop3A_1747 = arith.constant 4.480000e+02 : f32
      %parallel_loop3A_1748 = vector.broadcast %parallel_loop3A_1747 : f32 to vector<16xf32>
      %parallel_loop3A_1749 = arith.maximumf %parallel_loop3A_1576, %parallel_loop3A_1748 : vector<16xf32>
      %parallel_loop3A_1750 = arith.addf %parallel_loop3A_1572, %parallel_loop3A_1749 : vector<16xf32>
      %parallel_loop3A_1751 = arith.constant 0.000000e+00 : f32
      %parallel_loop3A_1752 = vector.broadcast %parallel_loop3A_1751 : f32 to vector<16xf32>
      %parallel_loop3A_1753 = arith.minimumf %parallel_loop3A_1580, %parallel_loop3A_1752 : vector<16xf32>
      %parallel_loop3A_1754 = arith.addf %parallel_loop3A_1746, %parallel_loop3A_1753 : vector<16xf32>
      %parallel_loop3A_1755 = arith.constant 4.480000e+02 : f32
      %parallel_loop3A_1756 = vector.broadcast %parallel_loop3A_1755 : f32 to vector<16xf32>
      %parallel_loop3A_1757 = arith.maximumf %parallel_loop3A_1580, %parallel_loop3A_1756 : vector<16xf32>
      %parallel_loop3A_1758 = arith.addf %parallel_loop3A_1750, %parallel_loop3A_1757 : vector<16xf32>
      %parallel_loop3A_1759 = arith.constant 0.000000e+00 : f32
      %parallel_loop3A_1760 = vector.broadcast %parallel_loop3A_1759 : f32 to vector<16xf32>
      %parallel_loop3A_1761 = arith.minimumf %parallel_loop3A_1584, %parallel_loop3A_1760 : vector<16xf32>
      %parallel_loop3A_1762 = arith.addf %parallel_loop3A_1754, %parallel_loop3A_1761 : vector<16xf32>
      %parallel_loop3A_1763 = arith.constant 4.480000e+02 : f32
      %parallel_loop3A_1764 = vector.broadcast %parallel_loop3A_1763 : f32 to vector<16xf32>
      %parallel_loop3A_1765 = arith.maximumf %parallel_loop3A_1584, %parallel_loop3A_1764 : vector<16xf32>
      %parallel_loop3A_1766 = arith.addf %parallel_loop3A_1758, %parallel_loop3A_1765 : vector<16xf32>
      %parallel_loop3A_1767 = arith.constant 0.000000e+00 : f32
      %parallel_loop3A_1768 = vector.broadcast %parallel_loop3A_1767 : f32 to vector<16xf32>
      %parallel_loop3A_1769 = arith.minimumf %parallel_loop3A_1588, %parallel_loop3A_1768 : vector<16xf32>
      %parallel_loop3A_1770 = arith.addf %parallel_loop3A_1762, %parallel_loop3A_1769 : vector<16xf32>
      %parallel_loop3A_1771 = arith.constant 4.480000e+02 : f32
      %parallel_loop3A_1772 = vector.broadcast %parallel_loop3A_1771 : f32 to vector<16xf32>
      %parallel_loop3A_1773 = arith.maximumf %parallel_loop3A_1588, %parallel_loop3A_1772 : vector<16xf32>
      %parallel_loop3A_1774 = arith.addf %parallel_loop3A_1766, %parallel_loop3A_1773 : vector<16xf32>
      scf.yield %parallel_loop3A_1678, %parallel_loop3A_1712, %parallel_loop3A_1714, %parallel_loop3A_1742, %parallel_loop3A_1770, %parallel_loop3A_1774 : vector<16xf32>, vector<16xf32>, vector<16xf32>, vector<16xf32>, vector<16xf32>, vector<16xf32>
    } {sc.loop_unroll_factor = 2 : i64, sc.parallel_access}
    %swap3A = arith.constant 0 : i32
    %swap3A_115 = arith.index_cast %swap3A : i32 to index
    %swap3A_116 = arith.constant 0 : index
    %swap3A_117 = tpu.vector_load %arg10[%swap3A_115, %swap3A_116] {strides = array<i32>} : memref<8x16xf32, #tpu.memory_space<vmem>>, vector<16xf32>,
    tpu.vector_store %arg10[%swap3A_115, %swap3A_116], %parallel_loop3A_114#0 {strides = array<i32>} : memref<8x16xf32, #tpu.memory_space<vmem>>, vector<16xf32>,
    %swap3A_118 = arith.constant 1 : i32
    %swap3A_119 = arith.index_cast %swap3A_118 : i32 to index
    %swap3A_120 = arith.constant 0 : index
    %swap3A_121 = tpu.vector_load %arg10[%swap3A_119, %swap3A_120] {strides = array<i32>} : memref<8x16xf32, #tpu.memory_space<vmem>>, vector<16xf32>,
    tpu.vector_store %arg10[%swap3A_119, %swap3A_120], %parallel_loop3A_114#1 {strides = array<i32>} : memref<8x16xf32, #tpu.memory_space<vmem>>, vector<16xf32>,
    %swap3A_122 = arith.constant 2 : i32
    %swap3A_123 = arith.index_cast %swap3A_122 : i32 to index
    %swap3A_124 = arith.constant 0 : index
    %swap3A_125 = tpu.vector_load %arg10[%swap3A_123, %swap3A_124] {strides = array<i32>} : memref<8x16xf32, #tpu.memory_space<vmem>>, vector<16xf32>,
    tpu.vector_store %arg10[%swap3A_123, %swap3A_124], %parallel_loop3A_114#2 {strides = array<i32>} : memref<8x16xf32, #tpu.memory_space<vmem>>, vector<16xf32>,
    %swap3A_126 = arith.constant 3 : i32
    %swap3A_127 = arith.index_cast %swap3A_126 : i32 to index
    %swap3A_128 = arith.constant 0 : index
    %swap3A_129 = tpu.vector_load %arg10[%swap3A_127, %swap3A_128] {strides = array<i32>} : memref<8x16xf32, #tpu.memory_space<vmem>>, vector<16xf32>,
    tpu.vector_store %arg10[%swap3A_127, %swap3A_128], %parallel_loop3A_114#3 {strides = array<i32>} : memref<8x16xf32, #tpu.memory_space<vmem>>, vector<16xf32>,
    %swap3A_130 = arith.constant 4 : i32
    %swap3A_131 = arith.index_cast %swap3A_130 : i32 to index
    %swap3A_132 = arith.constant 0 : index
    %swap3A_133 = tpu.vector_load %arg10[%swap3A_131, %swap3A_132] {strides = array<i32>} : memref<8x16xf32, #tpu.memory_space<vmem>>, vector<16xf32>,
    tpu.vector_store %arg10[%swap3A_131, %swap3A_132], %parallel_loop3A_114#4 {strides = array<i32>} : memref<8x16xf32, #tpu.memory_space<vmem>>, vector<16xf32>,
    %sub3A_134 = arith.constant 0x49888000 : f32
    %sub3A_135 = vector.broadcast %sub3A_134 : f32 to vector<16xf32>
    %sub3A_136 = arith.subf %parallel_loop3A_114#5, %sub3A_135 : vector<16xf32>
    %swap3A_137 = arith.constant 5 : i32
    %swap3A_138 = arith.index_cast %swap3A_137 : i32 to index
    %swap3A_139 = arith.constant 0 : index
    %swap3A_140 = tpu.vector_load %arg10[%swap3A_138, %swap3A_139] {strides = array<i32>} : memref<8x16xf32, #tpu.memory_space<vmem>>, vector<16xf32>,
    tpu.vector_store %arg10[%swap3A_138, %swap3A_139], %sub3A_136 {strides = array<i32>} : memref<8x16xf32, #tpu.memory_space<vmem>>, vector<16xf32>,
    %swap3A_141 = arith.constant 6 : i32
    %swap3A_142 = arith.index_cast %swap3A_141 : i32 to index
    %swap3A_143 = arith.constant 0 : index
    %swap3A_144 = tpu.vector_load %arg10[%swap3A_142, %swap3A_143] {strides = array<i32>} : memref<8x16xf32, #tpu.memory_space<vmem>>, vector<16xf32>,
    tpu.vector_store %arg10[%swap3A_142, %swap3A_143], %broadcast_in_dim3A_111 {strides = array<i32>} : memref<8x16xf32, #tpu.memory_space<vmem>>, vector<16xf32>,
    %swap3A_145 = arith.constant 7 : i32
    %swap3A_146 = arith.index_cast %swap3A_145 : i32 to index
    %swap3A_147 = arith.constant 0 : index
    %swap3A_148 = tpu.vector_load %arg10[%swap3A_146, %swap3A_147] {strides = array<i32>} : memref<8x16xf32, #tpu.memory_space<vmem>>, vector<16xf32>,
    tpu.vector_store %arg10[%swap3A_146, %swap3A_147], %broadcast_in_dim3A_111 {strides = array<i32>} : memref<8x16xf32, #tpu.memory_space<vmem>>, vector<16xf32>,
    "tpu.region"() ({
      %run_scoped3A_149 = tpu.sem_alloc : memref<!tpu.dma_semaphore, #tpu.memory_space<semaphore_mem>>
      %dma_start3A = arith.constant 0 : i32
      %dma_start3A_150 = arith.constant 0 : i32
      %dma_start3A_151 = tpu.memref_slice %arg4[%add3A, %dma_start3A, %dma_start3A_150] : memref<32x8x16xf32, #tpu.memory_space<hbm>> -> memref<1x8x16xf32, #tpu.memory_space<hbm>>
      %dma_start3A_152 = tpu.memref_squeeze %dma_start3A_151 : memref<1x8x16xf32, #tpu.memory_space<hbm>> -> memref<8x16xf32, #tpu.memory_space<hbm>>
      %dma_start3A_153 = arith.constant 0 : i32
      %dma_start3A_154 = arith.constant 0 : i32
      %dma_start3A_155 = tpu.memref_slice %arg4[%add3A, %dma_start3A_153, %dma_start3A_154] : memref<32x8x16xf32, #tpu.memory_space<hbm>> -> memref<1x8x16xf32, #tpu.memory_space<hbm>>
      %dma_start3A_156 = tpu.memref_squeeze %dma_start3A_155 : memref<1x8x16xf32, #tpu.memory_space<hbm>> -> memref<8x16xf32, #tpu.memory_space<hbm>>
      tpu.enqueue_dma source(%arg10 : memref<8x16xf32, #tpu.memory_space<vmem>>) target(%dma_start3A_156 : memref<8x16xf32, #tpu.memory_space<hbm>>) target_semaphore(%run_scoped3A_149 : memref<!tpu.dma_semaphore, #tpu.memory_space<semaphore_mem>>)
      %dma_wait3A = arith.constant 0 : i32
      %dma_wait3A_157 = arith.constant 0 : i32
      %dma_wait3A_158 = tpu.memref_slice %arg4[%add3A, %dma_wait3A, %dma_wait3A_157] : memref<32x8x16xf32, #tpu.memory_space<hbm>> -> memref<1x8x16xf32, #tpu.memory_space<hbm>>
      %dma_wait3A_159 = tpu.memref_squeeze %dma_wait3A_158 : memref<1x8x16xf32, #tpu.memory_space<hbm>> -> memref<8x16xf32, #tpu.memory_space<hbm>>
      %dma_wait3A_160 = arith.constant 0 : i32
      %dma_wait3A_161 = arith.constant 0 : i32
      %dma_wait3A_162 = tpu.memref_slice %arg4[%add3A, %dma_wait3A_160, %dma_wait3A_161] : memref<32x8x16xf32, #tpu.memory_space<hbm>> -> memref<1x8x16xf32, #tpu.memory_space<hbm>>
      %dma_wait3A_163 = tpu.memref_squeeze %dma_wait3A_162 : memref<1x8x16xf32, #tpu.memory_space<hbm>> -> memref<8x16xf32, #tpu.memory_space<hbm>>
      tpu.wait_dma2 semaphore(%run_scoped3A_149 : memref<!tpu.dma_semaphore, #tpu.memory_space<semaphore_mem>>) src(%arg10 : memref<8x16xf32, #tpu.memory_space<vmem>>) dst(%dma_wait3A_163 : memref<8x16xf32, #tpu.memory_space<hbm>>)
      tpu.yield
    }) : () -> ()
    return
  }
}

</mosaic_0001>

<sc_bundles>
// kernel: kernel.3.cloned.1.call-start
scs
__scs_entry_jumppad:
0x0: {  	(pc) =	sbr.rel $0x88, $3  }
0x1: {  	(tag) =	ssettag $0x0;
	lr =	simm.s32 $0x1  }
0x2: {  	[smem:$0x3F9F] =	sst lr;
	_ =	strace $0xD0000000  }
0x3: {  	_ = 	snop  }
0x4: {  	_ = 	snop  }
0x5: {  	_ = 	snop  }
0x6: {  	_ = 	snop  }
0x7: {  	_ = 	snop  }
__scs_overlays_trampoline_lowered:
0x8: {  	[smem:$0x3FAE] =	sst s0  }
0x9: {  	[smem:$0x3FAF] =	sst s1  }
0xa: {  	[smem:$0x3FB0] =	sst s2  }
0xb: {  	[smem:$0x3FB1] =	sst s3  }
0xc: {  	[smem:$0x3FB2] =	sst s4  }
0xd: {  	[smem:$0x3FB3] =	sst s5  }
0xe: {  	[smem:$0x3FB4] =	sst s6  }
0xf: {  	[smem:$0x3FB5] =	sst s7  }
0x10: {  	[smem:$0x3FB6] =	sst s8  }
0x11: {  	[smem:$0x3FB7] =	sst s9;
	s0 =	simm.s32 @!p0 $0x0  }
0x12: {  	s1 =	sld [smem:$0x3F9D];
	s0 =	simm.s32 @p0 $0x1  }
0x13: {  	[smem:$0x3FB8] =	sst s0;
	s0 =	simm.s32 @!p1 $0x0  }
0x14: {  	s2 =	sld [smem:$0x3F9C];
	s0 =	simm.s32 @p1 $0x1  }
0x15: {  	[smem:$0x3FB9] =	sst s0;
	s0 =	simm.s32 @!p2 $0x0  }
0x16: {  	s3 =	sld [smem:$0x3FDB];
	s0 =	simm.s32 @p2 $0x1  }
0x17: {  	s4 =	simm.s32 $0x1BF5;
	[smem:$0x3FBB] =	sst s0  }
0x18: {  	s0 =	sld [smem:$0x3F9E];
	_ =	swait.ge [sflag:s4], $0x0  }
0x19: {  	s7 =	sld [smem:$0x3F9F]  }
0x1a: {  	s8 =	sadd.s32 $0xFFFFE003, lr  }
0x1b: {  	s9 =	sadd.s32 $0xFFFFFEF7, lr;
	s5 =	simm.s32 $0xFFFFFFFF;
	p2 =	slt.u32 s8, $0xFFFFF086  }
0x1c: {  	p1 =	slt.u32 s9, $0xF7A;
	s5 =	simm.s32 @!p2 $0x0  }
0x1d: {  	s5 =	simm.s32 @p1 $0x1;
	p0 =	seq.s32 s7, s2  }
0x1e: {  	s7 =	smul.u32 @!p0 $0xF7A, s2;
	p2 =	seq.s32 @!p0 s5, $0x0  }
0x1f: {  	s9 =	smul.u32 $0xF7A, s1;
	s8 =	simm.s32 @!p0 $0x1BF5;
	p2 =	por !p2, p0  }
0x20: {  	[sflag:s8] =	ssyncset.s32 @!p0 $0xFFFFF086;
	s6 =	sadd.s32 @!p0 s3, s7;
	s7 =	simm.s32 @!p0 $0x108  }
0x21: {  	s3 =	sadd.s32 s3, s9;
	s6 =	sadd.s32 @!p0 $0x88, s6;
	s7 =	simm.s32 @p2 $0x1082  }
0x22: {  	[simem:s7], [sflag:s8] =	dma.local @!p0 [hbm:s6], $0xF7A  }
0x23: {  	s9 =	sor.u32 $0xD0000000, s2;
	s6 =	simm.s32 $0x108;
	_ =	swait.ge @!p0 [sflag:s8], $0x0  }
0x24: {  	s3 =	sadd.s32 $0x88, s3;
	s6 =	simm.s32 @!p1 $0x1082;
	[sflag:s4] =	ssyncset.s32 $0xFFFFF086  }
0x25: {  	[simem:s6], [sflag:s4] =	dma.local [hbm:s3], $0xF7A  }
0x26: {  	[smem:$0x3F9F] =	sst s1;
	(tag) =	ssettag s2;
	_ =	strace s9  }
0x27: {  	s1 =	sld [smem:$0x3FAF]  }
0x28: {  	s2 =	sld [smem:$0x3FB0]  }
0x29: {  	s4 =	sld [smem:$0x3FB2]  }
0x2a: {  	p0 =	seq.s32 s5, $0x0;
	s5 =	sld [smem:$0x3FB3]  }
0x2b: {  	s6 =	sld [smem:$0x3FB4]  }
0x2c: {  	s7 =	sld [smem:$0x3FB5]  }
0x2d: {  	s3 =	simm.s32 $0x108;
	s8 =	sld [smem:$0x3FB6]  }
0x2e: {  	s3 =	simm.s32 @!p0 $0x1082;
	s9 =	sld [smem:$0x3FB7]  }
0x2f: {  	lr =	sadd.s32 s0, s3;
	s0 =	sld [smem:$0x3FAE]  }
0x30: {  	s3 =	sld [smem:$0x3FB1]  }
0x31: {  	[smem:$0x3FBA] =	sst s10  }
0x32: {  	s10 =	sld [smem:$0x3FB8];
	_ =	sdelay $0x3  }
0x33: {  	p0 =	seq.s32 s10, $0x1;
	s10 =	sld [smem:$0x3FBA];
	_ =	sdelay $0x3  }
0x34: {  	[smem:$0x3FBA] =	sst s10  }
0x35: {  	s10 =	sld [smem:$0x3FB9];
	_ =	sdelay $0x3  }
0x36: {  	p1 =	seq.s32 s10, $0x1;
	s10 =	sld [smem:$0x3FBA];
	_ =	sdelay $0x3  }
0x37: {  	[smem:$0x3FBA] =	sst s10  }
0x38: {  	s10 =	sld [smem:$0x3FBB]  }
0x39: {  	_ = 	snop;
	(pc) =	sbr.ind lr, $3  }
0x3a: {  	_ = 	snop  }
0x3b: {  	_ = 	snop  }
0x3c: {  	p2 =	seq.s32 s10, $0x1;
	s10 =	sld [smem:$0x3FBA]  }
0x3d: {  	_ =	shalt  }
0x3e: {  	_ =	shalt  }
0x3f: {  	_ =	shalt  }
0x40: {  	_ =	shalt  }
0x41: {  	_ =	shalt  }
0x42: {  	_ =	shalt  }
0x43: {  	_ =	shalt  }
0x44: {  	_ =	shalt  }
0x45: {  	_ =	shalt  }
0x46: {  	_ =	shalt  }
0x47: {  	_ =	shalt  }
0x48: {  	_ =	shalt  }
0x49: {  	_ =	shalt  }
0x4a: {  	_ =	shalt  }
0x4b: {  	_ =	shalt  }
0x4c: {  	_ =	shalt  }
0x4d: {  	_ =	shalt  }
0x4e: {  	_ =	shalt  }
0x4f: {  	_ =	shalt  }
0x50: {  	_ =	shalt  }
0x51: {  	_ =	shalt  }
0x52: {  	_ =	shalt  }
0x53: {  	_ =	shalt  }
0x54: {  	_ =	shalt  }
0x55: {  	_ =	shalt  }
0x56: {  	_ =	shalt  }
0x57: {  	_ =	shalt  }
0x58: {  	_ =	shalt  }
0x59: {  	_ =	shalt  }
0x5a: {  	_ =	shalt  }
0x5b: {  	_ =	shalt  }
0x5c: {  	_ =	shalt  }
0x5d: {  	_ =	shalt  }
0x5e: {  	_ =	shalt  }
0x5f: {  	_ =	shalt  }
0x60: {  	_ =	shalt  }
0x61: {  	_ =	shalt  }
0x62: {  	_ =	shalt  }
0x63: {  	_ =	shalt  }
0x64: {  	_ =	shalt  }
0x65: {  	_ =	shalt  }
0x66: {  	_ =	shalt  }
0x67: {  	_ =	shalt  }
0x68: {  	_ =	shalt  }
0x69: {  	_ =	shalt  }
0x6a: {  	_ =	shalt  }
0x6b: {  	_ =	shalt  }
0x6c: {  	_ =	shalt  }
0x6d: {  	_ =	shalt  }
0x6e: {  	_ =	shalt  }
0x6f: {  	_ =	shalt  }
0x70: {  	_ =	shalt  }
0x71: {  	_ =	shalt  }
0x72: {  	_ =	shalt  }
0x73: {  	_ =	shalt  }
0x74: {  	_ =	shalt  }
0x75: {  	_ =	shalt  }
0x76: {  	_ =	shalt  }
0x77: {  	_ =	shalt  }
0x78: {  	_ =	shalt  }
0x79: {  	_ =	shalt  }
0x7a: {  	_ =	shalt  }
0x7b: {  	_ =	shalt  }
0x7c: {  	_ =	shalt  }
0x7d: {  	_ =	shalt  }
0x7e: {  	_ =	shalt  }
0x7f: {  	_ =	shalt  }
0x80: {  	_ =	shalt  }
0x81: {  	_ =	shalt  }
0x82: {  	_ =	shalt  }
0x83: {  	_ =	shalt  }
0x84: {  	_ =	shalt  }
0x85: {  	_ =	shalt  }
0x86: {  	_ =	shalt  }
0x87: {  	_ =	shalt  }
.Lfunc_end0:
.L_simem_size_0:
called_computation_lowered:
.L_overlay_start_0:
0x88: {  	s2 =	sld [smem:$0x3FD9]  }
0x89: {  	s3 =	sld [smem:$0x3FFE];
	_ =	sdelay $0x1  }
0x8a: {  	s1 =	srdreg.scid  }
0x8b: {  	s0 =	sand.u32 $0x1, s1  }
0x8c: {  	s17 =	sshll.u32 s0, $0xA;
	s2 =	sadd.s32 s3, s2  }
0x8d: {  	s2 =	sadd.s32 s2, s17  }
0x8e: {  	[smem:$0x3FC6] =	sst s2  }
0x8f: {  	_ = 	snop  }
0x90: {  	s2 =	sld [smem:$0x3FC9]  }
0x91: {  	s18 =	sld [smem:$0x3FC8];
	(tm) =	ssettm $0x1  }
0x92: {  	s4 =	sld [smem:$0x3FFB];
	_ =	sdelay $0x3  }
0x93: {  	_ =	strace s4  }
0x94: {  	s4 =	sld [smem:$0x3FFC];
	_ =	sdelay $0x3  }
0x95: {  	_ =	strace s4  }
0x96: {  	s4 =	sld [smem:$0x3FFD];
	_ =	sdelay $0x3  }
0x97: {  	_ =	strace s4  }
0x98: {  	_ =	strace $0x8FFFFFFF  }
0x99: {  	s19 =	sld [smem:$0x3FDB];
	_ =	sdelay $0x1  }
0x9a: {  	s5 =	simm.s32 $_scs_section_size  }
0x9b: {  	s6 =	simm.s32 $_size__tile_overlayer_lowered;
	s7 =	simm.s32 $_tile_overlayer_lowered  }
0x9c: {  	s22 =	simm.s32 $0x1BFF;
	s21 =	sshll.u32 s7, $0x1;
	s4 =	sadd.s32 s5, s19  }
0x9d: {  	s8 =	simm.s32 $0x0;
	s20 =	sshll.u32 s6, $0x1;
	s6 =	sadd.s32 s21, s4  }
0x9e: {  	[timem:s8], [sflag:s22] =	dma.local [hbm:s6], s20  }
0x9f: {  	_ =	swait.ge [sflag:s22], s20  }
0xa0: {  	s5 =	ssub.s32 $0x0, s20;
	[sflag:s22] =	ssyncset.done $0x0  }
0xa1: {  	[sflag:s22] =	ssyncadd.s32 s5;
	_ =	sdelay $0x1  }
0xa2: {  	s23 =	simm.s32 $0x1B8B  }
0xa3: {  	_ =	swait.ge [sflag:s23], $0x1  }
0xa4: {  	[sflag:s23] =	ssyncset.done $0x0  }
0xa5: {  	s25 =	simm.s32 $0x1B8E;
	s24 =	sld [smem:$0x3FFE];
	[sflag:s23] =	ssyncadd.s32 $0xFFFFFFFF  }
0xa6: {  	s26 =	simm.s32 $execute0_lowered;
	[smem:$0x3FD2] =	sst s25  }
0xa7: {  	s6 =	sshll.u32 s26, $0x1;
	_ =	strace $0x80000046;
	[dreg:$0x1] =	wrdreg $0xFFFFFFFF  }
0xa8: {  	s28 =	simm.s32 $_size_execute0_lowered;
	s4 =	sadd.s32 s4, s6;
	[dreg:$0x0] =	wrdreg $0x0  }
0xa9: {  	s6 =	sshll.u32 s28, $0x1;
	[dreg:$0x2] =	wrdreg s4  }
0xaa: {  	[dreg:$0x3] =	wrdreg s6  }
0xab: {  	[dreg:$0x4] =	wrdreg $0xC0  }
0xac: {  	_ =	task [dreg:s8], $0x5FFFF  }
0xad: {  	[dreg:$0x1] =	wrdreg $0xFFFFFFFF  }
0xae: {  	[dreg:$0x0] =	wrdreg $0x60  }
0xaf: {  	[dreg:$0x2] =	wrdreg s2  }
0xb0: {  	[dreg:$0x3] =	wrdreg s18  }
0xb1: {  	[dreg:$0x4] =	wrdreg s24  }
0xb2: {  	[dreg:$0x5] =	wrdreg $0x9  }
0xb3: {  	_ =	task.clear_ibuf [dreg:s8], $0x6FFFF;
	_ =	strace $0x90000046  }
0xb4: {  	s29 =	simm.s32 $0x9;
	_ =	strace $0x80000048  }
0xb5: {  	_ =	swait.ge [sflag:s29], $0x1  }
0xb6: {  	[sflag:s29] =	ssyncadd.s32 $0xFFFFFFFF  }
0xb7: {  	_ =	strace $0x90000048  }
0xb8: {  	_ =	sfence  }
0xb9: {  	s30 =	sld [smem:$0x0];
	_ =	sdelay $0x2  }
0xba: {  	s31 =	sshll.u32 s1, $0xD;
	s1 =	sshrl.u32 s1, $0x2  }
0xbb: {  	s3 =	sand.u32 $0x4000, s31;
	s1 =	sadd.s32 s1, s30  }
0xbc: {  	s0 =	sor.u32 s3, s0;
	s1 =	sshll.u32 s1, $0x11  }
0xbd: {  	s0 =	sor.u32 s1, s0  }
0xbe: {  	s0 =	sadd.s32 $0x8F2B, s0  }
0xbf: {  	[sflag:s0] =	ssyncadd.remote.s32 $0x1  }
0xc0: {  	_ =	sfence.sel $0xFFFF  }
0xc1: {  	[dreg:$0x0] =	wrdreg $0xFFFFFFFF;
	(pc) =	sbr.abs _section_cstart, $3  }
0xc2: {  	[dreg:$0x1] =	wrdreg $0xFFFFFFFF  }
0xc3: {  	_ =	task.clear_ibuf [dreg:s8], $0x2FFFF;
	_ =	strace $0x9FFFFFFF  }
0xc4: {  	(tm) =	ssettm $0x7FFFFFFF  }
0xc5: {  	_ =	shalt  }
tec
execute0_lowered:
.L_overlay_start_1:
0x0: {  	(tag) =	ssettag $0x1  }
0x1: {  	s0 =	srdreg.scid;
	s3 =	stileid.u32  }
0x2: {  	s0 =	sand.u32 $0x1, s0;
	s1 =	sshll.u32 s3, $0x1  }
0x3: {  	s1 =	sor.u32 s0, s1  }
0x4: {  	s7 =	rddreg [dreg:$0x0];
	p0 =	seq.s32 s0, $0x1;
	p1 =	seq.s32 s1, $0x0  }
0x5: {  	s15 =	rddreg [dreg:$0x1];
	p0 =	por !p1, !p0  }
0x6: {  	s2 =	simm.s32 $0x1;
	s16 =	rddreg [dreg:$0x2];
	p0 =	por !p0, !p0  }
0x7: {  	s28 =	simm.s32 $0x10400;
	s29 =	simm.s32 $0x11800;
	s2 =	simm.s32 @!p0 $0x0  }
0x8: {  	s30 =	simm.s32 $0x12C00;
	s8 =	smul.u32 $0x27400, s0;
	s3 =	ssub.s32 s3, s2  }
0x9: {  	s31 =	simm.s32 $0x14000;
	s20 =	ssub.s32 $0x2, s0;
	s17 =	smul.u32 $0x4E0, s3  }
0xa: {  	s0 =	smul.u32 $0x9D000, s0;
	s6 =	sshrl.u32 s20, $0x1;
	s1 =	sshll.u32 s1, $0x7  }
0xb: {  	s18 =	ssub.s32 s20, s6;
	s16 =	sadd.s32 s16, s1;
	s4 =	sshll.u32 s17, $0x10  }
0xc: {  	s1 =	simm.s32 $0x0;
	s5 =	sand.u32 $0x60, s17;
	s4 =	sshra.s32 s4, $0x1F  }
0xd: {  	p5 =	slt.s32 s3, $0x1;
	p6 =	sne.s32 s5, $0x0;
	s4 =	sand.u32 $0x7F, s4  }
0xe: {  	s2 =	simm.s32 $0x0;
	p0 =	por !p5, !p6;
	s19 =	sadd.s32 s4, s17  }
0xf: {  	p0 =	por !p0, !p0;
	s4 =	simm.s32 $0x1;
	s3 =	sshll.u32 s19, $0x10  }
0x10: {  	[smem:$0x7FF] =	sst s2;
	s4 =	simm.s32 @!p0 $0x0;
	s3 =	sshra.s32 s3, $0x17  }
0x11: {  	_ =	strace $0x80000047;
	s4 =	ssub.s32 s3, s4;
	s3 =	simm.s32 $0x1  }
0x12: {  	s21 =	sshll.u32 s4, $0xA;
	s19 =	sshll.u32 s4, $0x7;
	s23 =	sshll.u32 s4, $0x9  }
0x13: {  	s5 =	sadd.s32 s8, s21;
	s0 =	sadd.s32 s0, s23;
	s26 =	ssub.s32 s17, s19  }
0x14: {  	s17 =	smax.u32 s18, $0x1;
	s23 =	simm.s32 $0xB400;
	s22 =	sshrl.u32 s5, $0x3  }
0x15: {  	s24 =	sadd.s32 $0xEB800, s5;
	s9 =	sshrl.u32 s0, $0x3;
	s0 =	sadd.s32 $0x89600, s0  }
0x16: {  	s19 =	sor.u32 $0x10, s26;
	s26 =	simm.s32 $0xF000;
	s4 =	sadd.s32 s7, s22  }
0x17: {  	s25 =	sshrl.u32 s24, $0x3;
	s8 =	sadd.s32 s15, s9;
	s0 =	sshrl.u32 s0, $0x3  }
0x18: {  	s24 =	simm.s32 $0xC800;
	s5 =	sadd.s32 $0x9D00, s4;
	s6 =	sadd.s32 $0x13A00, s4  }
0x19: {  	s7 =	sadd.s32 s7, s25;
	s9 =	sadd.s32 $0x2740, s8;
	s10 =	sadd.s32 $0x4E80, s8  }
0x1a: {  	s11 =	sadd.s32 $0x75C0, s8;
	s12 =	sadd.s32 $0x9D00, s8;
	s13 =	sadd.s32 $0xC440, s8  }
0x1b: {  	v0 =	vimm.f32 $0.0e+00;
	s14 =	sadd.s32 $0xEB80, s8;
	s15 =	sadd.s32 s15, s0;
	s25 =	simm.s32 $0xDC00  }
.LBB2_1:
0x1c: {  	[tilespmem:s2], [sflag:$0x1] =	stream.linear.gather [hbm4b:s4+s2], $0x2800, $0x38;
	[tilespmem:$0x14400] =	vst v63  }
0x1d: {  	_ =	swait.ge [sflag:s3], $0x2800  }
0x1e: {  	[sflag:s3] =	ssyncset.done $0x0  }
0x1f: {  	s0 =	simm.s32 $0x2800;
	[sflag:s3] =	ssyncadd.s32 $0xFFFFD800  }
0x20: {  	[tilespmem:s0], [sflag:$0x1] =	stream.linear.gather [hbm4b:s5+s2], $0x2800, $0x38;
	[tilespmem:$0x14400] =	vst v63  }
0x21: {  	_ =	swait.ge [sflag:s3], $0x2800  }
0x22: {  	[sflag:s3] =	ssyncset.done $0x0  }
0x23: {  	s20 =	simm.s32 $0x5000;
	[sflag:s3] =	ssyncadd.s32 $0xFFFFD800  }
0x24: {  	[tilespmem:s20], [sflag:$0x1] =	stream.linear.gather [hbm4b:s6+s2], $0x2800, $0x38;
	[tilespmem:$0x14400] =	vst v63  }
0x25: {  	_ =	swait.ge [sflag:s3], $0x2800  }
0x26: {  	[sflag:s3] =	ssyncset.done $0x0  }
0x27: {  	s21 =	simm.s32 $0x7800;
	[sflag:s3] =	ssyncadd.s32 $0xFFFFD800  }
0x28: {  	[tilespmem:s21], [sflag:$0x1] =	stream.linear.gather [hbm4b:s7+s2], $0x2800, $0x38;
	[tilespmem:$0x14400] =	vst v63  }
0x29: {  	_ =	swait.ge [sflag:s3], $0x2800  }
0x2a: {  	[sflag:s3] =	ssyncset.done $0x0  }
0x2b: {  	s22 =	simm.s32 $0xA000;
	[sflag:s3] =	ssyncadd.s32 $0xFFFFD800  }
0x2c: {  	[tilespmem:s22], [sflag:$0x1] =	stream.linear.gather [hbm4b:s8+s2], $0x1400, $0x38;
	[tilespmem:$0x14400] =	vst v63  }
0x2d: {  	_ =	swait.ge [sflag:s3], $0x1400  }
0x2e: {  	[sflag:s3] =	ssyncset.done $0x0  }
0x2f: {  	[sflag:s3] =	ssyncadd.s32 $0xFFFFEC00  }
0x30: {  	[tilespmem:s23], [sflag:$0x1] =	stream.linear.gather [hbm4b:s9+s2], $0x1400, $0x38;
	[tilespmem:$0x14400] =	vst v63  }
0x31: {  	_ =	swait.ge [sflag:s3], $0x1400  }
0x32: {  	[sflag:s3] =	ssyncset.done $0x0  }
0x33: {  	[sflag:s3] =	ssyncadd.s32 $0xFFFFEC00  }
0x34: {  	[tilespmem:s24], [sflag:$0x1] =	stream.linear.gather [hbm4b:s10+s2], $0x1400, $0x38;
	[tilespmem:$0x14400] =	vst v63  }
0x35: {  	_ =	swait.ge [sflag:s3], $0x1400  }
0x36: {  	[sflag:s3] =	ssyncset.done $0x0  }
0x37: {  	[sflag:s3] =	ssyncadd.s32 $0xFFFFEC00  }
0x38: {  	[tilespmem:s25], [sflag:$0x1] =	stream.linear.gather [hbm4b:s11+s2], $0x1400, $0x38;
	[tilespmem:$0x14400] =	vst v63  }
0x39: {  	_ =	swait.ge [sflag:s3], $0x1400  }
0x3a: {  	[sflag:s3] =	ssyncset.done $0x0  }
0x3b: {  	[sflag:s3] =	ssyncadd.s32 $0xFFFFEC00  }
0x3c: {  	[tilespmem:s26], [sflag:$0x1] =	stream.linear.gather [hbm4b:s12+s2], $0x1400, $0x38;
	[tilespmem:$0x14400] =	vst v63  }
0x3d: {  	_ =	swait.ge [sflag:s3], $0x1400  }
0x3e: {  	[sflag:s3] =	ssyncset.done $0x0  }
0x3f: {  	[sflag:s3] =	ssyncadd.s32 $0xFFFFEC00  }
0x40: {  	[tilespmem:s28], [sflag:$0x1] =	stream.linear.gather [hbm4b:s13+s2], $0x1400, $0x38;
	[tilespmem:$0x14400] =	vst v63  }
0x41: {  	_ =	swait.ge [sflag:s3], $0x1400  }
0x42: {  	[sflag:s3] =	ssyncset.done $0x0  }
0x43: {  	[sflag:s3] =	ssyncadd.s32 $0xFFFFEC00  }
0x44: {  	[tilespmem:s29], [sflag:$0x1] =	stream.linear.gather [hbm4b:s14+s2], $0x1400, $0x38;
	[tilespmem:$0x14400] =	vst v63  }
0x45: {  	_ =	swait.ge [sflag:s3], $0x1400  }
0x46: {  	[sflag:s3] =	ssyncset.done $0x0  }
0x47: {  	[sflag:s3] =	ssyncadd.s32 $0xFFFFEC00  }
0x48: {  	[tilespmem:s30], [sflag:$0x1] =	stream.linear.gather [hbm4b:s15+s2], $0x1400, $0x38;
	[tilespmem:$0x14400] =	vst v63  }
0x49: {  	_ =	swait.ge [sflag:s3], $0x1400  }
0x4a: {  	v4 =	vimm.f32 $0.0e+00;
	v8 =	vimm.f32 $0.0e+00;
	v12 =	vimm.f32 $0.0e+00;
	[sflag:s3] =	ssyncset.done $0x0  }
0x4b: {  	s18 =	smov.u32 s19;
	v1 =	vimm.f32 $0.0e+00;
	v3 =	vimm.f32 $0.0e+00;
	v10 =	vimm.f32 $0.0e+00;
	s0 =	simm.s32 $0xFFFFFFFE;
	[sflag:s3] =	ssyncadd.s32 $0xFFFFEC00  }
.LBB2_2:
0x4c: {  	s20 =	sadd.s32 $0xFFFFFFF0, s18  }
0x4d: {  	s22 =	sshrl.u32 s20, $0x7  }
0x4e: {  	s20 =	sand.u32 $0x60, s20;
	s21 =	sshll.u32 s22, $0xA  }
0x4f: {  	s21 =	sor.u32 s20, s21  }
0x50: {  	v11 =	vld [tilespmem:s21+$0x0]  }
0x51: {  	s22 =	sshll.u32 s22, $0xB;
	v9 =	vld [tilespmem:s21+$0x2800]  }
0x52: {  	s22 =	sshra.s32 s22, $0x2;
	v6 =	vld [tilespmem:s21+$0x5000]  }
0x53: {  	v2 =	vld [tilespmem:s21+$0x7800];
	s20 =	sor.u32 s20, s22  }
0x54: {  	v5 =	vld [tilespmem:s20+$0xA000]  }
0x55: {  	v7 =	vld [tilespmem:s20+$0xA100]  }
0x56: {  	v13 =	vld [tilespmem:s20+$0xA080]  }
0x57: {  	v14 =	vld [tilespmem:s20+$0xA180];
	_ =	sdelay $0x1  }
0x58: {  	v15 =	vsub.f32 v6, v11;
	v16 =	vsub.f32 v2, v9  }
0x59: {  	v48 =	vld [tilespmem:s20+$0xB400];
	v32 =	vadd.f32 v6, v11;
	v34 =	vadd.f32 v2, v9  }
0x5a: {  	v23 =	vld [tilespmem:s20+$0xB500];
	v44 =	vsub.f32 v11, v6;
	v46 =	vsub.f32 v9, v2  }
0x5b: {  	v51 =	vld [tilespmem:s20+$0xB480];
	v62 =	vmin.f32 v11, $0.0e+00;
	v17 =	vsub.f32 v7, v5;
	v18 =	vsub.f32 v14, v13  }
0x5c: {  	v53 =	vld [tilespmem:s20+$0xB580];
	v19 =	vmin.f32 v6, v7;
	v20 =	vmax.f32 v11, v5;
	v21 =	vmin.f32 v2, v14  }
0x5d: {  	v22 =	vmax.f32 v9, v13;
	v27 =	vmax.f32 v6, v7;
	v33 =	vadd.f32 v7, v5  }
0x5e: {  	v28 =	vmin.f32 v11, v5;
	v35 =	vadd.f32 v14, v13;
	v5 =	vsub.f32 v11, v5  }
0x5f: {  	v30 =	vmin.f32 v9, v13;
	v13 =	vsub.f32 v9, v13;
	v7 =	vsub.f32 v6, v7  }
0x60: {  	v29 =	vmax.f32 v2, v14;
	v14 =	vsub.f32 v2, v14;
	v56 =	vsub.f32 v23, v48  }
0x61: {  	v59 =	vsub.f32 v53, v51;
	v8 =	vadd.f32 v62, v8  }
0x62: {  	v11 =	vmax.f32 v11, $4.480000000e+02;
	v15 =	vmax.f32 v15, $0.0e+00;
	v19 =	vsub.f32 v19, v20  }
0x63: {  	v16 =	vmax.f32 v16, $0.0e+00;
	v63 =	vsub.f32 v21, v22;
	v31 =	vsub.f32 v29, v30  }
0x64: {  	v47 =	vmax.f32 v44, $0.0e+00;
	v50 =	vmax.f32 v46, $0.0e+00;
	vm0 =	vge.f32 v44, $1.000000000e+00  }
0x65: {  	vm9 =	vge.f32 v46, $1.000000000e+00;
	v4 =	vadd.f32 v11, v4;
	v17 =	vmax.f32 v17, $0.0e+00  }
0x66: {  	v18 =	vmax.f32 v18, $0.0e+00;
	v15 =	vmul.f32 v16, v15;
	v16 =	vsub.f32 v27, v28  }
0x67: {  	v36 =	vsub.f32 v32, v33;
	v37 =	vsub.f32 v34, v35;
	v5 =	vand.u32 $0x7FFFFFFF, v5  }
0x68: {  	v13 =	vand.u32 $0x7FFFFFFF, v13;
	v14 =	vand.u32 $0x7FFFFFFF, v14;
	v12 =	vadd.f32 v47, v12  }
0x69: {  	v52 =	vsel vm0, $0x3F800000, v0;
	v58 =	vmax.f32 v56, $0.0e+00;
	v24 =	vmul.f32 v18, v17  }
0x6a: {  	v25 =	vmax.f32 v19, $0.0e+00;
	v26 =	vmax.f32 v63, $0.0e+00;
	v18 =	vmul.f32 v31, v31  }
0x6b: {  	v17 =	vmul.f32 v26, v25;
	v16 =	vmul.f32 v16, v16;
	v15 =	vadd.f32 v24, v15  }
0x6c: {  	v21 =	vmax.f32 v59, $0.0e+00;
	v33 =	vadd.f32 v23, v48;
	v35 =	vadd.f32 v53, v51  }
0x6d: {  	v39 =	vmin.f32 v5, $1.000000000e+00;
	v16 =	vadd.f32 v18, v16;
	v15 =	vsub.f32 v15, v17  }
0x6e: {  	v49 =	vmin.f32 v14, $1.000000000e+00;
	v63 =	vmul.f32 v21, v58;
	v5 =	vsub.f32 v5, v39  }
0x6f: {  	v19 =	vmul.f32 v37, v37;
	v16 =	vadd.f32 $1.000000010e-07, v16;
	v15 =	vadd.f32 $1.000000010e-07, v15  }
0x70: {  	v40 =	vmul.f32 v39, v39;
	v14 =	vsub.f32 v14, v49;
	v12 =	vadd.f32 v50, v12  }
0x71: {  	v3 =	vadd.f32 v5, v3;
	v5 =	vmin.f32 v13, $1.000000000e+00;
	v38 =	vmul.f32 v15, v16  }
0x72: {  	v18 =	vmul.f32 v36, v36;
	v1 =	vadd.f32 v40, v1;
	v13 =	vsub.f32 v13, v5  }
0x73: {  	v12 =	vadd.f32 v12, v52;
	v42 =	vmul.f32 v5, v5;
	v5 =	vld [tilespmem:s21+$0x2880];
	(erf) = vrcp.f32 v38  }
0x74: {  	v18 =	vadd.f32 v19, v18;
	v13 =	vadd.f32 v13, v3;
	v3 =	vand.u32 $0x7FFFFFFF, v7  }
0x75: {  	v36 =	vmin.f32 v9, $0.0e+00;
	v9 =	vmax.f32 v9, $4.480000000e+02;
	v7 =	vld [tilespmem:s21+$0x80];
	v43 =	vmin.f32 v3, $1.000000000e+00  }
0x76: {  	v8 =	vadd.f32 v36, v8;
	v18 =	vmul.f32 $2.500000000e-01, v18;
	v45 =	vsub.f32 v3, v43;
	v3 =	vld [tilespmem:s21+$0x5080]  }
0x77: {  	v4 =	vadd.f32 v9, v4;
	v16 =	vmul.f32 v16, v17;
	v17 =	vadd.f32 v42, v1;
	v1 =	vld [tilespmem:s21+$0x7880]  }
0x78: {  	v15 =	vmul.f32 v15, v18;
	v18 =	vmul.f32 v43, v43;
	v26 =	vmax.f32 v5, v51  }
0x79: {  	v31 =	vmin.f32 v5, v51;
	v19 =	vsub.f32 v5, v51;
	v13 =	vadd.f32 v45, v13  }
0x7a: {  	v15 =	vsub.f32 v15, v16;
	v24 =	vmax.f32 v7, v48;
	v29 =	vmin.f32 v7, v48  }
0x7b: {  	v62 =	vmin.f32 v7, $0.0e+00;
	v13 =	vadd.f32 v14, v13;
	v14 =	vmul.f32 v49, v49  }
0x7c: {  	v54 =	vsub.f32 v3, v7;
	v55 =	vsub.f32 v1, v5;
	v60 =	vmin.f32 v3, v23;
	v41 =	vpop (erf)  }
0x7d: {  	v34 =	vadd.f32 v1, v5;
	v42 =	vsub.f32 v3, v23;
	v15 =	vmul.f32 v41, v15  }
0x7e: {  	v25 =	vmin.f32 v1, v53;
	v44 =	vsub.f32 v7, v3;
	v22 =	vsub.f32 v60, v24  }
0x7f: {  	v47 =	vld [tilespmem:s20+$0xC800];
	v30 =	vmax.f32 v1, v53;
	v10 =	vadd.f32 v15, v10;
	v15 =	vadd.f32 v18, v17  }
0x80: {  	v50 =	vld [tilespmem:s20+$0xC900];
	v28 =	vmax.f32 v3, v23;
	v61 =	vsub.f32 v25, v26;
	v32 =	vsub.f32 v30, v31  }
0x81: {  	v57 =	vmax.f32 v55, $0.0e+00;
	v14 =	vadd.f32 v14, v15;
	v15 =	vsel vm9, $0x3F800000, v0  }
0x82: {  	v17 =	vsub.f32 v28, v29;
	v12 =	vadd.f32 v12, v15;
	v15 =	vmax.f32 v54, $0.0e+00  }
0x83: {  	v37 =	vsub.f32 v34, v35;
	v26 =	vmax.f32 v22, $0.0e+00;
	v15 =	vmul.f32 v57, v15  }
0x84: {  	v27 =	vmax.f32 v61, $0.0e+00;
	v21 =	vmul.f32 v32, v32;
	v17 =	vmul.f32 v17, v17  }
0x85: {  	v34 =	vadd.f32 v50, v47;
	v20 =	vmul.f32 v27, v26;
	v15 =	vadd.f32 v63, v15  }
0x86: {  	v46 =	vmax.f32 v44, $0.0e+00;
	v18 =	vsub.f32 v1, v53;
	v17 =	vadd.f32 v21, v17  }
0x87: {  	vm10 =	vge.f32 v44, $1.000000000e+00;
	v11 =	vsub.f32 v15, v20;
	v15 =	vadd.f32 v3, v7  }
0x88: {  	v38 =	vmul.f32 v37, v37;
	v54 =	vsub.f32 v50, v47;
	v17 =	vadd.f32 $1.000000010e-07, v17  }
0x89: {  	v37 =	vmin.f32 v5, $0.0e+00;
	v11 =	vadd.f32 $1.000000010e-07, v11;
	v15 =	vsub.f32 v15, v33  }
0x8a: {  	v18 =	vand.u32 $0x7FFFFFFF, v18;
	v12 =	vadd.f32 v46, v12;
	v55 =	vmax.f32 v54, $0.0e+00  }
0x8b: {  	v9 =	vmul.f32 v15, v15;
	v15 =	vmin.f32 v6, $0.0e+00;
	v39 =	vmul.f32 v11, v17  }
0x8c: {  	v6 =	vmax.f32 v6, $4.480000000e+02;
	v8 =	vadd.f32 v15, v8;
	v15 =	vsub.f32 v7, v48  }
0x8d: {  	v4 =	vadd.f32 v6, v4;
	v6 =	vmin.f32 v2, $0.0e+00;
	v2 =	vmax.f32 v2, $4.480000000e+02  }
0x8e: {  	v48 =	vmin.f32 v18, $1.000000000e+00;
	v7 =	vmax.f32 v7, $4.480000000e+02;
	v9 =	vadd.f32 v38, v9  }
0x8f: {  	(erf) = vrcp.f32 v39;
	v18 =	vsub.f32 v18, v48;
	v52 =	vmul.f32 v48, v48  }
0x90: {  	v39 =	vmin.f32 v3, $0.0e+00;
	v15 =	vand.u32 $0x7FFFFFFF, v15;
	v41 =	vadd.f32 v6, v8  }
0x91: {  	v43 =	vadd.f32 v2, v4;
	v9 =	vmul.f32 $2.500000000e-01, v9;
	v40 =	vmin.f32 v15, $1.000000000e+00  }
0x92: {  	v6 =	vsub.f32 v15, v40;
	v15 =	vmul.f32 v40, v40;
	v63 =	vadd.f32 v62, v41  }
0x93: {  	v8 =	vmul.f32 v11, v9;
	v9 =	vand.u32 $0x7FFFFFFF, v19;
	v11 =	vmul.f32 v17, v20  }
0x94: {  	v7 =	vadd.f32 v7, v43;
	v6 =	vadd.f32 v6, v13;
	v13 =	vmin.f32 v9, $1.000000000e+00  }
0x95: {  	v4 =	vand.u32 $0x7FFFFFFF, v42;
	v9 =	vsub.f32 v9, v13;
	v2 =	vsub.f32 v8, v11  }
0x96: {  	v11 =	vadd.f32 v15, v14;
	v13 =	vmul.f32 v13, v13;
	v15 =	vmin.f32 v4, $1.000000000e+00  }
0x97: {  	v3 =	vmax.f32 v3, $4.480000000e+02;
	v8 =	vld [tilespmem:s21+$0x100];
	v45 =	vsub.f32 v4, v15;
	v9 =	vadd.f32 v9, v6  }
0x98: {  	v11 =	vadd.f32 v13, v11;
	v13 =	vsub.f32 v5, v1;
	v5 =	vmax.f32 v5, $4.480000000e+02;
	v14 =	vpop (erf)  }
0x99: {  	v4 =	vld [tilespmem:s21+$0x5100];
	v15 =	vmul.f32 v15, v15;
	v5 =	vadd.f32 v5, v7;
	v14 =	vmul.f32 v14, v2  }
0x9a: {  	v9 =	vadd.f32 v45, v9;
	v49 =	vmax.f32 v13, $0.0e+00;
	vm11 =	vge.f32 v13, $1.000000000e+00  }
0x9b: {  	v51 =	vld [tilespmem:s20+$0xC880];
	v11 =	vadd.f32 v15, v11;
	v12 =	vadd.f32 v49, v12;
	v53 =	vsel vm11, $0x3F800000, v0  }
0x9c: {  	v6 =	vld [tilespmem:s21+$0x2900];
	v58 =	vmax.f32 v8, v47;
	v29 =	vmin.f32 v8, v47;
	v42 =	vsub.f32 v8, v47  }
0x9d: {  	v3 =	vadd.f32 v3, v5;
	v5 =	vmin.f32 v1, $0.0e+00;
	v10 =	vadd.f32 v14, v10  }
0x9e: {  	v1 =	vmax.f32 v1, $4.480000000e+02;
	v9 =	vadd.f32 v18, v9;
	v13 =	vsub.f32 v4, v8  }
0x9f: {  	v2 =	vld [tilespmem:s21+$0x7900];
	v14 =	vsel vm10, $0x3F800000, v0;
	v11 =	vadd.f32 v52, v11;
	v33 =	vadd.f32 v4, v8  }
0xa0: {  	v15 =	vld [tilespmem:s20+$0xC980];
	v57 =	vmin.f32 v4, v50;
	v18 =	vadd.f32 v37, v63;
	v45 =	vsub.f32 v4, v50  }
0xa1: {  	v48 =	vsub.f32 v8, v4;
	v12 =	vadd.f32 v12, v14;
	v60 =	vmax.f32 v6, v51  }
0xa2: {  	v22 =	vsub.f32 v57, v58;
	v31 =	vmin.f32 v6, v51;
	v16 =	vsub.f32 v6, v51  }
0xa3: {  	v46 =	vadd.f32 v1, v3;
	v13 =	vmax.f32 v13, $0.0e+00;
	v17 =	vsub.f32 v33, v34  }
0xa4: {  	v3 =	vand.u32 $0x7FFFFFFF, v45;
	vm12 =	vge.f32 v48, $1.000000000e+00;
	v14 =	vsub.f32 v2, v6  }
0xa5: {  	v12 =	vadd.f32 v12, v53;
	v56 =	vsub.f32 v15, v51;
	v59 =	vmin.f32 v2, v15  }
0xa6: {  	v27 =	vmax.f32 v22, $0.0e+00;
	v30 =	vmax.f32 v2, v15;
	v35 =	vadd.f32 v2, v6  }
0xa7: {  	v36 =	vadd.f32 v15, v51;
	v47 =	vmin.f32 v3, $1.000000000e+00;
	v15 =	vsub.f32 v2, v15  }
0xa8: {  	v61 =	vsub.f32 v59, v60;
	v32 =	vsub.f32 v30, v31;
	v7 =	vmul.f32 v17, v17  }
0xa9: {  	v17 =	vadd.f32 v39, v18;
	v18 =	vand.u32 $0x7FFFFFFF, v42;
	v49 =	vsub.f32 v3, v47  }
0xaa: {  	v14 =	vmax.f32 v14, $0.0e+00;
	v20 =	vmax.f32 v56, $0.0e+00;
	v38 =	vsub.f32 v35, v36  }
0xab: {  	v43 =	vmin.f32 v18, $1.000000000e+00;
	v13 =	vmul.f32 v14, v13;
	v14 =	vmul.f32 v20, v55  }
0xac: {  	v15 =	vand.u32 $0x7FFFFFFF, v15;
	v28 =	vmax.f32 v61, $0.0e+00;
	v21 =	vmul.f32 v32, v32  }
0xad: {  	v54 =	vld [tilespmem:s20+$0xDD00];
	v17 =	vadd.f32 v5, v17;
	v13 =	vadd.f32 v14, v13;
	v14 =	vmax.f32 v4, v50  }
0xae: {  	v51 =	vld [tilespmem:s20+$0xDC00];
	v5 =	vsub.f32 v18, v43;
	v44 =	vmul.f32 v43, v43;
	v14 =	vsub.f32 v14, v29  }
0xaf: {  	v52 =	vmin.f32 v15, $1.000000000e+00;
	v20 =	vmul.f32 v28, v27;
	v40 =	vmul.f32 v38, v38  }
0xb0: {  	v3 =	vld [tilespmem:s21+$0x5180];
	v15 =	vsub.f32 v15, v52;
	v5 =	vadd.f32 v5, v9;
	v14 =	vmul.f32 v14, v14  }
0xb1: {  	v56 =	vld [tilespmem:s20+$0xDD80];
	v28 =	vmin.f32 v8, $0.0e+00;
	v11 =	vadd.f32 v44, v11;
	v7 =	vadd.f32 v40, v7  }
0xb2: {  	v55 =	vld [tilespmem:s20+$0xDC80];
	v8 =	vmax.f32 v8, $4.480000000e+02;
	v13 =	vsub.f32 v13, v20;
	v14 =	vadd.f32 v21, v14  }
0xb3: {  	v50 =	vmax.f32 v48, $0.0e+00;
	v57 =	vsub.f32 v54, v51;
	v8 =	vadd.f32 v8, v46  }
0xb4: {  	v7 =	vmul.f32 $2.500000000e-01, v7;
	v13 =	vadd.f32 $1.000000010e-07, v13;
	v14 =	vadd.f32 $1.000000010e-07, v14  }
0xb5: {  	v39 =	vmin.f32 v6, $0.0e+00;
	v36 =	vadd.f32 v54, v51;
	v12 =	vadd.f32 v50, v12  }
0xb6: {  	v7 =	vmul.f32 v13, v7;
	v41 =	vmul.f32 v13, v14;
	v13 =	vand.u32 $0x7FFFFFFF, v16  }
0xb7: {  	v59 =	vmin.f32 v3, v54;
	v58 =	vsub.f32 v56, v55;
	v9 =	vmin.f32 v13, $1.000000000e+00  }
0xb8: {  	v38 =	vadd.f32 v56, v55;
	v14 =	vmul.f32 v14, v20;
	v13 =	vsub.f32 v13, v9  }
0xb9: {  	v16 =	vmul.f32 v47, v47;
	v47 =	vsub.f32 v3, v54;
	v9 =	vmul.f32 v9, v9  }
0xba: {  	v21 =	vmax.f32 v58, $0.0e+00;
	v1 =	vsub.f32 v7, v14;
	v7 =	vld [tilespmem:s21+$0x180];
	v13 =	vadd.f32 v13, v5  }
0xbb: {  	(erf) = vrcp.f32 v41;
	v9 =	vadd.f32 v9, v11;
	v11 =	vsub.f32 v6, v2  }
0xbc: {  	v41 =	vmin.f32 v4, $0.0e+00;
	v4 =	vmax.f32 v4, $4.480000000e+02;
	v6 =	vmax.f32 v6, $4.480000000e+02  }
0xbd: {  	v6 =	vadd.f32 v6, v8;
	v13 =	vadd.f32 v49, v13;
	v53 =	vmax.f32 v11, $0.0e+00  }
0xbe: {  	v5 =	vld [tilespmem:s21+$0x2980];
	v9 =	vadd.f32 v16, v9;
	vm13 =	vge.f32 v11, $1.000000000e+00;
	v12 =	vadd.f32 v53, v12  }
0xbf: {  	v11 =	vsub.f32 v3, v7;
	v60 =	vmax.f32 v7, v51;
	v35 =	vadd.f32 v3, v7  }
0xc0: {  	v31 =	vmin.f32 v7, v51;
	v44 =	vsub.f32 v7, v51;
	v4 =	vadd.f32 v4, v6  }
0xc1: {  	v6 =	vmin.f32 v2, $0.0e+00;
	v2 =	vmax.f32 v2, $4.480000000e+02;
	v50 =	vsub.f32 v7, v3  }
0xc2: {  	v13 =	vadd.f32 v15, v13;
	v15 =	vmul.f32 v52, v52;
	v22 =	vsub.f32 v59, v60  }
0xc3: {  	v11 =	vmax.f32 v11, $0.0e+00;
	v62 =	vmax.f32 v5, v55;
	v19 =	vsub.f32 v35, v36  }
0xc4: {  	v33 =	vmin.f32 v5, v55;
	v18 =	vsub.f32 v5, v55;
	v48 =	vadd.f32 v2, v4  }
0xc5: {  	v4 =	vand.u32 $0x7FFFFFFF, v47;
	v52 =	vmax.f32 v50, $0.0e+00;
	vm14 =	vge.f32 v50, $1.000000000e+00;
	v14 =	vpop (erf)  }
0xc6: {  	v8 =	vmul.f32 v19, v19;
	v19 =	vand.u32 $0x7FFFFFFF, v44;
	v14 =	vmul.f32 v14, v1;
	v1 =	vld [tilespmem:s21+$0x7980]  }
0xc7: {  	v9 =	vadd.f32 v15, v9;
	v15 =	vsel vm13, $0x3F800000, v0;
	v45 =	vmin.f32 v19, $1.000000000e+00  }
0xc8: {  	v46 =	vmul.f32 v45, v45;
	v10 =	vadd.f32 v14, v10;
	v14 =	vsel vm12, $0x3F800000, v0  }
0xc9: {  	v29 =	vmax.f32 v22, $0.0e+00;
	v49 =	vmin.f32 v4, $1.000000000e+00;
	v12 =	vadd.f32 v12, v14  }
0xca: {  	v51 =	vsub.f32 v4, v49;
	v44 =	vmin.f32 v5, $0.0e+00;
	v9 =	vadd.f32 v46, v9  }
0xcb: {  	v46 =	vmin.f32 v3, $0.0e+00;
	v14 =	vsub.f32 v1, v5;
	v12 =	vadd.f32 v12, v15  }
0xcc: {  	v58 =	vld [tilespmem:s20+$0xF180];
	v15 =	vmax.f32 v57, $0.0e+00;
	v61 =	vmin.f32 v1, v56;
	v37 =	vadd.f32 v1, v5  }
0xcd: {  	v53 =	vld [tilespmem:s20+$0xF000];
	v32 =	vmax.f32 v1, v56;
	v16 =	vsub.f32 v1, v56;
	v63 =	vsub.f32 v61, v62  }
0xce: {  	v4 =	vld [tilespmem:s21+$0x5200];
	v34 =	vsub.f32 v32, v33;
	v33 =	vmin.f32 v7, $0.0e+00;
	v7 =	vmax.f32 v7, $4.480000000e+02  }
0xcf: {  	v56 =	vld [tilespmem:s20+$0xF100];
	v14 =	vmax.f32 v14, $0.0e+00;
	v40 =	vsub.f32 v37, v38;
	v16 =	vand.u32 $0x7FFFFFFF, v16  }
0xd0: {  	v57 =	vld [tilespmem:s20+$0xF080];
	v12 =	vadd.f32 v52, v12;
	v11 =	vmul.f32 v14, v11;
	v14 =	vmul.f32 v21, v15  }
0xd1: {  	v7 =	vadd.f32 v7, v48;
	v15 =	vadd.f32 v28, v17;
	v30 =	vmax.f32 v63, $0.0e+00  }
0xd2: {  	v21 =	vmul.f32 v34, v34;
	v11 =	vadd.f32 v14, v11;
	v14 =	vmax.f32 v3, v54  }
0xd3: {  	v17 =	vmul.f32 v30, v29;
	v42 =	vmul.f32 v40, v40;
	v14 =	vsub.f32 v14, v31  }
0xd4: {  	v15 =	vadd.f32 v39, v15;
	v54 =	vmin.f32 v16, $1.000000000e+00;
	v61 =	vsub.f32 v56, v53  }
0xd5: {  	v63 =	vsub.f32 v58, v57;
	v52 =	vsub.f32 v4, v56;
	v14 =	vmul.f32 v14, v14  }
0xd6: {  	v28 =	vmin.f32 v4, v56;
	v8 =	vadd.f32 v42, v8;
	v11 =	vsub.f32 v11, v17  }
0xd7: {  	v3 =	vmax.f32 v3, $4.480000000e+02;
	v15 =	vadd.f32 v41, v15;
	v14 =	vadd.f32 v21, v14  }
0xd8: {  	v16 =	vsub.f32 v16, v54;
	v8 =	vmul.f32 $2.500000000e-01, v8;
	v11 =	vadd.f32 $1.000000010e-07, v11  }
0xd9: {  	v59 =	vmul.f32 v54, v54;
	v15 =	vadd.f32 v6, v15;
	v14 =	vadd.f32 $1.000000010e-07, v14  }
0xda: {  	v41 =	vadd.f32 v56, v53;
	v6 =	vsub.f32 v19, v45;
	v8 =	vmul.f32 v11, v8  }
0xdb: {  	v15 =	vadd.f32 v33, v15;
	v43 =	vmul.f32 v11, v14;
	v11 =	vand.u32 $0x7FFFFFFF, v18  }
0xdc: {  	v6 =	vadd.f32 v6, v13;
	v14 =	vmul.f32 v14, v17;
	v13 =	vmin.f32 v11, $1.000000000e+00  }
0xdd: {  	v62 =	vmax.f32 v61, $0.0e+00;
	v15 =	vadd.f32 v44, v15;
	v11 =	vsub.f32 v11, v13  }
0xde: {  	v17 =	vmul.f32 v49, v49;
	v2 =	vsub.f32 v8, v14;
	v8 =	vld [tilespmem:s21+$0x200];
	v13 =	vmul.f32 v13, v13  }
0xdf: {  	v15 =	vadd.f32 v46, v15;
	(erf) = vrcp.f32 v43;
	v11 =	vadd.f32 v11, v6  }
0xe0: {  	v9 =	vadd.f32 v13, v9;
	v13 =	vsub.f32 v5, v1;
	v5 =	vmax.f32 v5, $4.480000000e+02  }
0xe1: {  	v21 =	vmax.f32 v63, $0.0e+00;
	v43 =	vadd.f32 v58, v57;
	v5 =	vadd.f32 v5, v7  }
0xe2: {  	v11 =	vadd.f32 v51, v11;
	v55 =	vmax.f32 v13, $0.0e+00;
	v9 =	vadd.f32 v17, v9  }
0xe3: {  	vm15 =	vge.f32 v13, $1.000000000e+00;
	v12 =	vadd.f32 v55, v12;
	v13 =	vsub.f32 v4, v8  }
0xe4: {  	v6 =	vld [tilespmem:s21+$0x2A00];
	v60 =	vsel vm15, $0x3F800000, v0;
	v29 =	vmax.f32 v8, v53;
	v40 =	vadd.f32 v4, v8  }
0xe5: {  	v36 =	vmin.f32 v8, v53;
	v49 =	vsub.f32 v8, v53;
	v3 =	vadd.f32 v3, v5  }
0xe6: {  	v5 =	vmin.f32 v1, $0.0e+00;
	v55 =	vsub.f32 v8, v4;
	v11 =	vadd.f32 v16, v11  }
0xe7: {  	v1 =	vmax.f32 v1, $4.480000000e+02;
	v9 =	vadd.f32 v59, v9;
	v22 =	vsub.f32 v28, v29  }
0xe8: {  	v15 =	vadd.f32 v5, v15;
	v13 =	vmax.f32 v13, $0.0e+00;
	v19 =	vsub.f32 v40, v41  }
0xe9: {  	v31 =	vmax.f32 v6, v57;
	v38 =	vmin.f32 v6, v57;
	v18 =	vsub.f32 v6, v57;
	v14 =	vpop (erf)  }
0xea: {  	v7 =	vmul.f32 v19, v19;
	v19 =	vand.u32 $0x7FFFFFFF, v49;
	v14 =	vmul.f32 v14, v2;
	v2 =	vld [tilespmem:s21+$0x7A00]  }
0xeb: {  	v53 =	vadd.f32 v1, v3;
	v3 =	vand.u32 $0x7FFFFFFF, v52;
	v50 =	vmin.f32 v19, $1.000000000e+00  }
0xec: {  	v57 =	vmax.f32 v55, $0.0e+00;
	vm4 =	vge.f32 v55, $1.000000000e+00;
	v5 =	vsub.f32 v19, v50  }
0xed: {  	v51 =	vmul.f32 v50, v50;
	v10 =	vadd.f32 v14, v10;
	v14 =	vsel vm14, $0x3F800000, v0  }
0xee: {  	v34 =	vmax.f32 v22, $0.0e+00;
	v12 =	vadd.f32 v12, v14;
	v5 =	vadd.f32 v5, v11  }
0xef: {  	v49 =	vmin.f32 v6, $0.0e+00;
	v9 =	vadd.f32 v51, v9;
	v14 =	vsub.f32 v2, v6  }
0xf0: {  	v12 =	vadd.f32 v12, v60;
	v30 =	vmin.f32 v2, v58;
	v42 =	vadd.f32 v2, v6  }
0xf1: {  	v37 =	vmax.f32 v2, v58;
	v17 =	vsub.f32 v2, v58;
	v32 =	vsub.f32 v30, v31  }
0xf2: {  	v39 =	vsub.f32 v37, v38;
	v38 =	vmin.f32 v8, $0.0e+00;
	v14 =	vmax.f32 v14, $0.0e+00  }
0xf3: {  	v8 =	vmax.f32 v8, $4.480000000e+02;
	v13 =	vmul.f32 v14, v13;
	v14 =	vmul.f32 v21, v62  }
0xf4: {  	v45 =	vsub.f32 v42, v43;
	v17 =	vand.u32 $0x7FFFFFFF, v17;
	v12 =	vadd.f32 v57, v12  }
0xf5: {  	v61 =	vld [tilespmem:s20+$0x10500];
	v15 =	vadd.f32 v38, v15;
	v13 =	vadd.f32 v14, v13;
	v14 =	vmax.f32 v4, v56  }
0xf6: {  	v58 =	vld [tilespmem:s20+$0x10400];
	v8 =	vadd.f32 v8, v53;
	v35 =	vmax.f32 v32, $0.0e+00;
	v14 =	vsub.f32 v14, v36  }
0xf7: {  	v21 =	vmul.f32 v39, v39;
	v59 =	vmin.f32 v17, $1.000000000e+00;
	v47 =	vmul.f32 v45, v45  }
0xf8: {  	v16 =	vmul.f32 v35, v34;
	v17 =	vsub.f32 v17, v59;
	v14 =	vmul.f32 v14, v14  }
0xf9: {  	v63 =	vld [tilespmem:s20+$0x10580];
	v54 =	vmin.f32 v3, $1.000000000e+00;
	v15 =	vadd.f32 v49, v15;
	v7 =	vadd.f32 v47, v7  }
0xfa: {  	v51 =	vmin.f32 v4, $0.0e+00;
	v62 =	vld [tilespmem:s20+$0x10480];
	v13 =	vsub.f32 v13, v16;
	v14 =	vadd.f32 v21, v14  }
0xfb: {  	v28 =	vmul.f32 v59, v59;
	v56 =	vsub.f32 v3, v54;
	v3 =	vld [tilespmem:s21+$0x5280];
	v30 =	vsub.f32 v61, v58  }
0xfc: {  	v7 =	vmul.f32 $2.500000000e-01, v7;
	v13 =	vadd.f32 $1.000000010e-07, v13;
	v14 =	vadd.f32 $1.000000010e-07, v14  }
0xfd: {  	v46 =	vadd.f32 v61, v58;
	v4 =	vmax.f32 v4, $4.480000000e+02;
	v15 =	vadd.f32 v51, v15  }
0xfe: {  	v7 =	vmul.f32 v13, v7;
	v48 =	vmul.f32 v13, v14;
	v13 =	vand.u32 $0x7FFFFFFF, v18  }
0xff: {  	v31 =	vmax.f32 v30, $0.0e+00;
	v14 =	vmul.f32 v14, v16;
	v11 =	vmin.f32 v13, $1.000000000e+00  }
0x100: {  	v32 =	vsub.f32 v63, v62;
	v33 =	vmin.f32 v3, v61;
	v13 =	vsub.f32 v13, v11  }
0x101: {  	v57 =	vsub.f32 v3, v61;
	v1 =	vsub.f32 v7, v14;
	v7 =	vld [tilespmem:s21+$0x280];
	v11 =	vmul.f32 v11, v11  }
0x102: {  	v16 =	vmul.f32 v54, v54;
	(erf) = vrcp.f32 v48;
	v13 =	vadd.f32 v13, v5  }
0x103: {  	v9 =	vadd.f32 v11, v9;
	v11 =	vsub.f32 v6, v2;
	v6 =	vmax.f32 v6, $4.480000000e+02  }
0x104: {  	v21 =	vmax.f32 v32, $0.0e+00;
	v48 =	vadd.f32 v63, v62;
	v6 =	vadd.f32 v6, v8  }
0x105: {  	v13 =	vadd.f32 v56, v13;
	v60 =	vmax.f32 v11, $0.0e+00;
	v9 =	vadd.f32 v16, v9  }
0x106: {  	vm5 =	vge.f32 v11, $1.000000000e+00;
	v12 =	vadd.f32 v60, v12;
	v11 =	vsub.f32 v3, v7  }
0x107: {  	v5 =	vld [tilespmem:s21+$0x2A80];
	v29 =	vsel vm5, $0x3F800000, v0;
	v34 =	vmax.f32 v7, v58;
	v45 =	vadd.f32 v3, v7  }
0x108: {  	v41 =	vmin.f32 v7, v58;
	v54 =	vsub.f32 v7, v58;
	v4 =	vadd.f32 v4, v6  }
0x109: {  	v6 =	vmin.f32 v2, $0.0e+00;
	v60 =	vsub.f32 v7, v3;
	v13 =	vadd.f32 v17, v13  }
0x10a: {  	v2 =	vmax.f32 v2, $4.480000000e+02;
	v9 =	vadd.f32 v28, v9;
	v22 =	vsub.f32 v33, v34  }
0x10b: {  	v15 =	vadd.f32 v6, v15;
	v11 =	vmax.f32 v11, $0.0e+00;
	v19 =	vsub.f32 v45, v46  }
0x10c: {  	v36 =	vmax.f32 v5, v62;
	v43 =	vmin.f32 v5, v62;
	v18 =	vsub.f32 v5, v62;
	v14 =	vpop (erf)  }
0x10d: {  	v8 =	vmul.f32 v19, v19;
	v19 =	vand.u32 $0x7FFFFFFF, v54;
	v14 =	vmul.f32 v14, v1;
	v1 =	vld [tilespmem:s21+$0x7A80]  }
0x10e: {  	v58 =	vadd.f32 v2, v4;
	v4 =	vand.u32 $0x7FFFFFFF, v57;
	v55 =	vmin.f32 v19, $1.000000000e+00  }
0x10f: {  	v62 =	vmax.f32 v60, $0.0e+00;
	vm6 =	vge.f32 v60, $1.000000000e+00;
	v6 =	vsub.f32 v19, v55  }
0x110: {  	v56 =	vmul.f32 v55, v55;
	v10 =	vadd.f32 v14, v10;
	v14 =	vsel vm4, $0x3F800000, v0  }
0x111: {  	v39 =	vmax.f32 v22, $0.0e+00;
	v12 =	vadd.f32 v12, v14;
	v6 =	vadd.f32 v6, v13  }
0x112: {  	v54 =	vmin.f32 v5, $0.0e+00;
	v9 =	vadd.f32 v56, v9;
	v14 =	vsub.f32 v1, v5  }
0x113: {  	v12 =	vadd.f32 v12, v29;
	v35 =	vmin.f32 v1, v63;
	v47 =	vadd.f32 v1, v5  }
0x114: {  	v42 =	vmax.f32 v1, v63;
	v16 =	vsub.f32 v1, v63;
	v37 =	vsub.f32 v35, v36  }
0x115: {  	v44 =	vsub.f32 v42, v43;
	v43 =	vmin.f32 v7, $0.0e+00;
	v14 =	vmax.f32 v14, $0.0e+00  }
0x116: {  	v7 =	vmax.f32 v7, $4.480000000e+02;
	v11 =	vmul.f32 v14, v11;
	v14 =	vmul.f32 v21, v31  }
0x117: {  	v50 =	vsub.f32 v47, v48;
	v16 =	vand.u32 $0x7FFFFFFF, v16;
	v12 =	vadd.f32 v62, v12  }
0x118: {  	v30 =	vld [tilespmem:s20+$0x11900];
	v15 =	vadd.f32 v43, v15;
	v11 =	vadd.f32 v14, v11;
	v14 =	vmax.f32 v3, v61  }
0x119: {  	v63 =	vld [tilespmem:s20+$0x11800];
	v7 =	vadd.f32 v7, v58;
	v40 =	vmax.f32 v37, $0.0e+00;
	v14 =	vsub.f32 v14, v41  }
0x11a: {  	v21 =	vmul.f32 v44, v44;
	v28 =	vmin.f32 v16, $1.000000000e+00;
	v52 =	vmul.f32 v50, v50  }
0x11b: {  	v17 =	vmul.f32 v40, v39;
	v16 =	vsub.f32 v16, v28;
	v14 =	vmul.f32 v14, v14  }
0x11c: {  	v32 =	vld [tilespmem:s20+$0x11980];
	v59 =	vmin.f32 v4, $1.000000000e+00;
	v15 =	vadd.f32 v54, v15;
	v8 =	vadd.f32 v52, v8  }
0x11d: {  	v56 =	vmin.f32 v3, $0.0e+00;
	v31 =	vld [tilespmem:s20+$0x11880];
	v11 =	vsub.f32 v11, v17;
	v14 =	vadd.f32 v21, v14  }
0x11e: {  	v33 =	vmul.f32 v28, v28;
	v61 =	vsub.f32 v4, v59;
	v4 =	vld [tilespmem:s21+$0x5300];
	v35 =	vsub.f32 v30, v63  }
0x11f: {  	v8 =	vmul.f32 $2.500000000e-01, v8;
	v11 =	vadd.f32 $1.000000010e-07, v11;
	v14 =	vadd.f32 $1.000000010e-07, v14  }
0x120: {  	v51 =	vadd.f32 v30, v63;
	v3 =	vmax.f32 v3, $4.480000000e+02;
	v15 =	vadd.f32 v56, v15  }
0x121: {  	v8 =	vmul.f32 v11, v8;
	v53 =	vmul.f32 v11, v14;
	v11 =	vand.u32 $0x7FFFFFFF, v18  }
0x122: {  	v36 =	vmax.f32 v35, $0.0e+00;
	v14 =	vmul.f32 v14, v17;
	v13 =	vmin.f32 v11, $1.000000000e+00  }
0x123: {  	v37 =	vsub.f32 v32, v31;
	v38 =	vmin.f32 v4, v30;
	v11 =	vsub.f32 v11, v13  }
0x124: {  	v62 =	vsub.f32 v4, v30;
	v2 =	vsub.f32 v8, v14;
	v8 =	vld [tilespmem:s21+$0x300];
	v13 =	vmul.f32 v13, v13  }
0x125: {  	v17 =	vmul.f32 v59, v59;
	(erf) = vrcp.f32 v53;
	v11 =	vadd.f32 v11, v6  }
0x126: {  	v9 =	vadd.f32 v13, v9;
	v13 =	vsub.f32 v5, v1;
	v5 =	vmax.f32 v5, $4.480000000e+02  }
0x127: {  	v21 =	vmax.f32 v37, $0.0e+00;
	v53 =	vadd.f32 v32, v31;
	v5 =	vadd.f32 v5, v7  }
0x128: {  	v11 =	vadd.f32 v61, v11;
	v29 =	vmax.f32 v13, $0.0e+00;
	v9 =	vadd.f32 v17, v9  }
0x129: {  	vm7 =	vge.f32 v13, $1.000000000e+00;
	v12 =	vadd.f32 v29, v12;
	v13 =	vsub.f32 v4, v8  }
0x12a: {  	v6 =	vld [tilespmem:s21+$0x2B00];
	v34 =	vsel vm7, $0x3F800000, v0;
	v39 =	vmax.f32 v8, v63;
	v50 =	vadd.f32 v4, v8  }
0x12b: {  	v46 =	vmin.f32 v8, v63;
	v59 =	vsub.f32 v8, v63;
	v3 =	vadd.f32 v3, v5  }
0x12c: {  	v5 =	vmin.f32 v1, $0.0e+00;
	v29 =	vsub.f32 v8, v4;
	v11 =	vadd.f32 v16, v11  }
0x12d: {  	v1 =	vmax.f32 v1, $4.480000000e+02;
	v9 =	vadd.f32 v33, v9;
	v22 =	vsub.f32 v38, v39  }
0x12e: {  	v15 =	vadd.f32 v5, v15;
	v13 =	vmax.f32 v13, $0.0e+00;
	v19 =	vsub.f32 v50, v51  }
0x12f: {  	v41 =	vmax.f32 v6, v31;
	v48 =	vmin.f32 v6, v31;
	v18 =	vsub.f32 v6, v31;
	v14 =	vpop (erf)  }
0x130: {  	v7 =	vmul.f32 v19, v19;
	v19 =	vand.u32 $0x7FFFFFFF, v59;
	v14 =	vmul.f32 v14, v2;
	v2 =	vld [tilespmem:s21+$0x7B00]  }
0x131: {  	v63 =	vadd.f32 v1, v3;
	v3 =	vand.u32 $0x7FFFFFFF, v62;
	v60 =	vmin.f32 v19, $1.000000000e+00  }
0x132: {  	v31 =	vmax.f32 v29, $0.0e+00;
	vm8 =	vge.f32 v29, $1.000000000e+00;
	v5 =	vsub.f32 v19, v60  }
0x133: {  	v61 =	vmul.f32 v60, v60;
	v10 =	vadd.f32 v14, v10;
	v14 =	vsel vm6, $0x3F800000, v0  }
0x134: {  	v44 =	vmax.f32 v22, $0.0e+00;
	v12 =	vadd.f32 v12, v14;
	v5 =	vadd.f32 v5, v11  }
0x135: {  	v59 =	vmin.f32 v6, $0.0e+00;
	v9 =	vadd.f32 v61, v9;
	v14 =	vsub.f32 v2, v6  }
0x136: {  	v12 =	vadd.f32 v12, v34;
	v40 =	vmin.f32 v2, v32;
	v52 =	vadd.f32 v2, v6  }
0x137: {  	v47 =	vmax.f32 v2, v32;
	v17 =	vsub.f32 v2, v32;
	v42 =	vsub.f32 v40, v41  }
0x138: {  	v49 =	vsub.f32 v47, v48;
	v48 =	vmin.f32 v8, $0.0e+00;
	v14 =	vmax.f32 v14, $0.0e+00  }
0x139: {  	v8 =	vmax.f32 v8, $4.480000000e+02;
	v13 =	vmul.f32 v14, v13;
	v14 =	vmul.f32 v21, v36  }
0x13a: {  	v55 =	vsub.f32 v52, v53;
	v17 =	vand.u32 $0x7FFFFFFF, v17;
	v12 =	vadd.f32 v31, v12  }
0x13b: {  	v35 =	vld [tilespmem:s20+$0x12D00];
	v15 =	vadd.f32 v48, v15;
	v13 =	vadd.f32 v14, v13;
	v14 =	vmax.f32 v4, v30  }
0x13c: {  	v32 =	vld [tilespmem:s20+$0x12C00];
	v8 =	vadd.f32 v8, v63;
	v45 =	vmax.f32 v42, $0.0e+00;
	v14 =	vsub.f32 v14, v46  }
0x13d: {  	v21 =	vmul.f32 v49, v49;
	v33 =	vmin.f32 v17, $1.000000000e+00;
	v57 =	vmul.f32 v55, v55  }
0x13e: {  	v16 =	vmul.f32 v45, v44;
	v17 =	vsub.f32 v17, v33;
	v14 =	vmul.f32 v14, v14  }
0x13f: {  	v37 =	vld [tilespmem:s20+$0x12D80];
	v28 =	vmin.f32 v3, $1.000000000e+00;
	v15 =	vadd.f32 v59, v15;
	v7 =	vadd.f32 v57, v7  }
0x140: {  	v61 =	vmin.f32 v4, $0.0e+00;
	v36 =	vld [tilespmem:s20+$0x12C80];
	v13 =	vsub.f32 v13, v16;
	v14 =	vadd.f32 v21, v14  }
0x141: {  	v38 =	vmul.f32 v33, v33;
	v30 =	vsub.f32 v3, v28;
	v3 =	vld [tilespmem:s21+$0x5380];
	v40 =	vsub.f32 v35, v32  }
0x142: {  	v7 =	vmul.f32 $2.500000000e-01, v7;
	v13 =	vadd.f32 $1.000000010e-07, v13;
	v14 =	vadd.f32 $1.000000010e-07, v14  }
0x143: {  	v56 =	vadd.f32 v35, v32;
	v4 =	vmax.f32 v4, $4.480000000e+02;
	v15 =	vadd.f32 v61, v15  }
0x144: {  	v7 =	vmul.f32 v13, v7;
	v58 =	vmul.f32 v13, v14;
	v13 =	vand.u32 $0x7FFFFFFF, v18  }
0x145: {  	v42 =	vsub.f32 v37, v36;
	v14 =	vmul.f32 v14, v16;
	v11 =	vmin.f32 v13, $1.000000000e+00  }
0x146: {  	v41 =	vmax.f32 v40, $0.0e+00;
	v43 =	vmin.f32 v3, v35;
	v13 =	vsub.f32 v13, v11  }
0x147: {  	v21 =	vmax.f32 v42, $0.0e+00;
	v1 =	vsub.f32 v7, v14;
	v7 =	vld [tilespmem:s21+$0x380];
	v11 =	vmul.f32 v11, v11  }
0x148: {  	v27 =	vsub.f32 v3, v35;
	v16 =	vmul.f32 v28, v28;
	v13 =	vadd.f32 v13, v5  }
0x149: {  	v9 =	vadd.f32 v11, v9;
	v11 =	vsub.f32 v6, v2;
	v6 =	vmax.f32 v6, $4.480000000e+02  }
0x14a: {  	(erf) = vrcp.f32 v58;
	v58 =	vadd.f32 v37, v36;
	v6 =	vadd.f32 v6, v8  }
0x14b: {  	v13 =	vadd.f32 v30, v13;
	v34 =	vmax.f32 v11, $0.0e+00;
	v9 =	vadd.f32 v16, v9  }
0x14c: {  	vm9 =	vge.f32 v11, $1.000000000e+00;
	v12 =	vadd.f32 v34, v12;
	v11 =	vsub.f32 v3, v7  }
0x14d: {  	v5 =	vld [tilespmem:s21+$0x2B80];
	v39 =	vsel vm9, $0x3F800000, v0;
	v44 =	vmax.f32 v7, v32;
	v55 =	vadd.f32 v3, v7  }
0x14e: {  	v51 =	vmin.f32 v7, v32;
	v24 =	vsub.f32 v7, v32;
	v4 =	vadd.f32 v4, v6  }
0x14f: {  	v6 =	vmin.f32 v2, $0.0e+00;
	v30 =	vsub.f32 v7, v3;
	v13 =	vadd.f32 v17, v13  }
0x150: {  	v2 =	vmax.f32 v2, $4.480000000e+02;
	v9 =	vadd.f32 v38, v9;
	v22 =	vsub.f32 v43, v44  }
0x151: {  	v15 =	vadd.f32 v6, v15;
	v11 =	vmax.f32 v11, $0.0e+00;
	v19 =	vsub.f32 v55, v56  }
0x152: {  	v46 =	vmax.f32 v5, v36;
	v53 =	vmin.f32 v5, v36;
	v18 =	vsub.f32 v5, v36  }
0x153: {  	v28 =	vadd.f32 v2, v4;
	v14 =	vpop (erf);
	v8 =	vmul.f32 v19, v19;
	v19 =	vand.u32 $0x7FFFFFFF, v24  }
0x154: {  	v4 =	vand.u32 $0x7FFFFFFF, v27;
	v14 =	vmul.f32 v14, v1;
	v1 =	vld [tilespmem:s21+$0x7B80];
	v25 =	vmin.f32 v19, $1.000000000e+00  }
0x155: {  	v32 =	vmax.f32 v30, $0.0e+00;
	v29 =	vmin.f32 v4, $1.000000000e+00;
	v6 =	vsub.f32 v19, v25  }
0x156: {  	s21 =	sshrl.u32 s18, $0x7;
	v26 =	vmul.f32 v25, v25;
	v10 =	vadd.f32 v14, v10;
	v14 =	vsel vm8, $0x3F800000, v0  }
0x157: {  	vm10 =	vge.f32 v30, $1.000000000e+00;
	v31 =	vsub.f32 v4, v29;
	s20 =	sshll.u32 s21, $0xA;
	s21 =	sshll.u32 s21, $0xB;
	v12 =	vadd.f32 v12, v14  }
0x158: {  	s22 =	sand.u32 $0x70, s18;
	v49 =	vmax.f32 v22, $0.0e+00;
	s21 =	sshra.s32 s21, $0x2;
	v6 =	vadd.f32 v6, v13;
	v9 =	vadd.f32 v26, v9  }
0x159: {  	s21 =	sor.u32 s22, s21;
	v14 =	vsub.f32 v1, v5;
	v12 =	vadd.f32 v12, v39;
	v45 =	vmin.f32 v1, v37  }
0x15a: {  	v33 =	vld [tilespmem:s21+$0xA000];
	v52 =	vmax.f32 v1, v37;
	v57 =	vadd.f32 v1, v5;
	v16 =	vsub.f32 v1, v37  }
0x15b: {  	v36 =	vld [tilespmem:s21+$0xA100];
	v47 =	vsub.f32 v45, v46;
	v54 =	vsub.f32 v52, v53;
	v14 =	vmax.f32 v14, $0.0e+00  }
0x15c: {  	v38 =	vld [tilespmem:s21+$0xA180];
	v60 =	vsub.f32 v57, v58;
	v11 =	vmul.f32 v14, v11;
	v14 =	vmul.f32 v21, v41  }
0x15d: {  	v37 =	vld [tilespmem:s21+$0xA080];
	v16 =	vand.u32 $0x7FFFFFFF, v16;
	v12 =	vadd.f32 v32, v12;
	v50 =	vmax.f32 v47, $0.0e+00  }
0x15e: {  	s20 =	sor.u32 s22, s20;
	v21 =	vmul.f32 v54, v54;
	v11 =	vadd.f32 v14, v11;
	v14 =	vmax.f32 v3, v35  }
0x15f: {  	v4 =	vld [tilespmem:s20+$0x5000];
	v34 =	vmin.f32 v16, $1.000000000e+00;
	v17 =	vmul.f32 v50, v49;
	v14 =	vsub.f32 v14, v51  }
0x160: {  	v62 =	vmul.f32 v60, v60;
	v16 =	vsub.f32 v16, v34;
	v39 =	vmul.f32 v34, v34  }
0x161: {  	v41 =	vsub.f32 v36, v33;
	v57 =	vadd.f32 v36, v33;
	v14 =	vmul.f32 v14, v14  }
0x162: {  	v49 =	vmin.f32 v7, $0.0e+00;
	v43 =	vsub.f32 v38, v37;
	v8 =	vadd.f32 v62, v8  }
0x163: {  	v7 =	vmax.f32 v7, $4.480000000e+02;
	v11 =	vsub.f32 v11, v17;
	v14 =	vadd.f32 v21, v14  }
0x164: {  	v44 =	vmin.f32 v4, v36;
	v15 =	vadd.f32 v49, v15;
	v7 =	vadd.f32 v7, v28  }
0x165: {  	v8 =	vmul.f32 $2.500000000e-01, v8;
	v11 =	vadd.f32 $1.000000010e-07, v11;
	v14 =	vadd.f32 $1.000000010e-07, v14  }
0x166: {  	v60 =	vmin.f32 v5, $0.0e+00;
	v59 =	vadd.f32 v38, v37;
	v28 =	vsub.f32 v4, v36  }
0x167: {  	v8 =	vmul.f32 v11, v8;
	v63 =	vmul.f32 v11, v14;
	v11 =	vand.u32 $0x7FFFFFFF, v18  }
0x168: {  	v42 =	vmax.f32 v41, $0.0e+00;
	v14 =	vmul.f32 v14, v17;
	v13 =	vmin.f32 v11, $1.000000000e+00  }
0x169: {  	v62 =	vmin.f32 v3, $0.0e+00;
	(erf) = vrcp.f32 v63;
	v11 =	vsub.f32 v11, v13  }
0x16a: {  	v3 =	vmax.f32 v3, $4.480000000e+02;
	v2 =	vsub.f32 v8, v14;
	v8 =	vld [tilespmem:s20+$0x0];
	v13 =	vmul.f32 v13, v13  }
0x16b: {  	v15 =	vadd.f32 v60, v15;
	v17 =	vmul.f32 v29, v29;
	v11 =	vadd.f32 v11, v6  }
0x16c: {  	v9 =	vadd.f32 v13, v9;
	v13 =	vsub.f32 v5, v1;
	v5 =	vmax.f32 v5, $4.480000000e+02  }
0x16d: {  	v15 =	vadd.f32 v62, v15;
	v21 =	vmax.f32 v43, $0.0e+00;
	v5 =	vadd.f32 v5, v7  }
0x16e: {  	v11 =	vadd.f32 v31, v11;
	v35 =	vmax.f32 v13, $0.0e+00;
	v9 =	vadd.f32 v17, v9  }
0x16f: {  	vm11 =	vge.f32 v13, $1.000000000e+00;
	v12 =	vadd.f32 v35, v12;
	v13 =	vsub.f32 v4, v8  }
0x170: {  	v6 =	vld [tilespmem:s20+$0x2800];
	v40 =	vsel vm11, $0x3F800000, v0;
	v45 =	vmax.f32 v8, v33;
	v56 =	vadd.f32 v4, v8  }
0x171: {  	v52 =	vmin.f32 v8, v33;
	v25 =	vsub.f32 v8, v33;
	v3 =	vadd.f32 v3, v5  }
0x172: {  	v5 =	vmin.f32 v1, $0.0e+00;
	v1 =	vmax.f32 v1, $4.480000000e+02;
	v30 =	vsub.f32 v8, v4;
	v14 =	vpop (erf)  }
0x173: {  	v49 =	vmin.f32 v8, $0.0e+00;
	v11 =	vadd.f32 v16, v11;
	v14 =	vmul.f32 v14, v2;
	v2 =	vld [tilespmem:s20+$0x7800]  }
0x174: {  	v8 =	vmax.f32 v8, $4.480000000e+02;
	v9 =	vadd.f32 v39, v9;
	v22 =	vsub.f32 v44, v45  }
0x175: {  	v15 =	vadd.f32 v5, v15;
	v13 =	vmax.f32 v13, $0.0e+00;
	v47 =	vmax.f32 v6, v37  }
0x176: {  	v54 =	vmin.f32 v6, v37;
	v19 =	vsub.f32 v56, v57;
	v18 =	vsub.f32 v6, v37  }
0x177: {  	v3 =	vadd.f32 v1, v3;
	v10 =	vadd.f32 v14, v10;
	v14 =	vsel vm10, $0x3F800000, v0  }
0x178: {  	v32 =	vmax.f32 v30, $0.0e+00;
	v12 =	vadd.f32 v12, v14;
	v14 =	vsub.f32 v2, v6  }
0x179: {  	v15 =	vadd.f32 v49, v15;
	v7 =	vmul.f32 v19, v19;
	v19 =	vand.u32 $0x7FFFFFFF, v25  }
0x17a: {  	v3 =	vadd.f32 v8, v3;
	v26 =	vmin.f32 v19, $1.000000000e+00;
	v14 =	vmax.f32 v14, $0.0e+00  }
0x17b: {  	v46 =	vmin.f32 v2, v38;
	v13 =	vmul.f32 v14, v13;
	v14 =	vmul.f32 v21, v42  }
0x17c: {  	v53 =	vmax.f32 v2, v38;
	v58 =	vadd.f32 v2, v6;
	v48 =	vsub.f32 v46, v47  }
0x17d: {  	v55 =	vsub.f32 v53, v54;
	v13 =	vadd.f32 v14, v13;
	v14 =	vmax.f32 v4, v36  }
0x17e: {  	v50 =	vmax.f32 v22, $0.0e+00;
	v5 =	vsub.f32 v19, v26;
	v14 =	vsub.f32 v14, v52  }
0x17f: {  	v61 =	vsub.f32 v58, v59;
	v51 =	vmax.f32 v48, $0.0e+00;
	v21 =	vmul.f32 v55, v55  }
0x180: {  	v5 =	vadd.f32 v5, v11;
	v16 =	vmul.f32 v51, v50;
	v14 =	vmul.f32 v14, v14  }
0x181: {  	v37 =	vld [tilespmem:s21+$0xB480];
	v12 =	vadd.f32 v12, v40;
	v17 =	vsub.f32 v2, v38;
	v63 =	vmul.f32 v61, v61  }
0x182: {  	vm12 =	vge.f32 v30, $1.000000000e+00;
	v38 =	vld [tilespmem:s21+$0xB580];
	v13 =	vsub.f32 v13, v16;
	v14 =	vadd.f32 v21, v14  }
0x183: {  	v27 =	vmul.f32 v26, v26;
	v12 =	vadd.f32 v32, v12;
	v7 =	vadd.f32 v63, v7  }
0x184: {  	v17 =	vand.u32 $0x7FFFFFFF, v17;
	v13 =	vadd.f32 $1.000000010e-07, v13;
	v14 =	vadd.f32 $1.000000010e-07, v14  }
0x185: {  	v33 =	vld [tilespmem:s21+$0xB400];
	v59 =	vmin.f32 v6, $0.0e+00;
	v34 =	vmin.f32 v17, $1.000000000e+00;
	v7 =	vmul.f32 $2.500000000e-01, v7  }
0x186: {  	v15 =	vadd.f32 v59, v15;
	v17 =	vsub.f32 v17, v34;
	v36 =	vld [tilespmem:s21+$0xB500];
	v24 =	vmul.f32 v13, v14  }
0x187: {  	v43 =	vsub.f32 v38, v37;
	v7 =	vmul.f32 v13, v7;
	v13 =	vand.u32 $0x7FFFFFFF, v18  }
0x188: {  	v14 =	vmul.f32 v14, v16;
	v11 =	vmin.f32 v13, $1.000000000e+00;
	(erf) = vrcp.f32 v24  }
0x189: {  	v39 =	vmul.f32 v34, v34;
	v58 =	vadd.f32 v38, v37;
	v13 =	vsub.f32 v13, v11  }
0x18a: {  	v1 =	vsub.f32 v7, v14;
	v14 =	vadd.f32 v27, v9;
	v11 =	vmul.f32 v11, v11  }
0x18b: {  	v41 =	vsub.f32 v36, v33;
	v9 =	vld [tilespmem:s20+$0x80];
	v13 =	vadd.f32 v13, v5;
	v5 =	vand.u32 $0x7FFFFFFF, v28  }
0x18c: {  	v21 =	vmax.f32 v43, $0.0e+00;
	v7 =	vld [tilespmem:s20+$0x2880];
	v11 =	vadd.f32 v11, v14;
	v18 =	vmin.f32 v5, $1.000000000e+00  }
0x18d: {  	v14 =	vsub.f32 v6, v2;
	v6 =	vmax.f32 v6, $4.480000000e+02;
	v31 =	vsub.f32 v5, v18;
	v5 =	vld [tilespmem:s20+$0x5080]  }
0x18e: {  	v56 =	vadd.f32 v36, v33;
	v42 =	vmax.f32 v41, $0.0e+00;
	v3 =	vadd.f32 v6, v3  }
0x18f: {  	v18 =	vmul.f32 v18, v18;
	v35 =	vmax.f32 v14, $0.0e+00;
	vm13 =	vge.f32 v14, $1.000000000e+00  }
0x190: {  	v12 =	vadd.f32 v35, v12;
	v40 =	vsel vm13, $0x3F800000, v0;
	v45 =	vmax.f32 v9, v33  }
0x191: {  	v32 =	vld [tilespmem:s21+$0xC880];
	v47 =	vmax.f32 v7, v37;
	v52 =	vmin.f32 v9, v33;
	v13 =	vadd.f32 v31, v13;
	v29 =	vpop (erf)  }
0x192: {  	v54 =	vmin.f32 v7, v37;
	v25 =	vsub.f32 v9, v5;
	v16 =	vmul.f32 v29, v1;
	v1 =	vld [tilespmem:s20+$0x7880]  }
0x193: {  	v28 =	vld [tilespmem:s21+$0xC800];
	v19 =	vsub.f32 v7, v37;
	v13 =	vadd.f32 v17, v13;
	v44 =	vmin.f32 v5, v36  }
0x194: {  	v31 =	vld [tilespmem:s21+$0xC900];
	v24 =	vsub.f32 v5, v36;
	v22 =	vsub.f32 v44, v45;
	v27 =	vmax.f32 v25, $0.0e+00  }
0x195: {  	v34 =	vld [tilespmem:s21+$0xC980];
	v16 =	vadd.f32 v16, v10;
	v10 =	vadd.f32 v18, v11;
	v11 =	vsel vm12, $0x3F800000, v0  }
0x196: {  	vm14 =	vge.f32 v25, $1.000000000e+00;
	v11 =	vadd.f32 v12, v11;
	v12 =	vsub.f32 v5, v9  }
0x197: {  	v50 =	vmax.f32 v22, $0.0e+00;
	v10 =	vadd.f32 v39, v10;
	v14 =	vsub.f32 v1, v7  }
0x198: {  	v11 =	vadd.f32 v11, v40;
	v46 =	vmin.f32 v1, v38;
	v57 =	vadd.f32 v1, v7  }
0x199: {  	v53 =	vmax.f32 v1, v38;
	v18 =	vsub.f32 v1, v38;
	v38 =	vsub.f32 v31, v28  }
0x19a: {  	v12 =	vmax.f32 v12, $0.0e+00;
	v40 =	vsub.f32 v34, v32;
	v48 =	vsub.f32 v46, v47  }
0x19b: {  	v55 =	vsub.f32 v53, v54;
	v46 =	vmin.f32 v9, $0.0e+00;
	v14 =	vmax.f32 v14, $0.0e+00  }
0x19c: {  	v60 =	vsub.f32 v57, v58;
	v12 =	vmul.f32 v14, v12;
	v14 =	vmul.f32 v21, v42  }
0x19d: {  	v18 =	vand.u32 $0x7FFFFFFF, v18;
	v11 =	vadd.f32 v27, v11;
	v51 =	vmax.f32 v48, $0.0e+00  }
0x19e: {  	v17 =	vmul.f32 v51, v50;
	v12 =	vadd.f32 v14, v12;
	v14 =	vmax.f32 v5, v36  }
0x19f: {  	v39 =	vmax.f32 v38, $0.0e+00;
	v57 =	vadd.f32 v34, v32;
	v14 =	vsub.f32 v14, v52  }
0x1a0: {  	v58 =	vmin.f32 v7, $0.0e+00;
	v8 =	vsub.f32 v12, v17;
	v12 =	vadd.f32 v5, v9  }
0x1a1: {  	v21 =	vmul.f32 v55, v55;
	v29 =	vmin.f32 v18, $1.000000000e+00;
	v14 =	vmul.f32 v14, v14  }
0x1a2: {  	v55 =	vadd.f32 v31, v28;
	v61 =	vmul.f32 v60, v60;
	v12 =	vsub.f32 v12, v56  }
0x1a3: {  	v18 =	vsub.f32 v18, v29;
	v35 =	vmul.f32 v29, v29;
	v14 =	vadd.f32 v21, v14  }
0x1a4: {  	v8 =	vadd.f32 $1.000000010e-07, v8;
	v21 =	vmax.f32 v40, $0.0e+00;
	v6 =	vmul.f32 v12, v12  }
0x1a5: {  	v12 =	vmin.f32 v4, $0.0e+00;
	v4 =	vmax.f32 v4, $4.480000000e+02;
	v14 =	vadd.f32 $1.000000010e-07, v14  }
0x1a6: {  	v47 =	vmul.f32 v21, v39;
	v12 =	vadd.f32 v12, v15;
	v15 =	vsub.f32 v9, v33  }
0x1a7: {  	v3 =	vadd.f32 v4, v3;
	v4 =	vmin.f32 v2, $0.0e+00;
	v2 =	vmax.f32 v2, $4.480000000e+02  }
0x1a8: {  	v9 =	vmax.f32 v9, $4.480000000e+02;
	v6 =	vadd.f32 v61, v6;
	v62 =	vmul.f32 v8, v14  }
0x1a9: {  	v15 =	vand.u32 $0x7FFFFFFF, v15;
	v4 =	vadd.f32 v4, v12;
	v14 =	vmul.f32 v14, v17  }
0x1aa: {  	v2 =	vadd.f32 v2, v3;
	v6 =	vmul.f32 $2.500000000e-01, v6;
	v63 =	vmin.f32 v15, $1.000000000e+00  }
0x1ab: {  	(erf) = vrcp.f32 v62;
	v12 =	vsub.f32 v15, v63;
	v15 =	vmul.f32 v63, v63  }
0x1ac: {  	v4 =	vadd.f32 v46, v4;
	v6 =	vmul.f32 v8, v6;
	v8 =	vand.u32 $0x7FFFFFFF, v19  }
0x1ad: {  	v2 =	vadd.f32 v9, v2;
	v12 =	vadd.f32 v12, v13;
	v13 =	vmin.f32 v8, $1.000000000e+00  }
0x1ae: {  	v8 =	vsub.f32 v8, v13;
	v3 =	vsub.f32 v6, v14;
	v6 =	vand.u32 $0x7FFFFFFF, v24  }
0x1af: {  	v14 =	vadd.f32 v15, v10;
	v13 =	vmul.f32 v13, v13;
	v17 =	vmin.f32 v6, $1.000000000e+00  }
0x1b0: {  	v33 =	vsel vm14, $0x3F800000, v0;
	v10 =	vld [tilespmem:s20+$0x100];
	v12 =	vadd.f32 v8, v12;
	v26 =	vsub.f32 v6, v17  }
0x1b1: {  	v8 =	vld [tilespmem:s20+$0x2900];
	v13 =	vadd.f32 v13, v14;
	v14 =	vsub.f32 v7, v1;
	v7 =	vmax.f32 v7, $4.480000000e+02  }
0x1b2: {  	v4 =	vadd.f32 v58, v4;
	v6 =	vld [tilespmem:s20+$0x5100];
	v17 =	vmul.f32 v17, v17;
	v2 =	vadd.f32 v7, v2  }
0x1b3: {  	v12 =	vadd.f32 v26, v12;
	v30 =	vmax.f32 v14, $0.0e+00;
	vm15 =	vge.f32 v14, $1.000000000e+00  }
0x1b4: {  	v13 =	vadd.f32 v17, v13;
	v11 =	vadd.f32 v30, v11;
	v37 =	vsel vm15, $0x3F800000, v0  }
0x1b5: {  	v42 =	vmax.f32 v10, v28;
	v51 =	vmin.f32 v10, v28;
	v15 =	vpop (erf);
	v12 =	vadd.f32 v18, v12  }
0x1b6: {  	v13 =	vadd.f32 v35, v13;
	v15 =	vmul.f32 v15, v3;
	v3 =	vld [tilespmem:s20+$0x7900];
	v11 =	vadd.f32 v11, v33  }
0x1b7: {  	v14 =	vsub.f32 v6, v10;
	v41 =	vmin.f32 v6, v31;
	v44 =	vmax.f32 v8, v32  }
0x1b8: {  	v50 =	vmax.f32 v6, v31;
	v53 =	vmin.f32 v8, v32;
	v19 =	vsub.f32 v8, v32  }
0x1b9: {  	v27 =	vsub.f32 v6, v31;
	v58 =	vmin.f32 v8, $0.0e+00;
	v22 =	vsub.f32 v41, v42  }
0x1ba: {  	v15 =	vadd.f32 v15, v16;
	v11 =	vadd.f32 v11, v37;
	v14 =	vmax.f32 v14, $0.0e+00  }
0x1bb: {  	v31 =	vld [tilespmem:s21+$0xDC00];
	v48 =	vmax.f32 v22, $0.0e+00;
	v36 =	vsub.f32 v3, v8;
	v43 =	vmin.f32 v3, v34  }
0x1bc: {  	v52 =	vmax.f32 v3, v34;
	v56 =	vadd.f32 v3, v8;
	v17 =	vsub.f32 v3, v34;
	v34 =	vld [tilespmem:s21+$0xDD00]  }
0x1bd: {  	v35 =	vld [tilespmem:s21+$0xDC80];
	v45 =	vsub.f32 v43, v44;
	v54 =	vsub.f32 v52, v53;
	v16 =	vmax.f32 v36, $0.0e+00  }
0x1be: {  	v59 =	vsub.f32 v56, v57;
	v17 =	vand.u32 $0x7FFFFFFF, v17;
	v36 =	vld [tilespmem:s21+$0xDD80];
	v14 =	vmul.f32 v16, v14  }
0x1bf: {  	v49 =	vmax.f32 v45, $0.0e+00;
	v16 =	vsub.f32 v50, v51;
	v21 =	vmul.f32 v54, v54  }
0x1c0: {  	v32 =	vmin.f32 v17, $1.000000000e+00;
	v18 =	vmul.f32 v49, v48;
	v14 =	vadd.f32 v47, v14  }
0x1c1: {  	v17 =	vsub.f32 v17, v32;
	v16 =	vmul.f32 v16, v16;
	v39 =	vsub.f32 v34, v31  }
0x1c2: {  	v60 =	vmul.f32 v59, v59;
	v9 =	vsub.f32 v14, v18;
	v14 =	vadd.f32 v6, v10  }
0x1c3: {  	v37 =	vmul.f32 v32, v32;
	v16 =	vadd.f32 v21, v16;
	v41 =	vsub.f32 v36, v35  }
0x1c4: {  	v47 =	vmin.f32 v10, $0.0e+00;
	v57 =	vadd.f32 v36, v35;
	v14 =	vsub.f32 v14, v55  }
0x1c5: {  	v40 =	vmax.f32 v39, $0.0e+00;
	v9 =	vadd.f32 $1.000000010e-07, v9;
	v16 =	vadd.f32 $1.000000010e-07, v16  }
0x1c6: {  	v20 =	vmax.f32 v41, $0.0e+00;
	v7 =	vmul.f32 v14, v14;
	v14 =	vmin.f32 v5, $0.0e+00  }
0x1c7: {  	v55 =	vadd.f32 v34, v31;
	v5 =	vmax.f32 v5, $4.480000000e+02;
	v4 =	vadd.f32 v14, v4  }
0x1c8: {  	v61 =	vmul.f32 v9, v16;
	v14 =	vsub.f32 v10, v28;
	v2 =	vadd.f32 v5, v2  }
0x1c9: {  	v5 =	vmin.f32 v1, $0.0e+00;
	v1 =	vmax.f32 v1, $4.480000000e+02;
	v28 =	vsub.f32 v10, v6  }
0x1ca: {  	v10 =	vmax.f32 v10, $4.480000000e+02;
	v7 =	vadd.f32 v60, v7;
	(erf) = vrcp.f32 v61  }
0x1cb: {  	v14 =	vand.u32 $0x7FFFFFFF, v14;
	v63 =	vadd.f32 v5, v4;
	v1 =	vadd.f32 v1, v2  }
0x1cc: {  	v30 =	vmax.f32 v28, $0.0e+00;
	v7 =	vmul.f32 $2.500000000e-01, v7;
	v62 =	vmin.f32 v14, $1.000000000e+00  }
0x1cd: {  	v11 =	vadd.f32 v30, v11;
	v4 =	vsub.f32 v14, v62;
	v14 =	vmul.f32 v62, v62  }
0x1ce: {  	v48 =	vadd.f32 v47, v63;
	v5 =	vmul.f32 v9, v7;
	v7 =	vand.u32 $0x7FFFFFFF, v19  }
0x1cf: {  	v9 =	vmul.f32 v16, v18;
	v4 =	vadd.f32 v4, v12;
	v12 =	vmin.f32 v7, $1.000000000e+00  }
0x1d0: {  	vm4 =	vge.f32 v28, $1.000000000e+00;
	v1 =	vadd.f32 v10, v1;
	v7 =	vsub.f32 v7, v12  }
0x1d1: {  	v2 =	vsub.f32 v5, v9;
	v9 =	vadd.f32 v14, v13;
	v12 =	vmul.f32 v12, v12  }
0x1d2: {  	v62 =	vmin.f32 v3, $0.0e+00;
	v5 =	vld [tilespmem:s20+$0x2980];
	v13 =	vadd.f32 v7, v4;
	v4 =	vand.u32 $0x7FFFFFFF, v27  }
0x1d3: {  	v9 =	vadd.f32 v12, v9;
	v12 =	vsub.f32 v8, v3;
	v8 =	vmax.f32 v8, $4.480000000e+02  }
0x1d4: {  	v7 =	vld [tilespmem:s20+$0x180];
	v3 =	vmax.f32 v3, $4.480000000e+02;
	v14 =	vpop (erf);
	v16 =	vmin.f32 v4, $1.000000000e+00;
	v1 =	vadd.f32 v8, v1  }
0x1d5: {  	v14 =	vmul.f32 v14, v2;
	v29 =	vsub.f32 v4, v16;
	v33 =	vmax.f32 v12, $0.0e+00  }
0x1d6: {  	v4 =	vld [tilespmem:s20+$0x5180];
	v16 =	vmul.f32 v16, v16;
	vm5 =	vge.f32 v12, $1.000000000e+00;
	v11 =	vadd.f32 v33, v11  }
0x1d7: {  	v2 =	vld [tilespmem:s20+$0x7980];
	v38 =	vsel vm5, $0x3F800000, v0;
	v45 =	vmax.f32 v5, v35;
	v13 =	vadd.f32 v29, v13  }
0x1d8: {  	v14 =	vadd.f32 v14, v15;
	v9 =	vadd.f32 v16, v9;
	v15 =	vsel vm4, $0x3F800000, v0  }
0x1d9: {  	v53 =	vmin.f32 v5, v35;
	v11 =	vadd.f32 v11, v15;
	v19 =	vsub.f32 v7, v31  }
0x1da: {  	v43 =	vmax.f32 v7, v31;
	v13 =	vadd.f32 v17, v13;
	v9 =	vadd.f32 v37, v9  }
0x1db: {  	v51 =	vmin.f32 v7, v31;
	v17 =	vadd.f32 v58, v48;
	v12 =	vsub.f32 v4, v7  }
0x1dc: {  	v15 =	vsub.f32 v2, v5;
	v11 =	vadd.f32 v11, v38;
	v42 =	vmin.f32 v4, v34  }
0x1dd: {  	v44 =	vmin.f32 v2, v36;
	v56 =	vadd.f32 v2, v5;
	v16 =	vsub.f32 v2, v36  }
0x1de: {  	v52 =	vmax.f32 v2, v36;
	v33 =	vsub.f32 v7, v4;
	v22 =	vsub.f32 v42, v43  }
0x1df: {  	v46 =	vsub.f32 v44, v45;
	v12 =	vmax.f32 v12, $0.0e+00;
	v15 =	vmax.f32 v15, $0.0e+00  }
0x1e0: {  	v54 =	vsub.f32 v52, v53;
	v12 =	vmul.f32 v15, v12;
	v15 =	vmul.f32 v20, v40  }
0x1e1: {  	v53 =	vmin.f32 v7, $0.0e+00;
	v49 =	vmax.f32 v22, $0.0e+00;
	v50 =	vmax.f32 v46, $0.0e+00  }
0x1e2: {  	v20 =	vmul.f32 v50, v49;
	v12 =	vadd.f32 v15, v12;
	v15 =	vmax.f32 v4, v34  }
0x1e3: {  	v59 =	vsub.f32 v56, v57;
	v16 =	vand.u32 $0x7FFFFFFF, v16;
	v15 =	vsub.f32 v15, v51  }
0x1e4: {  	v36 =	vmax.f32 v33, $0.0e+00;
	v10 =	vsub.f32 v12, v20;
	v12 =	vadd.f32 v4, v7  }
0x1e5: {  	vm6 =	vge.f32 v33, $1.000000000e+00;
	v21 =	vmul.f32 v54, v54;
	v15 =	vmul.f32 v15, v15  }
0x1e6: {  	v31 =	vmin.f32 v16, $1.000000000e+00;
	v11 =	vadd.f32 v36, v11;
	v12 =	vsub.f32 v12, v55  }
0x1e7: {  	v46 =	vsel vm6, $0x3F800000, v0;
	v60 =	vmul.f32 v59, v59;
	v15 =	vadd.f32 v21, v15  }
0x1e8: {  	v16 =	vsub.f32 v16, v31;
	v10 =	vadd.f32 $1.000000010e-07, v10;
	v8 =	vmul.f32 v12, v12  }
0x1e9: {  	v12 =	vmin.f32 v6, $0.0e+00;
	v6 =	vmax.f32 v6, $4.480000000e+02;
	v15 =	vadd.f32 $1.000000010e-07, v15  }
0x1ea: {  	v7 =	vmax.f32 v7, $4.480000000e+02;
	v12 =	vadd.f32 v12, v17;
	v1 =	vadd.f32 v6, v1  }
0x1eb: {  	v8 =	vadd.f32 v60, v8;
	v60 =	vmin.f32 v5, $0.0e+00;
	v61 =	vmul.f32 v10, v15  }
0x1ec: {  	v6 =	vadd.f32 v62, v12;
	v12 =	vand.u32 $0x7FFFFFFF, v19;
	v63 =	vadd.f32 v3, v1  }
0x1ed: {  	v3 =	vsub.f32 v5, v35;
	v35 =	vsub.f32 v5, v2;
	v5 =	vmax.f32 v5, $4.480000000e+02  }
0x1ee: {  	v8 =	vmul.f32 $2.500000000e-01, v8;
	v1 =	vmin.f32 v12, $1.000000000e+00;
	(erf) = vrcp.f32 v61  }
0x1ef: {  	v12 =	vsub.f32 v12, v1;
	v1 =	vmul.f32 v1, v1;
	v6 =	vadd.f32 v53, v6  }
0x1f0: {  	v32 =	vld [tilespmem:s21+$0xF000];
	v7 =	vadd.f32 v7, v63;
	v8 =	vmul.f32 v10, v8;
	v10 =	vmul.f32 v15, v20  }
0x1f1: {  	v37 =	vld [tilespmem:s21+$0xF180];
	v3 =	vand.u32 $0x7FFFFFFF, v3;
	v15 =	vsub.f32 v4, v34;
	v12 =	vadd.f32 v12, v13  }
0x1f2: {  	v34 =	vld [tilespmem:s21+$0xF100];
	v1 =	vadd.f32 v1, v9;
	v10 =	vsub.f32 v8, v10;
	v8 =	vmin.f32 v3, $1.000000000e+00  }
0x1f3: {  	v9 =	vld [tilespmem:s20+$0x200];
	v6 =	vadd.f32 v60, v6;
	v13 =	vand.u32 $0x7FFFFFFF, v15;
	v3 =	vsub.f32 v3, v8  }
0x1f4: {  	v5 =	vadd.f32 v5, v7;
	v15 =	vmul.f32 v8, v8;
	v29 =	vmin.f32 v13, $1.000000000e+00;
	v8 =	vld [tilespmem:s20+$0x2A00]  }
0x1f5: {  	vm7 =	vge.f32 v35, $1.000000000e+00;
	v13 =	vsub.f32 v13, v29;
	v12 =	vadd.f32 v3, v12;
	v3 =	vld [tilespmem:s20+$0x5200]  }
0x1f6: {  	v7 =	vmin.f32 v4, $0.0e+00;
	v4 =	vmax.f32 v4, $4.480000000e+02;
	v15 =	vadd.f32 v15, v1;
	v1 =	vld [tilespmem:s20+$0x7A00]  }
0x1f7: {  	v6 =	vadd.f32 v7, v6;
	v12 =	vadd.f32 v13, v12;
	v13 =	vmul.f32 v29, v29  }
0x1f8: {  	v58 =	vsel vm7, $0x3F800000, v0;
	v4 =	vadd.f32 v4, v5;
	v56 =	vadd.f32 v34, v32  }
0x1f9: {  	v43 =	vmax.f32 v9, v32;
	v50 =	vmin.f32 v9, v32;
	v30 =	vpop (erf);
	v13 =	vadd.f32 v13, v15  }
0x1fa: {  	v10 =	vmul.f32 v30, v10;
	v12 =	vadd.f32 v16, v12;
	v38 =	vsub.f32 v3, v9  }
0x1fb: {  	v39 =	vsub.f32 v1, v8;
	v42 =	vmin.f32 v3, v34;
	v44 =	vmin.f32 v1, v37  }
0x1fc: {  	v15 =	vld [tilespmem:s21+$0xF080];
	v49 =	vmax.f32 v3, v34;
	v55 =	vadd.f32 v3, v9;
	v57 =	vadd.f32 v1, v8  }
0x1fd: {  	v28 =	vsub.f32 v9, v3;
	v10 =	vadd.f32 v10, v14;
	v14 =	vmul.f32 v31, v31  }
0x1fe: {  	v51 =	vmax.f32 v1, v37;
	v29 =	vsub.f32 v8, v1;
	v24 =	vsub.f32 v42, v43  }
0x1ff: {  	v18 =	vmax.f32 v38, $0.0e+00;
	v13 =	vadd.f32 v14, v13;
	v14 =	vmax.f32 v35, $0.0e+00  }
0x200: {  	v40 =	vmax.f32 v39, $0.0e+00;
	v16 =	vsub.f32 v55, v56;
	v11 =	vadd.f32 v14, v11  }
0x201: {  	v30 =	vmax.f32 v28, $0.0e+00;
	v14 =	vsub.f32 v34, v32;
	v41 =	vsub.f32 v37, v15  }
0x202: {  	v33 =	vmax.f32 v29, $0.0e+00;
	vm8 =	vge.f32 v28, $1.000000000e+00;
	v18 =	vmul.f32 v40, v18  }
0x203: {  	v27 =	vmax.f32 v8, v15;
	v14 =	vmax.f32 v14, $0.0e+00;
	v23 =	vmax.f32 v41, $0.0e+00  }
0x204: {  	v52 =	vmin.f32 v8, v15;
	v59 =	vadd.f32 v37, v15;
	v14 =	vmul.f32 v23, v14  }
0x205: {  	v47 =	vmax.f32 v24, $0.0e+00;
	v45 =	vsub.f32 v44, v27;
	v54 =	vsub.f32 v51, v52  }
0x206: {  	v16 =	vmul.f32 v16, v16;
	v14 =	vadd.f32 v14, v18;
	v18 =	vsub.f32 v49, v50  }
0x207: {  	v61 =	vsub.f32 v57, v59;
	v48 =	vmax.f32 v45, $0.0e+00;
	v23 =	vmul.f32 v54, v54  }
0x208: {  	v24 =	vsub.f32 v9, v32;
	v20 =	vmul.f32 v48, v47;
	v18 =	vmul.f32 v18, v18  }
0x209: {  	v27 =	vsub.f32 v1, v37;
	v11 =	vadd.f32 v11, v46;
	v62 =	vmul.f32 v61, v61  }
0x20a: {  	v55 =	vmin.f32 v3, $0.0e+00;
	v14 =	vsub.f32 v14, v20;
	v18 =	vadd.f32 v23, v18  }
0x20b: {  	v35 =	vmin.f32 v9, $0.0e+00;
	v11 =	vadd.f32 v11, v58;
	v7 =	vadd.f32 v62, v16  }
0x20c: {  	v9 =	vmax.f32 v9, $4.480000000e+02;
	v14 =	vadd.f32 $1.000000010e-07, v14;
	v18 =	vadd.f32 $1.000000010e-07, v18  }
0x20d: {  	v54 =	vmin.f32 v8, $0.0e+00;
	v11 =	vadd.f32 v30, v11;
	v5 =	vmul.f32 $2.500000000e-01, v7  }
0x20e: {  	v7 =	vsub.f32 v8, v15;
	v23 =	vmin.f32 v2, $0.0e+00;
	v63 =	vmul.f32 v14, v18  }
0x20f: {  	v2 =	vmax.f32 v2, $4.480000000e+02;
	v16 =	vadd.f32 v23, v6;
	v6 =	vand.u32 $0x7FFFFFFF, v24  }
0x210: {  	v2 =	vadd.f32 v2, v4;
	v7 =	vand.u32 $0x7FFFFFFF, v7;
	(erf) = vrcp.f32 v63  }
0x211: {  	v4 =	vmul.f32 v14, v5;
	v5 =	vmin.f32 v6, $1.000000000e+00;
	v25 =	vmin.f32 v7, $1.000000000e+00  }
0x212: {  	v31 =	vld [tilespmem:s21+$0x10400];
	v8 =	vmax.f32 v8, $4.480000000e+02;
	v6 =	vsub.f32 v6, v5;
	v7 =	vsub.f32 v7, v25  }
0x213: {  	v5 =	vmul.f32 v5, v5;
	v2 =	vadd.f32 v9, v2;
	v14 =	vsub.f32 v3, v34;
	v34 =	vld [tilespmem:s21+$0x10500]  }
0x214: {  	v17 =	vmul.f32 v25, v25;
	v15 =	vmul.f32 v18, v20;
	v12 =	vadd.f32 v6, v12  }
0x215: {  	v13 =	vadd.f32 v5, v13;
	v6 =	vld [tilespmem:s20+$0x280];
	v2 =	vadd.f32 v8, v2;
	v14 =	vand.u32 $0x7FFFFFFF, v14  }
0x216: {  	v4 =	vsub.f32 v4, v15;
	v15 =	vmin.f32 v14, $1.000000000e+00;
	v12 =	vadd.f32 v7, v12  }
0x217: {  	v3 =	vmax.f32 v3, $4.480000000e+02;
	v13 =	vadd.f32 v17, v13;
	v14 =	vsub.f32 v14, v15  }
0x218: {  	vm9 =	vge.f32 v29, $1.000000000e+00;
	v32 =	vld [tilespmem:s21+$0x10480];
	v2 =	vadd.f32 v3, v2;
	v38 =	vsub.f32 v34, v31  }
0x219: {  	v7 =	vld [tilespmem:s20+$0x2A80];
	v51 =	vadd.f32 v34, v31;
	v12 =	vadd.f32 v14, v12;
	v14 =	vmul.f32 v15, v15;
	v5 =	vpop (erf)  }
0x21a: {  	v15 =	vand.u32 $0x7FFFFFFF, v27;
	v41 =	vmax.f32 v6, v31;
	v26 =	vmul.f32 v5, v4;
	v5 =	vld [tilespmem:s20+$0x5280]  }
0x21b: {  	v45 =	vmin.f32 v6, v31;
	v13 =	vadd.f32 v14, v13;
	v14 =	vmin.f32 v15, $1.000000000e+00;
	v4 =	vld [tilespmem:s20+$0x7A80]  }
0x21c: {  	v56 =	vsub.f32 v6, v31;
	v15 =	vsub.f32 v15, v14;
	v14 =	vmul.f32 v14, v14  }
0x21d: {  	v17 =	vmax.f32 v38, $0.0e+00;
	v18 =	vadd.f32 v26, v10;
	v10 =	vadd.f32 v33, v11  }
0x21e: {  	v12 =	vadd.f32 v15, v12;
	v13 =	vadd.f32 v14, v13;
	v14 =	vsel vm8, $0x3F800000, v0  }
0x21f: {  	v43 =	vmax.f32 v7, v32;
	v11 =	vld [tilespmem:s21+$0x10580];
	v10 =	vadd.f32 v10, v14;
	v14 =	vsub.f32 v5, v6  }
0x220: {  	v15 =	vsel vm9, $0x3F800000, v0;
	v36 =	vsub.f32 v4, v7;
	v50 =	vadd.f32 v5, v6  }
0x221: {  	v40 =	vmin.f32 v5, v34;
	v52 =	vadd.f32 v4, v7;
	v58 =	vsub.f32 v5, v34  }
0x222: {  	v44 =	vmax.f32 v5, v34;
	v10 =	vadd.f32 v10, v15;
	v15 =	vadd.f32 v35, v16  }
0x223: {  	v47 =	vmin.f32 v7, v32;
	v16 =	vsub.f32 v40, v41;
	v22 =	vsub.f32 v44, v45  }
0x224: {  	v14 =	vmax.f32 v14, $0.0e+00;
	v37 =	vmax.f32 v36, $0.0e+00;
	v39 =	vsub.f32 v11, v32  }
0x225: {  	v42 =	vmin.f32 v4, v11;
	v46 =	vmax.f32 v4, v11;
	v53 =	vadd.f32 v11, v32  }
0x226: {  	v60 =	vand.u32 $0x7FFFFFFF, v58;
	v11 =	vsub.f32 v4, v11;
	v14 =	vmul.f32 v37, v14  }
0x227: {  	v48 =	vsub.f32 v46, v47;
	v15 =	vadd.f32 v54, v15;
	v20 =	vmax.f32 v39, $0.0e+00  }
0x228: {  	v62 =	vmin.f32 v60, $1.000000000e+00;
	v17 =	vmul.f32 v20, v17;
	v20 =	vsub.f32 v42, v43  }
0x229: {  	v16 =	vmax.f32 v16, $0.0e+00;
	v9 =	vmul.f32 v22, v22;
	v30 =	vsub.f32 v60, v62  }
0x22a: {  	v49 =	vmul.f32 v48, v48;
	v15 =	vadd.f32 v55, v15;
	v20 =	vmax.f32 v20, $0.0e+00  }
0x22b: {  	v42 =	vsub.f32 v6, v5;
	v14 =	vadd.f32 v17, v14;
	v16 =	vmul.f32 v20, v16  }
0x22c: {  	v11 =	vand.u32 $0x7FFFFFFF, v11;
	v17 =	vsub.f32 v52, v53;
	v20 =	vsub.f32 v50, v51  }
0x22d: {  	v33 =	vmin.f32 v11, $1.000000000e+00;
	v9 =	vadd.f32 v49, v9;
	v14 =	vsub.f32 v14, v16  }
0x22e: {  	v11 =	vsub.f32 v11, v33;
	v17 =	vmul.f32 v17, v17;
	v20 =	vmul.f32 v20, v20  }
0x22f: {  	v9 =	vadd.f32 $1.000000010e-07, v9;
	v14 =	vadd.f32 $1.000000010e-07, v14  }
0x230: {  	v49 =	vsub.f32 v7, v4;
	v50 =	vmax.f32 v42, $0.0e+00;
	v17 =	vadd.f32 v17, v20  }
0x231: {  	vm10 =	vge.f32 v42, $1.000000000e+00;
	v10 =	vadd.f32 v50, v10;
	v8 =	vmul.f32 v14, v9  }
0x232: {  	v63 =	vld [tilespmem:s21+$0x11800];
	v52 =	vmax.f32 v49, $0.0e+00;
	vm11 =	vge.f32 v49, $1.000000000e+00;
	v3 =	vmul.f32 $2.500000000e-01, v17  }
0x233: {  	v31 =	vld [tilespmem:s21+$0x11900];
	(erf) = vrcp.f32 v8;
	v8 =	vmin.f32 v1, $0.0e+00;
	v1 =	vmax.f32 v1, $4.480000000e+02  }
0x234: {  	v34 =	vld [tilespmem:s21+$0x11980];
	v14 =	vmul.f32 v14, v3;
	v15 =	vadd.f32 v8, v15;
	v8 =	vand.u32 $0x7FFFFFFF, v56  }
0x235: {  	v3 =	vld [tilespmem:s20+$0x2B00];
	v17 =	vadd.f32 v1, v2;
	v2 =	vsub.f32 v7, v32;
	v1 =	vmin.f32 v8, $1.000000000e+00  }
0x236: {  	v10 =	vadd.f32 v52, v10;
	v9 =	vmul.f32 v9, v16;
	v32 =	vld [tilespmem:s21+$0x11880];
	v57 =	vsub.f32 v8, v1  }
0x237: {  	v56 =	vsel vm10, $0x3F800000, v0;
	v8 =	vld [tilespmem:s20+$0x300];
	v1 =	vmul.f32 v1, v1;
	v19 =	vand.u32 $0x7FFFFFFF, v2  }
0x238: {  	v9 =	vsub.f32 v14, v9;
	v2 =	vld [tilespmem:s20+$0x5300];
	v14 =	vmin.f32 v19, $1.000000000e+00;
	v12 =	vadd.f32 v57, v12  }
0x239: {  	v13 =	vadd.f32 v1, v13;
	v59 =	vsub.f32 v19, v14;
	v1 =	vld [tilespmem:s20+$0x7B00];
	v14 =	vmul.f32 v14, v14  }
0x23a: {  	v53 =	vadd.f32 v31, v63;
	v58 =	vsel vm11, $0x3F800000, v0;
	v10 =	vadd.f32 v10, v56  }
0x23b: {  	v12 =	vadd.f32 v59, v12;
	v13 =	vadd.f32 v14, v13;
	v14 =	vmul.f32 v62, v62  }
0x23c: {  	v10 =	vadd.f32 v10, v58;
	v36 =	vsub.f32 v34, v32;
	v40 =	vmax.f32 v3, v32  }
0x23d: {  	v47 =	vmin.f32 v3, v32;
	v12 =	vadd.f32 v30, v12;
	v13 =	vadd.f32 v14, v13  }
0x23e: {  	v37 =	vmin.f32 v2, v31;
	v14 =	vsub.f32 v2, v8;
	v35 =	vsub.f32 v1, v3  }
0x23f: {  	v38 =	vmax.f32 v8, v63;
	v11 =	vadd.f32 v11, v12;
	v12 =	vsub.f32 v31, v63  }
0x240: {  	v55 =	vadd.f32 v34, v32;
	v23 =	vmax.f32 v36, $0.0e+00;
	v24 =	vsub.f32 v37, v38  }
0x241: {  	v14 =	vmax.f32 v14, $0.0e+00;
	v21 =	vmax.f32 v35, $0.0e+00;
	v12 =	vmax.f32 v12, $0.0e+00  }
0x242: {  	v39 =	vmin.f32 v1, v34;
	v14 =	vmul.f32 v21, v14;
	v12 =	vmul.f32 v23, v12  }
0x243: {  	v45 =	vmin.f32 v8, v63;
	v46 =	vmax.f32 v1, v34;
	v41 =	vsub.f32 v39, v40  }
0x244: {  	v43 =	vmax.f32 v24, $0.0e+00;
	v12 =	vadd.f32 v12, v14;
	v14 =	vmax.f32 v2, v31  }
0x245: {  	v48 =	vsub.f32 v46, v47;
	v44 =	vmax.f32 v41, $0.0e+00;
	v14 =	vsub.f32 v14, v45  }
0x246: {  	v59 =	vmin.f32 v6, $0.0e+00;
	v51 =	vadd.f32 v2, v8;
	v21 =	vmul.f32 v44, v43  }
0x247: {  	v15 =	vadd.f32 v59, v15;
	v23 =	vmul.f32 v48, v48;
	v14 =	vmul.f32 v14, v14  }
0x248: {  	v16 =	vmul.f32 v33, v33;
	v54 =	vadd.f32 v1, v3;
	v25 =	vsub.f32 v51, v53  }
0x249: {  	v60 =	vmin.f32 v7, $0.0e+00;
	v12 =	vsub.f32 v12, v21;
	v14 =	vadd.f32 v23, v14  }
0x24a: {  	v7 =	vmax.f32 v7, $4.480000000e+02;
	v13 =	vadd.f32 v16, v13;
	v16 =	vsub.f32 v54, v55  }
0x24b: {  	v6 =	vmax.f32 v6, $4.480000000e+02;
	v61 =	vpop (erf);
	v12 =	vadd.f32 $1.000000010e-07, v12;
	v14 =	vadd.f32 $1.000000010e-07, v14  }
0x24c: {  	v6 =	vadd.f32 v6, v17;
	v9 =	vmul.f32 v61, v9;
	v25 =	vmul.f32 v25, v25  }
0x24d: {  	v30 =	vsub.f32 v8, v2;
	v16 =	vmul.f32 v16, v16;
	v57 =	vmul.f32 v12, v14  }
0x24e: {  	v15 =	vadd.f32 v60, v15;
	v61 =	vmin.f32 v5, $0.0e+00;
	v6 =	vadd.f32 v7, v6  }
0x24f: {  	v5 =	vmax.f32 v5, $4.480000000e+02;
	v16 =	vadd.f32 v16, v25;
	(erf) = vrcp.f32 v57  }
0x250: {  	v33 =	vmax.f32 v30, $0.0e+00;
	v39 =	vmin.f32 v8, $0.0e+00;
	v9 =	vadd.f32 v9, v18  }
0x251: {  	v7 =	vadd.f32 v61, v15;
	v5 =	vadd.f32 v5, v6;
	v16 =	vmul.f32 $2.500000000e-01, v16  }
0x252: {  	v15 =	vsub.f32 v8, v63;
	v6 =	vmin.f32 v4, $0.0e+00;
	v4 =	vmax.f32 v4, $4.480000000e+02  }
0x253: {  	v63 =	vadd.f32 v4, v5;
	v12 =	vmul.f32 v12, v16;
	v14 =	vmul.f32 v14, v21  }
0x254: {  	v10 =	vadd.f32 v33, v10;
	v8 =	vmax.f32 v8, $4.480000000e+02;
	v62 =	vadd.f32 v6, v7  }
0x255: {  	v8 =	vadd.f32 v8, v63;
	v12 =	vsub.f32 v12, v14;
	v14 =	vand.u32 $0x7FFFFFFF, v15  }
0x256: {  	v16 =	vadd.f32 v39, v62;
	v15 =	vsub.f32 v3, v32;
	v5 =	vmin.f32 v14, $1.000000000e+00  }
0x257: {  	v58 =	vmin.f32 v3, $0.0e+00;
	v32 =	vsub.f32 v3, v1;
	v6 =	vsub.f32 v14, v5  }
0x258: {  	v37 =	vld [tilespmem:s21+$0x12D80];
	v7 =	vand.u32 $0x7FFFFFFF, v15;
	v5 =	vmul.f32 v5, v5;
	v14 =	vsub.f32 v2, v31;
	v4 =	vpop (erf)  }
0x259: {  	v15 =	vsub.f32 v1, v34;
	v34 =	vld [tilespmem:s21+$0x12C80];
	v4 =	vmul.f32 v4, v12;
	v12 =	vmin.f32 v7, $1.000000000e+00  }
0x25a: {  	vm12 =	vge.f32 v30, $1.000000000e+00;
	v6 =	vadd.f32 v6, v11;
	v11 =	vsub.f32 v7, v12  }
0x25b: {  	v35 =	vld [tilespmem:s21+$0x12D00];
	v9 =	vadd.f32 v4, v9;
	v4 =	vadd.f32 v5, v13;
	v5 =	vand.u32 $0x7FFFFFFF, v14  }
0x25c: {  	v12 =	vmul.f32 v12, v12;
	v11 =	vadd.f32 v11, v6;
	v13 =	vmin.f32 v5, $1.000000000e+00;
	v6 =	vld [tilespmem:s20+$0x2B80]  }
0x25d: {  	v3 =	vmax.f32 v3, $4.480000000e+02;
	v16 =	vadd.f32 v58, v16;
	v14 =	vsub.f32 v5, v13;
	v5 =	vld [tilespmem:s20+$0x5380]  }
0x25e: {  	v36 =	vmax.f32 v32, $0.0e+00;
	v41 =	vsub.f32 v37, v34;
	v12 =	vadd.f32 v12, v4;
	v4 =	vld [tilespmem:s20+$0x7B80]  }
0x25f: {  	v7 =	vld [tilespmem:s20+$0x380];
	v13 =	vmul.f32 v13, v13;
	v11 =	vadd.f32 v14, v11;
	v14 =	vand.u32 $0x7FFFFFFF, v15  }
0x260: {  	v3 =	vadd.f32 v3, v8;
	v10 =	vadd.f32 v36, v10;
	v31 =	vmin.f32 v14, $1.000000000e+00  }
0x261: {  	v42 =	vmax.f32 v41, $0.0e+00;
	v12 =	vadd.f32 v13, v12;
	v14 =	vsub.f32 v14, v31  }
0x262: {  	v15 =	vld [tilespmem:s21+$0x12C00];
	v13 =	vmul.f32 v31, v31;
	v46 =	vmax.f32 v6, v34;
	v51 =	vmin.f32 v6, v34  }
0x263: {  	v43 =	vmin.f32 v5, v35;
	v45 =	vmin.f32 v4, v37;
	v11 =	vadd.f32 v14, v11  }
0x264: {  	v50 =	vmax.f32 v4, v37;
	v12 =	vadd.f32 v13, v12;
	v14 =	vsub.f32 v5, v7  }
0x265: {  	v13 =	vsel vm12, $0x3F800000, v0;
	v47 =	vsub.f32 v45, v46;
	v53 =	vsub.f32 v50, v51  }
0x266: {  	v48 =	vmax.f32 v5, v35;
	v10 =	vadd.f32 v10, v13;
	v13 =	vsub.f32 v4, v6  }
0x267: {  	v40 =	vsub.f32 v35, v15;
	v44 =	vmax.f32 v7, v15;
	v49 =	vmin.f32 v7, v15  }
0x268: {  	v14 =	vmax.f32 v14, $0.0e+00;
	v19 =	vsub.f32 v43, v44;
	v13 =	vmax.f32 v13, $0.0e+00  }
0x269: {  	v52 =	vsub.f32 v48, v49;
	v13 =	vmul.f32 v13, v14;
	v14 =	vmax.f32 v40, $0.0e+00  }
0x26a: {  	v57 =	vadd.f32 v37, v34;
	v20 =	vmax.f32 v47, $0.0e+00;
	v14 =	vmul.f32 v42, v14  }
0x26b: {  	v24 =	vmul.f32 v53, v53;
	v19 =	vmax.f32 v19, $0.0e+00;
	v18 =	vmul.f32 v52, v52  }
0x26c: {  	v56 =	vadd.f32 v4, v6;
	v19 =	vmul.f32 v20, v19;
	v13 =	vadd.f32 v14, v13  }
0x26d: {  	v54 =	vadd.f32 v35, v15;
	v55 =	vadd.f32 v24, v18  }
0x26e: {  	v14 =	vadd.f32 v5, v7;
	v13 =	vsub.f32 v13, v19  }
0x26f: {  	v18 =	vsub.f32 v56, v57;
	v17 =	vadd.f32 $1.000000010e-07, v55  }
0x270: {  	v59 =	vmin.f32 v2, $0.0e+00;
	v14 =	vsub.f32 v14, v54;
	v13 =	vadd.f32 $1.000000010e-07, v13  }
0x271: {  	vm13 =	vge.f32 v32, $1.000000000e+00;
	v16 =	vadd.f32 v59, v16;
	v18 =	vmul.f32 v18, v18  }
0x272: {  	v2 =	vmax.f32 v2, $4.480000000e+02;
	v14 =	vmul.f32 v14, v14;
	v8 =	vmul.f32 v13, v17  }
0x273: {  	v38 =	vsel vm13, $0x3F800000, v0;
	v2 =	vadd.f32 v2, v3;
	v60 =	vsub.f32 v5, v35  }
0x274: {  	v15 =	vsub.f32 v7, v15;
	(erf) = vrcp.f32 v8;
	v8 =	vadd.f32 v18, v14  }
0x275: {  	v61 =	vsub.f32 v4, v37;
	v62 =	vsub.f32 v6, v4;
	v14 =	vmin.f32 v1, $0.0e+00  }
0x276: {  	v1 =	vmax.f32 v1, $4.480000000e+02;
	v3 =	vmul.f32 $2.500000000e-01, v8;
	v8 =	vand.u32 $0x7FFFFFFF, v15  }
0x277: {  	v2 =	vadd.f32 v1, v2;
	v15 =	vsub.f32 v6, v34;
	v1 =	vmin.f32 v8, $1.000000000e+00  }
0x278: {  	v10 =	vadd.f32 v10, v38;
	v8 =	vsub.f32 v8, v1  }
0x279: {  	v3 =	vmul.f32 v13, v3;
	v1 =	vmul.f32 v1, v1;
	v15 =	vand.u32 $0x7FFFFFFF, v15  }
0x27a: {  	v13 =	vmul.f32 v17, v19;
	v8 =	vadd.f32 v8, v11;
	v11 =	vmin.f32 v15, $1.000000000e+00  }
0x27b: {  	v1 =	vadd.f32 v1, v12;
	v12 =	vsub.f32 v15, v11  }
0x27c: {  	v3 =	vsub.f32 v3, v13;
	v13 =	vand.u32 $0x7FFFFFFF, v60;
	v11 =	vmul.f32 v11, v11  }
0x27d: {  	v14 =	vadd.f32 v14, v16;
	v16 =	vmin.f32 v13, $1.000000000e+00;
	v8 =	vadd.f32 v12, v8  }
0x27e: {  	v15 =	vpop (erf);
	v12 =	vsub.f32 v13, v16;
	v1 =	vadd.f32 v11, v1  }
0x27f: {  	v11 =	vand.u32 $0x7FFFFFFF, v61;
	v13 =	vsub.f32 v7, v5;
	v3 =	vmul.f32 v15, v3  }
0x280: {  	v15 =	vmin.f32 v11, $1.000000000e+00;
	v8 =	vadd.f32 v12, v8;
	v12 =	vmul.f32 v16, v16  }
0x281: {  	v11 =	vsub.f32 v11, v15;
	v63 =	vmax.f32 v13, $0.0e+00;
	vm14 =	vge.f32 v13, $1.000000000e+00  }
0x282: {  	v1 =	vadd.f32 v12, v1;
	v12 =	vmul.f32 v15, v15;
	v15 =	vadd.f32 v63, v10  }
0x283: {  	v10 =	vadd.f32 v3, v9;
	v3 =	vadd.f32 v11, v8;
	v8 =	vmax.f32 v62, $0.0e+00  }
0x284: {  	v9 =	vmin.f32 v7, $0.0e+00;
	v7 =	vmax.f32 v7, $4.480000000e+02;
	v8 =	vadd.f32 v8, v15  }
0x285: {  	s0 =	sadd.s32 $0x2, s0;
	v11 =	vsel vm14, $0x3F800000, v0;
	v9 =	vadd.f32 v9, v14;
	v2 =	vadd.f32 v7, v2  }
0x286: {  	p0 =	slt.u32 s0, $0x4C;
	v7 =	vadd.f32 v8, v11;
	v8 =	vmin.f32 v6, $0.0e+00;
	v6 =	vmax.f32 v6, $4.480000000e+02  }
.Ltmp0:
0x287: {  	vm15 =	vge.f32 v62, $1.000000000e+00;
	v8 =	vadd.f32 v8, v9;
	v2 =	vadd.f32 v6, v2;
	(pc) =	sbr.rel @p0 .LBB2_2-.Ltmp0, $4  }
0x288: {  	v1 =	vadd.f32 v12, v1;
	v6 =	vmin.f32 v5, $0.0e+00;
	v5 =	vmax.f32 v5, $4.480000000e+02  }
0x289: {  	v9 =	vsel vm15, $0x3F800000, v0;
	v6 =	vadd.f32 v6, v8;
	v2 =	vadd.f32 v5, v2  }
0x28a: {  	v12 =	vadd.f32 v7, v9;
	v5 =	vmin.f32 v4, $0.0e+00;
	v4 =	vmax.f32 v4, $4.480000000e+02  }
0x28b: {  	s18 =	sadd.s32 $0x20, s18;
	v8 =	vadd.f32 v5, v6;
	v4 =	vadd.f32 v4, v2  }
0x28c: {  	[tilespmem:$0x14000] =	vst v10  }
0x28d: {  	[tilespmem:$0x14080] =	vst v3  }
0x28e: {  	[tilespmem:$0x14100] =	vst v1  }
0x28f: {  	[tilespmem:$0x14180] =	vst v12  }
0x290: {  	[tilespmem:$0x14300] =	vst v0  }
0x291: {  	[tilespmem:$0x14380] =	vst v0;
	s1 =	sadd.s32 $0x1, s1;
	v1 =	vadd.f32 $-1.118208000e+06, v4  }
0x292: {  	[tilespmem:$0x14200] =	vst v8;
	p0 =	sne.s32 s1, s17  }
.Ltmp1:
0x293: {  	[tilespmem:$0x14280] =	vst v1;
	(pc) =	sbr.rel @p0 .LBB2_1-.Ltmp1, $4  }
0x294: {  	[hbm4b:s16+s2] =	stream.linear.scatter [tilespmem:s31], [sflag:$0x1], $0x400, $0x38;
	[tilespmem:$0x14400] =	vst v63  }
0x295: {  	_ =	swait.ge [sflag:s3], $0x400  }
0x296: {  	[sflag:s3] =	ssyncset.done $0x0  }
0x297: {  	[sflag:s3] =	ssyncadd.s32 $0xFFFFFC00  }
0x298: {  	_ =	sfence.sel $0x180000  }
0x299: {  	[bflag:$0x0] =	sbarrier.arrive $0xFFFF  }
0x29a: {  	_ =	strace $0x90000047  }
0x29b: {  	s0 =	stileid.u32;
	[bflag:$0x2] =	sbarrier.arrive $0xFFFF  }
0x29c: {  	p0 =	sne.s32 s0, $0x0;
	s0 =	rddreg [dreg:$0x3]  }
0x29d: {  	s0 =	sadd.s32 @!p0 $0x100000, s0  }
0x29e: {  	[sflag:s0] =	ssyncadd.tile.s32 @!p0 $0x1;
	_ =	shalt  }
.Lfunc_end2:
_tile_overlayer_lowered:
.L_overlay_start_2:
0x29f: {  	(tag) =	ssettag $0x2  }
0x2a0: {  	s0 =	rddreg [dreg:$0x0];
	s2 =	stileid.u32  }
0x2a1: {  	s1 =	rddreg [dreg:$0x1];
	p0 =	sne.s32 s2, $0x0  }
0x2a2: {  	s3 =	rddreg [dreg:$0x2];
	[bflag:$0x3] =	sbarrier.arrive $0xFFFF;
	s2 =	simm.s32 @!p0 $0x1C01  }
0x2a3: {  	[timem:s3], [sflag:s2] =	dma.local @!p0 [hbm:s0], s1  }
0x2a4: {  	s0 =	simm.s32 @!p0 $0x1  }
0x2a5: {  	_ =	swait.ge @!p0 [sflag:s0], s1  }
0x2a6: {  	s1 =	ssub.s32 @!p0 $0x0, s1;
	[sflag:s0] =	ssyncset.done @!p0 $0x0  }
0x2a7: {  	[sflag:s0] =	ssyncadd.s32 @!p0 s1  }
0x2a8: {  	[bflag:$0x3] =	sbarrier.arrive $0xFFFF  }
0x2a9: {  	_ =	shalt  }

</sc_bundles>
